<compile_context>
chip_gen: v7x
topology: tpu7x:2x2x1
jax: 0.10.2.dev20260603
libtpu: 0.0.44.dev20260713+nightly
codegen_flags: <defaults>
</compile_context>

<pallas_src>
import functools

import jax
import jax.numpy as jnp
from jax import lax
from jax.experimental import pallas as pl
from jax.experimental.pallas import tpu as pltpu
from jax.experimental.pallas import tpu_sc as plsc

N = 10000
E = 320000
D = 128
H = 128
O = 128
EPS = 1e-5

BE = 2000

NC = 2
NS = 16
NW = NC * NS
EW = E // NW
CG = 400

_SC_MESH = plsc.VectorSubcoreMesh(
    core_axis_name="c", subcore_axis_name="s", num_cores=NC, num_subcores=NS)


NCHG = EW // CG


def _gather_add_body(a_hbm, b_hbm, dst_hbm, src_hbm, p_hbm,
                     id0, id1, is0, is1, rw0, rw1,
                     semid0, semid1, semis0, semis1,
                     sema0, sema1, semb0, semb1, semw0, semw1):
    wid = lax.axis_index("s") * NC + lax.axis_index("c")
    base = wid * EW
    idd = (id0, id1)
    iss = (is0, is1)
    rws = (rw0, rw1)
    semid = (semid0, semid1)
    semis = (semis0, semis1)
    sema = (sema0, sema1)
    semb = (semb0, semb1)
    semw = (semw0, semw1)

    def _sl(c):
        return pl.ds(base + c * CG, CG)

    def _issue_idx(c, b):
        pltpu.async_copy(dst_hbm.at[_sl(c)], idd[b], semid[b])
        pltpu.async_copy(src_hbm.at[_sl(c)], iss[b], semis[b])

    _issue_idx(0, 0)
    _issue_idx(1, 1)
    pltpu.make_async_copy(dst_hbm.at[_sl(0)], idd[0], semid[0]).wait()
    pltpu.make_async_copy(src_hbm.at[_sl(0)], iss[0], semis[0]).wait()
    pltpu.async_copy(a_hbm.at[idd[0]], rws[0], sema[0])

    def _step(c, b):
        ob = 1 - b
        pltpu.make_async_copy(a_hbm.at[idd[b]], rws[b], sema[b]).wait()
        pltpu.async_copy(b_hbm.at[iss[b]], rws[b], semb[b], add=True)

        @pl.when(c >= 1)
        def _wout_prev():
            pltpu.make_async_copy(rws[ob], p_hbm.at[_sl(c - 1)],
                                  semw[ob]).wait()

        @pl.when(c + 1 < NCHG)
        def _next_a():
            pltpu.make_async_copy(dst_hbm.at[_sl(c + 1)], idd[ob],
                                  semid[ob]).wait()
            pltpu.make_async_copy(src_hbm.at[_sl(c + 1)], iss[ob],
                                  semis[ob]).wait()
            pltpu.async_copy(a_hbm.at[idd[ob]], rws[ob], sema[ob])

        pltpu.make_async_copy(b_hbm.at[iss[b]], rws[b], semb[b]).wait()
        pltpu.async_copy(rws[b], p_hbm.at[_sl(c)], semw[b])

        @pl.when(c + 2 < NCHG)
        def _next_idx():
            _issue_idx(c + 2, b)

    @pl.loop(0, NCHG // 2)
    def _chunk(j):
        _step(j * 2, 0)
        _step(j * 2 + 1, 1)

    c = NCHG - 1
    pltpu.make_async_copy(a_hbm.at[idd[0]], rws[0], sema[0]).wait()
    pltpu.async_copy(b_hbm.at[iss[0]], rws[0], semb[0], add=True).wait()
    pltpu.make_async_copy(rws[1], p_hbm.at[_sl(c - 1)], semw[1]).wait()
    pltpu.sync_copy(rws[0], p_hbm.at[_sl(c)])


FG = 8
NQ = 4
EQ = E // NQ
SCC = 800
NCHUNK = EQ // SCC
GPC = SCC // 16
PCW = 20000
NEP = 500
MINF2 = -8323200


def _bf16max(a_i32, b_i32):
    a = plsc.bitcast(a_i32, jnp.bfloat16)
    b = plsc.bitcast(b_i32, jnp.bfloat16)
    return plsc.bitcast(jnp.maximum(a, b), jnp.int32)


def _scatter_max_body(h_hbm, dst_hbm, out_hbm, xch_hbm,
                      m_v, hb0, hb1, ib0, ib1, pbuf, olo, ohi,
                      semh0, semh1, semi0, semi1):
    c = lax.axis_index("c")
    s = lax.axis_index("s")
    g = s >> 2
    gg = c * 4 + g
    gcol = gg * FG
    q = s & 3
    wid = c * NS + s
    iota = lax.iota(jnp.int32, 16)
    rowpat = iota >> 3
    colpat = iota & 7
    ge8 = iota >= 8
    perm8 = (iota + 8) & 15
    iota8 = iota * 8
    perm8x8 = perm8 * 8
    colvs = [(iota + r) & 7 for r in range(FG)]
    minf = jnp.full((16,), MINF2, jnp.int32)
    hbufs = (hb0, hb1)
    ibufs = (ib0, ib1)
    semhs = (semh0, semh1)
    semis = (semi0, semi1)

    @pl.loop(0, N * FG // 16)
    def _init(j):
        m_v[pl.ds(j * 16, 16)] = minf

    def _issue(cidx, b):
        off = q * EQ + cidx * SCC
        pltpu.async_copy(dst_hbm.at[pl.ds(off, SCC)], ibufs[b], semis[b])
        pltpu.async_copy(h_hbm.at[pl.ds(off, SCC), pl.ds(gcol, FG)],
                         hbufs[b], semhs[b])

    _issue(0, 0)
    _issue(1, 1)

    @pl.loop(0, NCHUNK // 2)
    def _chunk(i):
        for b in range(2):
            cidx = i * 2 + b
            off = q * EQ + cidx * SCC
            ib = ibufs[b]
            hb = hbufs[b]
            pltpu.make_async_copy(dst_hbm.at[pl.ds(off, SCC)], ib,
                                  semis[b]).wait()
            pltpu.make_async_copy(h_hbm.at[pl.ds(off, SCC), pl.ds(gcol, FG)],
                                  hb, semhs[b]).wait()

            @pl.loop(0, GPC, unroll=2)
            def _group(j):
                dst16 = ib[pl.ds(j * 16, 16)]
                dst8 = dst16 * 8
                rowv = j * 16 + iota
                rowr = j * 16 + perm8
                dstr = plsc.load_gather(ib, [rowr])
                eq = dst16 == dstr
                smask = jnp.logical_not(jnp.logical_and(eq, ge8))
                hvs = [plsc.load_gather(hb, [rowv, colvs[r]])
                       for r in range(FG)]
                hrs = [plsc.load_gather(hb, [rowr, colvs[r]])
                       for r in range(FG)]
                for r in range(FG):
                    hv2 = jnp.where(eq, _bf16max(hvs[r], hrs[r]), hvs[r])
                    cur = plsc.load_gather(m_v, [dst8 + colvs[r]])
                    plsc.store_scatter(m_v, [dst8 + colvs[r]],
                                       _bf16max(cur, hv2), mask=smask)

            nxt = cidx + 2

            @pl.when(nxt < NCHUNK)
            def _prefetch():
                _issue(nxt, b)

    pltpu.sync_copy(m_v, xch_hbm.at[wid])
    plsc.subcore_barrier()

    row0 = q * (N // NQ)
    word0 = row0 * FG
    for t in (1, 2, 3):
        pw = wid - q + ((q + t) & 3)
        pltpu.sync_copy(xch_hbm.at[pw, pl.ds(word0, PCW)], pbuf)

        @pl.loop(0, PCW // 16)
        def _mvec(j):
            idx = word0 + j * 16
            m_v[pl.ds(idx, 16)] = _bf16max(m_v[pl.ds(idx, 16)],
                                           pbuf[pl.ds(j * 16, 16)])

    @pl.loop(0, N // NQ // NEP)
    def _ep(k):
        @pl.loop(0, NEP * FG // 16)
        def _ev(j):
            w = m_v[pl.ds(word0 + k * NEP * FG + j * 16, 16)]
            lo = jnp.maximum(
                plsc.bitcast(jnp.left_shift(w, 16), jnp.float32), 0.0)
            hi = jnp.maximum(
                plsc.bitcast(w & jnp.int32(-65536), jnp.float32), 0.0)
            plsc.store_scatter(olo, [j * 2 + rowpat, colpat], lo)
            plsc.store_scatter(ohi, [j * 2 + rowpat, colpat], hi)

        pltpu.sync_copy(olo, out_hbm.at[pl.ds(row0 + k * NEP, NEP),
                                        pl.ds(gcol, FG)])
        pltpu.sync_copy(ohi, out_hbm.at[pl.ds(row0 + k * NEP, NEP),
                                        pl.ds(64 + gcol, FG)])


_scatter_max = functools.partial(
    pl.kernel,
    out_type=(
        jax.ShapeDtypeStruct((N, O), jnp.float32),
        jax.ShapeDtypeStruct((NW, N * FG), jnp.int32),
    ),
    mesh=_SC_MESH,
    scratch_types=[
        pltpu.VMEM((N * FG,), jnp.int32),
        pltpu.VMEM((SCC, FG), jnp.int32),
        pltpu.VMEM((SCC, FG), jnp.int32),
        pltpu.VMEM((SCC,), jnp.int32),
        pltpu.VMEM((SCC,), jnp.int32),
        pltpu.VMEM((PCW,), jnp.int32),
        pltpu.VMEM((NEP, FG), jnp.float32),
        pltpu.VMEM((NEP, FG), jnp.float32),
        pltpu.SemaphoreType.DMA,
        pltpu.SemaphoreType.DMA,
        pltpu.SemaphoreType.DMA,
        pltpu.SemaphoreType.DMA,
    ],
    compiler_params=pltpu.CompilerParams(
        use_tc_tiling_on_sc=False, needs_layout_passes=False),
)(_scatter_max_body)


_gather_add = functools.partial(
    pl.kernel,
    out_type=jax.ShapeDtypeStruct((E, H), jnp.float32),
    mesh=_SC_MESH,
    scratch_types=[
        pltpu.VMEM((CG,), jnp.int32),
        pltpu.VMEM((CG,), jnp.int32),
        pltpu.VMEM((CG,), jnp.int32),
        pltpu.VMEM((CG,), jnp.int32),
        pltpu.VMEM((CG, H), jnp.float32),
        pltpu.VMEM((CG, H), jnp.float32),
    ] + [pltpu.SemaphoreType.DMA] * 10,
)(_gather_add_body)


def _node_tables_kernel(x_ref, gamma_ref, beta_ref, w1d_ref, w1b_ref, b1_ref,
                        a_ref, b_ref):
    x = x_ref[...]
    mean = jnp.mean(x, axis=0, keepdims=True)
    var = jnp.mean((x - mean) ** 2, axis=0, keepdims=True)
    scale = gamma_ref[...] * jax.lax.rsqrt(var + EPS)
    xn = (x - mean) * scale + beta_ref[...]
    a_ref[...] = jnp.dot(xn, w1d_ref[...], preferred_element_type=jnp.float32) + b1_ref[...]
    b_ref[...] = jnp.dot(xn, w1b_ref[...], preferred_element_type=jnp.float32)


def _edge_mlp_kernel(p_ref, w2_ref, b2_ref, h_ref):
    p = jnp.maximum(p_ref[...], 0.0)
    h = jnp.dot(p, w2_ref[...], preferred_element_type=jnp.float32) + b2_ref[...]
    rl = lax.bitcast_convert_type(h[:, :64], jnp.uint32) + 0x8000
    rh = lax.bitcast_convert_type(h[:, 64:], jnp.uint32) + 0x8000
    h_ref[...] = lax.bitcast_convert_type(
        (rl >> 16) | (rh & jnp.uint32(0xFFFF0000)), jnp.int32)


def kernel(x, edge_index, gamma, beta, W1, b1, W2, b2):
    w1d = W1[:D] - W1[D:]
    w1b = W1[D:]
    a_tab, b_tab = pl.pallas_call(
        _node_tables_kernel,
        out_shape=(
            jax.ShapeDtypeStruct((N, H), jnp.float32),
            jax.ShapeDtypeStruct((N, H), jnp.float32),
        ),
    )(x, gamma.reshape(1, D), beta.reshape(1, D), w1d, w1b, b1.reshape(1, H))

    src = edge_index[0]
    dst = edge_index[1]
    p = _gather_add(a_tab, b_tab, dst, src)

    h = pl.pallas_call(
        _edge_mlp_kernel,
        grid=(E // BE,),
        in_specs=[
            pl.BlockSpec((BE, H), lambda i: (i, 0)),
            pl.BlockSpec((H, O), lambda i: (0, 0)),
            pl.BlockSpec((1, O), lambda i: (0, 0)),
        ],
        out_specs=pl.BlockSpec((BE, O // 2), lambda i: (i, 0)),
        out_shape=jax.ShapeDtypeStruct((E, O // 2), jnp.int32),
    )(p, W2, b2.reshape(1, O))

    out, _ = _scatter_max(h, dst)
    return out

# --- scband reference (transcript-rebuilt; emitter-appended) ---
"""Pipeline reference for scband-my-edge-conv-block-13477607375096 (READ-ONLY COPY).

The authoritative reference and input builder live on the scoring server;
editing this copy changes nothing except your own understanding.
"""

import jax, jax.numpy as jnp
import numpy as np

N = 10000
E = 320000
D = 128   # in_channels
H = 128   # edge_filters_num
O = 128   # out_channels
EPS = 1e-5


def setup_inputs(seed: int = 0) -> dict:
    key = jax.random.key(seed)
    ks = jax.random.split(key, 6)
    x = jax.random.normal(ks[0], (N, D), dtype=jnp.float32)
    edge_index = jax.random.randint(ks[1], (2, E), 0, N, dtype=jnp.int32)
    gamma = jnp.ones((D,), dtype=jnp.float32)
    beta = jnp.zeros((D,), dtype=jnp.float32)
    W1 = jax.random.normal(ks[2], (2 * D, H), dtype=jnp.float32) * 0.05
    b1 = jnp.zeros((H,), dtype=jnp.float32)
    W2 = jax.random.normal(ks[3], (H, O), dtype=jnp.float32) * 0.05
    b2 = jnp.zeros((O,), dtype=jnp.float32)
    return {"x": x, "edge_index": edge_index, "gamma": gamma, "beta": beta,
            "W1": W1, "b1": b1, "W2": W2, "b2": b2}


def reference(x, edge_index, gamma, beta, W1, b1, W2, b2):
    # BatchNorm1d (training-mode batch statistics, biased variance as torch uses)
    mean = jnp.mean(x, axis=0)
    var = jnp.var(x, axis=0)
    xn = (x - mean) / jnp.sqrt(var + EPS) * gamma + beta
    # EdgeConv: per-edge MLP([x_i, x_j - x_i]) with hidden size edge_filters_num,
    # then max aggregation over incoming edges at dst node i.
    src = edge_index[0]
    dst = edge_index[1]
    x_i = jnp.take(xn, dst, axis=0)          # gather dst features [E, D]
    x_j = jnp.take(xn, src, axis=0)          # gather src features [E, D]
    e = jnp.concatenate([x_i, x_j - x_i], axis=-1)   # [E, 2D]
    h = jax.nn.relu(e @ W1 + b1)             # [E, H]  (dropout=0 -> identity)
    h = h @ W2 + b2                           # [E, O]
    agg = jax.ops.segment_max(h, dst, num_segments=N)  # scatter-max aggregate
    agg = jnp.where(jnp.isfinite(agg), agg, 0.0)       # isolated nodes -> 0
    return jax.nn.relu(agg)

if __name__ == "__main__":
    import jax
    _d = setup_inputs()
    print(jax.jit(kernel)(*tuple(_d.values())))

</pallas_src>

<mosaic_0001>
#map = affine_map<(d0, d1) -> (0, 0)>
#map1 = affine_map<(d0, d1) -> (0)>
module attributes {stable_mosaic.version = 14 : i64} {
  func.func @_scatter_max_body(%arg0: i32, %arg1: i32, %arg2: memref<320000x64xi32, #tpu.memory_space<hbm>>, %arg3: memref<320000xi32, #tpu.memory_space<hbm>>, %arg4: memref<10000x128xf32, #tpu.memory_space<hbm>>, %arg5: memref<32x80000xi32, #tpu.memory_space<hbm>>, %arg6: memref<80000xi32, #tpu.memory_space<vmem>>, %arg7: memref<800x8xi32, #tpu.memory_space<vmem>>, %arg8: memref<800x8xi32, #tpu.memory_space<vmem>>, %arg9: memref<800xi32, #tpu.memory_space<vmem>>, %arg10: memref<800xi32, #tpu.memory_space<vmem>>, %arg11: memref<20000xi32, #tpu.memory_space<vmem>>, %arg12: memref<500x8xf32, #tpu.memory_space<vmem>>, %arg13: memref<500x8xf32, #tpu.memory_space<vmem>>, %arg14: memref<!tpu.dma_semaphore, #tpu.memory_space<semaphore_mem>>, %arg15: memref<!tpu.dma_semaphore, #tpu.memory_space<semaphore_mem>>, %arg16: memref<!tpu.dma_semaphore, #tpu.memory_space<semaphore_mem>>, %arg17: memref<!tpu.dma_semaphore, #tpu.memory_space<semaphore_mem>>) attributes {dimension_semantics = [#tpu.dimension_semantics<core_parallel>, #tpu.dimension_semantics<subcore_parallel>], iteration_bounds = array<i64: 2, 16>, scalar_prefetch = 0 : i64, scratch_operands = 12 : i64, tpu.core_type = #tpu.core_type<sc_vector_subcore>, window_params = [{transform_indices = #map}, {transform_indices = #map1}, {transform_indices = #map}, {transform_indices = #map}]} {
    %shift_right_arithmetic3A = arith.constant 2 : i32
    %shift_right_arithmetic3A_0 = arith.shrsi %arg1, %shift_right_arithmetic3A : i32
    %mul3A = arith.constant 4 : i32
    %mul3A_1 = arith.muli %arg0, %mul3A : i32
    %add3A = arith.addi %mul3A_1, %shift_right_arithmetic3A_0 : i32
    %mul3A_2 = arith.constant 8 : i32
    %mul3A_3 = arith.muli %add3A, %mul3A_2 : i32
    %and3A = arith.constant 3 : i32
    %and3A_4 = arith.andi %arg1, %and3A : i32
    %mul3A_5 = arith.constant 16 : i32
    %mul3A_6 = arith.muli %arg0, %mul3A_5 : i32
    %add3A_7 = arith.addi %mul3A_6, %arg1 : i32
    %iota3A = tpu.iota {dimensions = array<i32: 0>} : vector<16xi32>
    %shift_right_arithmetic3A_8 = arith.constant 3 : i32
    %shift_right_arithmetic3A_9 = vector.broadcast %shift_right_arithmetic3A_8 : i32 to vector<16xi32>
    %shift_right_arithmetic3A_10 = arith.shrsi %iota3A, %shift_right_arithmetic3A_9 : vector<16xi32>
    %and3A_11 = arith.constant 7 : i32
    %and3A_12 = vector.broadcast %and3A_11 : i32 to vector<16xi32>
    %and3A_13 = arith.andi %iota3A, %and3A_12 : vector<16xi32>
    %ge3A = arith.constant 8 : i32
    %ge3A_14 = vector.broadcast %ge3A : i32 to vector<16xi32>
    %ge3A_15 = arith.cmpi sge, %iota3A, %ge3A_14 : vector<16xi32>
    %add3A_16 = arith.constant 8 : i32
    %add3A_17 = vector.broadcast %add3A_16 : i32 to vector<16xi32>
    %add3A_18 = arith.addi %iota3A, %add3A_17 : vector<16xi32>
    %and3A_19 = arith.constant 15 : i32
    %and3A_20 = vector.broadcast %and3A_19 : i32 to vector<16xi32>
    %and3A_21 = arith.andi %add3A_18, %and3A_20 : vector<16xi32>
    %mul3A_22 = arith.constant 8 : i32
    %mul3A_23 = vector.broadcast %mul3A_22 : i32 to vector<16xi32>
    %mul3A_24 = arith.muli %iota3A, %mul3A_23 : vector<16xi32>
    %mul3A_25 = arith.constant 8 : i32
    %mul3A_26 = vector.broadcast %mul3A_25 : i32 to vector<16xi32>
    %mul3A_27 = arith.muli %and3A_21, %mul3A_26 : vector<16xi32>
    %add3A_28 = arith.constant 0 : i32
    %add3A_29 = vector.broadcast %add3A_28 : i32 to vector<16xi32>
    %add3A_30 = arith.addi %iota3A, %add3A_29 : vector<16xi32>
    %and3A_31 = arith.constant 7 : i32
    %and3A_32 = vector.broadcast %and3A_31 : i32 to vector<16xi32>
    %and3A_33 = arith.andi %add3A_30, %and3A_32 : vector<16xi32>
    %add3A_34 = arith.constant 1 : i32
    %add3A_35 = vector.broadcast %add3A_34 : i32 to vector<16xi32>
    %add3A_36 = arith.addi %iota3A, %add3A_35 : vector<16xi32>
    %and3A_37 = arith.constant 7 : i32
    %and3A_38 = vector.broadcast %and3A_37 : i32 to vector<16xi32>
    %and3A_39 = arith.andi %add3A_36, %and3A_38 : vector<16xi32>
    %add3A_40 = arith.constant 2 : i32
    %add3A_41 = vector.broadcast %add3A_40 : i32 to vector<16xi32>
    %add3A_42 = arith.addi %iota3A, %add3A_41 : vector<16xi32>
    %and3A_43 = arith.constant 7 : i32
    %and3A_44 = vector.broadcast %and3A_43 : i32 to vector<16xi32>
    %and3A_45 = arith.andi %add3A_42, %and3A_44 : vector<16xi32>
    %add3A_46 = arith.constant 3 : i32
    %add3A_47 = vector.broadcast %add3A_46 : i32 to vector<16xi32>
    %add3A_48 = arith.addi %iota3A, %add3A_47 : vector<16xi32>
    %and3A_49 = arith.constant 7 : i32
    %and3A_50 = vector.broadcast %and3A_49 : i32 to vector<16xi32>
    %and3A_51 = arith.andi %add3A_48, %and3A_50 : vector<16xi32>
    %add3A_52 = arith.constant 4 : i32
    %add3A_53 = vector.broadcast %add3A_52 : i32 to vector<16xi32>
    %add3A_54 = arith.addi %iota3A, %add3A_53 : vector<16xi32>
    %and3A_55 = arith.constant 7 : i32
    %and3A_56 = vector.broadcast %and3A_55 : i32 to vector<16xi32>
    %and3A_57 = arith.andi %add3A_54, %and3A_56 : vector<16xi32>
    %add3A_58 = arith.constant 5 : i32
    %add3A_59 = vector.broadcast %add3A_58 : i32 to vector<16xi32>
    %add3A_60 = arith.addi %iota3A, %add3A_59 : vector<16xi32>
    %and3A_61 = arith.constant 7 : i32
    %and3A_62 = vector.broadcast %and3A_61 : i32 to vector<16xi32>
    %and3A_63 = arith.andi %add3A_60, %and3A_62 : vector<16xi32>
    %add3A_64 = arith.constant 6 : i32
    %add3A_65 = vector.broadcast %add3A_64 : i32 to vector<16xi32>
    %add3A_66 = arith.addi %iota3A, %add3A_65 : vector<16xi32>
    %and3A_67 = arith.constant 7 : i32
    %and3A_68 = vector.broadcast %and3A_67 : i32 to vector<16xi32>
    %and3A_69 = arith.andi %add3A_66, %and3A_68 : vector<16xi32>
    %add3A_70 = arith.constant 7 : i32
    %add3A_71 = vector.broadcast %add3A_70 : i32 to vector<16xi32>
    %add3A_72 = arith.addi %iota3A, %add3A_71 : vector<16xi32>
    %and3A_73 = arith.constant 7 : i32
    %and3A_74 = vector.broadcast %and3A_73 : i32 to vector<16xi32>
    %and3A_75 = arith.andi %add3A_72, %and3A_74 : vector<16xi32>
    %broadcast_in_dim3A = arith.constant -8323200 : i32
    %broadcast_in_dim3A_76 = vector.broadcast %broadcast_in_dim3A : i32 to vector<16xi32>
    %scan3A = arith.constant 0 : i32
    %scan3A_77 = arith.constant 5000 : i32
    %scan3A_78 = arith.addi %scan3A, %scan3A_77 : i32
    %scan3A_79 = arith.constant 1 : i32
    scf.for %scan3A_142 = %scan3A to %scan3A_78 step %scan3A_79  : i32 {
      %mul3A_143 = arith.constant 1 : i32
      %mul3A_144 = arith.muli %scan3A_142, %mul3A_143 : i32
      %add3A_145 = arith.constant 0 : i32
      %add3A_146 = arith.addi %add3A_145, %mul3A_144 : i32
      %mul3A_147 = arith.constant 16 : i32
      %mul3A_148 = arith.muli %add3A_146, %mul3A_147 : i32
      %swap3A = arith.index_cast %mul3A_148 : i32 to index
      %swap3A_149 = tpu.vector_load %arg6[%swap3A] {strides = array<i32>} : memref<80000xi32, #tpu.memory_space<vmem>>, vector<16xi32>,
      tpu.vector_store %arg6[%swap3A], %broadcast_in_dim3A_76 {strides = array<i32>} : memref<80000xi32, #tpu.memory_space<vmem>>, vector<16xi32>,
    }
    %scan3A_80 = arith.constant 5000 : i32
    %mul3A_81 = arith.constant 80000 : i32
    %mul3A_82 = arith.muli %and3A_4, %mul3A_81 : i32
    %add3A_83 = arith.constant 0 : i32
    %add3A_84 = arith.addi %mul3A_82, %add3A_83 : i32
    %dma_start3A = tpu.memref_slice %arg3[%add3A_84] : memref<320000xi32, #tpu.memory_space<hbm>> -> memref<800xi32, #tpu.memory_space<hbm>>
    %dma_start3A_85 = tpu.memref_slice %arg3[%add3A_84] : memref<320000xi32, #tpu.memory_space<hbm>> -> memref<800xi32, #tpu.memory_space<hbm>>
    tpu.enqueue_dma source(%dma_start3A_85 : memref<800xi32, #tpu.memory_space<hbm>>) target(%arg9 : memref<800xi32, #tpu.memory_space<vmem>>) target_semaphore(%arg16 : memref<!tpu.dma_semaphore, #tpu.memory_space<semaphore_mem>>)
    %dma_start3A_86 = tpu.memref_slice %arg2[%add3A_84, %mul3A_3] : memref<320000x64xi32, #tpu.memory_space<hbm>> -> memref<800x8xi32, #tpu.memory_space<hbm>>
    %dma_start3A_87 = tpu.memref_slice %arg2[%add3A_84, %mul3A_3] : memref<320000x64xi32, #tpu.memory_space<hbm>> -> memref<800x8xi32, #tpu.memory_space<hbm>>
    tpu.enqueue_dma source(%dma_start3A_87 : memref<800x8xi32, #tpu.memory_space<hbm>>) target(%arg7 : memref<800x8xi32, #tpu.memory_space<vmem>>) target_semaphore(%arg14 : memref<!tpu.dma_semaphore, #tpu.memory_space<semaphore_mem>>)
    %mul3A_88 = arith.constant 80000 : i32
    %mul3A_89 = arith.muli %and3A_4, %mul3A_88 : i32
    %add3A_90 = arith.constant 800 : i32
    %add3A_91 = arith.addi %mul3A_89, %add3A_90 : i32
    %dma_start3A_92 = tpu.memref_slice %arg3[%add3A_91] : memref<320000xi32, #tpu.memory_space<hbm>> -> memref<800xi32, #tpu.memory_space<hbm>>
    %dma_start3A_93 = tpu.memref_slice %arg3[%add3A_91] : memref<320000xi32, #tpu.memory_space<hbm>> -> memref<800xi32, #tpu.memory_space<hbm>>
    tpu.enqueue_dma source(%dma_start3A_93 : memref<800xi32, #tpu.memory_space<hbm>>) target(%arg10 : memref<800xi32, #tpu.memory_space<vmem>>) target_semaphore(%arg17 : memref<!tpu.dma_semaphore, #tpu.memory_space<semaphore_mem>>)
    %dma_start3A_94 = tpu.memref_slice %arg2[%add3A_91, %mul3A_3] : memref<320000x64xi32, #tpu.memory_space<hbm>> -> memref<800x8xi32, #tpu.memory_space<hbm>>
    %dma_start3A_95 = tpu.memref_slice %arg2[%add3A_91, %mul3A_3] : memref<320000x64xi32, #tpu.memory_space<hbm>> -> memref<800x8xi32, #tpu.memory_space<hbm>>
    tpu.enqueue_dma source(%dma_start3A_95 : memref<800x8xi32, #tpu.memory_space<hbm>>) target(%arg8 : memref<800x8xi32, #tpu.memory_space<vmem>>) target_semaphore(%arg15 : memref<!tpu.dma_semaphore, #tpu.memory_space<semaphore_mem>>)
    %scan3A_96 = arith.constant 0 : i32
    %scan3A_97 = arith.constant 50 : i32
    %scan3A_98 = arith.addi %scan3A_96, %scan3A_97 : i32
    %scan3A_99 = arith.constant 1 : i32
    scf.for %scan3A_142 = %scan3A_96 to %scan3A_98 step %scan3A_99  : i32 {
      %mul3A_143 = arith.constant 1 : i32
      %mul3A_144 = arith.muli %scan3A_142, %mul3A_143 : i32
      %add3A_145 = arith.constant 0 : i32
      %add3A_146 = arith.addi %add3A_145, %mul3A_144 : i32
      %mul3A_147 = arith.constant 2 : i32
      %mul3A_148 = arith.muli %add3A_146, %mul3A_147 : i32
      %add3A_149 = arith.constant 0 : i32
      %add3A_150 = arith.addi %mul3A_148, %add3A_149 : i32
      %mul3A_151 = arith.constant 80000 : i32
      %mul3A_152 = arith.muli %and3A_4, %mul3A_151 : i32
      %mul3A_153 = arith.constant 800 : i32
      %mul3A_154 = arith.muli %add3A_150, %mul3A_153 : i32
      %add3A_155 = arith.addi %mul3A_152, %mul3A_154 : i32
      %dma_wait3A = tpu.memref_slice %arg3[%add3A_155] : memref<320000xi32, #tpu.memory_space<hbm>> -> memref<800xi32, #tpu.memory_space<hbm>>
      %dma_wait3A_156 = tpu.memref_slice %arg3[%add3A_155] : memref<320000xi32, #tpu.memory_space<hbm>> -> memref<800xi32, #tpu.memory_space<hbm>>
      tpu.wait_dma2 semaphore(%arg16 : memref<!tpu.dma_semaphore, #tpu.memory_space<semaphore_mem>>) src(%dma_wait3A_156 : memref<800xi32, #tpu.memory_space<hbm>>) dst(%arg9 : memref<800xi32, #tpu.memory_space<vmem>>)
      %dma_wait3A_157 = tpu.memref_slice %arg2[%add3A_155, %mul3A_3] : memref<320000x64xi32, #tpu.memory_space<hbm>> -> memref<800x8xi32, #tpu.memory_space<hbm>>
      %dma_wait3A_158 = tpu.memref_slice %arg2[%add3A_155, %mul3A_3] : memref<320000x64xi32, #tpu.memory_space<hbm>> -> memref<800x8xi32, #tpu.memory_space<hbm>>
      tpu.wait_dma2 semaphore(%arg14 : memref<!tpu.dma_semaphore, #tpu.memory_space<semaphore_mem>>) src(%dma_wait3A_158 : memref<800x8xi32, #tpu.memory_space<hbm>>) dst(%arg7 : memref<800x8xi32, #tpu.memory_space<vmem>>)
      %scan3A_159 = arith.constant 0 : i32
      %scan3A_160 = arith.constant 50 : i32
      %scan3A_161 = arith.addi %scan3A_159, %scan3A_160 : i32
      %scan3A_162 = arith.constant 2 : i32
      scf.for %scan3A_193 = %scan3A_159 to %scan3A_161 step %scan3A_162  : i32 {
        %mul3A_194 = arith.constant 1 : i32
        %mul3A_195 = arith.muli %scan3A_193, %mul3A_194 : i32
        %add3A_196 = arith.constant 0 : i32
        %add3A_197 = arith.addi %add3A_196, %mul3A_195 : i32
        %mul3A_198 = arith.constant 16 : i32
        %mul3A_199 = arith.muli %add3A_197, %mul3A_198 : i32
        %get3A = arith.index_cast %mul3A_199 : i32 to index
        %get3A_200 = tpu.vector_load %arg9[%get3A] {strides = array<i32>} : memref<800xi32, #tpu.memory_space<vmem>>, vector<16xi32>,
        %mul3A_201 = arith.constant 8 : i32
        %mul3A_202 = vector.broadcast %mul3A_201 : i32 to vector<16xi32>
        %mul3A_203 = arith.muli %get3A_200, %mul3A_202 : vector<16xi32>
        %mul3A_204 = arith.constant 16 : i32
        %mul3A_205 = arith.muli %add3A_197, %mul3A_204 : i32
        %add3A_206 = vector.broadcast %mul3A_205 : i32 to vector<16xi32>
        %add3A_207 = arith.addi %add3A_206, %iota3A : vector<16xi32>
        %mul3A_208 = arith.constant 16 : i32
        %mul3A_209 = arith.muli %add3A_197, %mul3A_208 : i32
        %add3A_210 = vector.broadcast %mul3A_209 : i32 to vector<16xi32>
        %add3A_211 = arith.addi %add3A_210, %and3A_21 : vector<16xi32>
        %gather3A = tpu.vector_load_idx %arg9[%add3A_211] : memref<800xi32, #tpu.memory_space<vmem>>[vector<16xi32>], vector<16xi32>,
        %eq3A = arith.cmpi eq, %get3A_200, %gather3A : vector<16xi32>
        %and3A_212 = arith.andi %eq3A, %ge3A_15 : vector<16xi1>
        %not3A = arith.constant dense<true> : vector<16xi1>
        %not3A_213 = arith.xori %and3A_212, %not3A : vector<16xi1>
        %gather3A_214 = tpu.vector_load_idx %arg7[%add3A_207, %and3A_33] : memref<800x8xi32, #tpu.memory_space<vmem>>[vector<16xi32>, vector<16xi32>], vector<16xi32>,
        %gather3A_215 = tpu.vector_load_idx %arg7[%add3A_207, %and3A_39] : memref<800x8xi32, #tpu.memory_space<vmem>>[vector<16xi32>, vector<16xi32>], vector<16xi32>,
        %gather3A_216 = tpu.vector_load_idx %arg7[%add3A_207, %and3A_45] : memref<800x8xi32, #tpu.memory_space<vmem>>[vector<16xi32>, vector<16xi32>], vector<16xi32>,
        %gather3A_217 = tpu.vector_load_idx %arg7[%add3A_207, %and3A_51] : memref<800x8xi32, #tpu.memory_space<vmem>>[vector<16xi32>, vector<16xi32>], vector<16xi32>,
        %gather3A_218 = tpu.vector_load_idx %arg7[%add3A_207, %and3A_57] : memref<800x8xi32, #tpu.memory_space<vmem>>[vector<16xi32>, vector<16xi32>], vector<16xi32>,
        %gather3A_219 = tpu.vector_load_idx %arg7[%add3A_207, %and3A_63] : memref<800x8xi32, #tpu.memory_space<vmem>>[vector<16xi32>, vector<16xi32>], vector<16xi32>,
        %gather3A_220 = tpu.vector_load_idx %arg7[%add3A_207, %and3A_69] : memref<800x8xi32, #tpu.memory_space<vmem>>[vector<16xi32>, vector<16xi32>], vector<16xi32>,
        %gather3A_221 = tpu.vector_load_idx %arg7[%add3A_207, %and3A_75] : memref<800x8xi32, #tpu.memory_space<vmem>>[vector<16xi32>, vector<16xi32>], vector<16xi32>,
        %gather3A_222 = tpu.vector_load_idx %arg7[%add3A_211, %and3A_33] : memref<800x8xi32, #tpu.memory_space<vmem>>[vector<16xi32>, vector<16xi32>], vector<16xi32>,
        %gather3A_223 = tpu.vector_load_idx %arg7[%add3A_211, %and3A_39] : memref<800x8xi32, #tpu.memory_space<vmem>>[vector<16xi32>, vector<16xi32>], vector<16xi32>,
        %gather3A_224 = tpu.vector_load_idx %arg7[%add3A_211, %and3A_45] : memref<800x8xi32, #tpu.memory_space<vmem>>[vector<16xi32>, vector<16xi32>], vector<16xi32>,
        %gather3A_225 = tpu.vector_load_idx %arg7[%add3A_211, %and3A_51] : memref<800x8xi32, #tpu.memory_space<vmem>>[vector<16xi32>, vector<16xi32>], vector<16xi32>,
        %gather3A_226 = tpu.vector_load_idx %arg7[%add3A_211, %and3A_57] : memref<800x8xi32, #tpu.memory_space<vmem>>[vector<16xi32>, vector<16xi32>], vector<16xi32>,
        %gather3A_227 = tpu.vector_load_idx %arg7[%add3A_211, %and3A_63] : memref<800x8xi32, #tpu.memory_space<vmem>>[vector<16xi32>, vector<16xi32>], vector<16xi32>,
        %gather3A_228 = tpu.vector_load_idx %arg7[%add3A_211, %and3A_69] : memref<800x8xi32, #tpu.memory_space<vmem>>[vector<16xi32>, vector<16xi32>], vector<16xi32>,
        %gather3A_229 = tpu.vector_load_idx %arg7[%add3A_211, %and3A_75] : memref<800x8xi32, #tpu.memory_space<vmem>>[vector<16xi32>, vector<16xi32>], vector<16xi32>,
        %bitcast3A = vector.bitcast %gather3A_214 : vector<16xi32> to vector<32xbf16>
        %bitcast3A_230 = vector.bitcast %gather3A_222 : vector<16xi32> to vector<32xbf16>
        %max3A = arith.maximumf %bitcast3A, %bitcast3A_230 : vector<32xbf16>
        %bitcast3A_231 = vector.bitcast %max3A : vector<32xbf16> to vector<16xi32>
        %select_n3A = arith.select %eq3A, %bitcast3A_231, %gather3A_214 : vector<16xi1>, vector<16xi32>
        %add3A_232 = arith.addi %mul3A_203, %and3A_33 : vector<16xi32>
        %gather3A_233 = tpu.vector_load_idx %arg6[%add3A_232] : memref<80000xi32, #tpu.memory_space<vmem>>[vector<16xi32>], vector<16xi32>,
        %add3A_234 = arith.addi %mul3A_203, %and3A_33 : vector<16xi32>
        %bitcast3A_235 = vector.bitcast %gather3A_233 : vector<16xi32> to vector<32xbf16>
        %bitcast3A_236 = vector.bitcast %select_n3A : vector<16xi32> to vector<32xbf16>
        %max3A_237 = arith.maximumf %bitcast3A_235, %bitcast3A_236 : vector<32xbf16>
        %bitcast3A_238 = vector.bitcast %max3A_237 : vector<32xbf16> to vector<16xi32>
        tpu.vector_store_idx %arg6[%add3A_234], %bitcast3A_238 masked %not3A_213 : memref<80000xi32, #tpu.memory_space<vmem>>[vector<16xi32>], vector<16xi32>, vector<16xi1>
        %bitcast3A_239 = vector.bitcast %gather3A_215 : vector<16xi32> to vector<32xbf16>
        %bitcast3A_240 = vector.bitcast %gather3A_223 : vector<16xi32> to vector<32xbf16>
        %max3A_241 = arith.maximumf %bitcast3A_239, %bitcast3A_240 : vector<32xbf16>
        %bitcast3A_242 = vector.bitcast %max3A_241 : vector<32xbf16> to vector<16xi32>
        %select_n3A_243 = arith.select %eq3A, %bitcast3A_242, %gather3A_215 : vector<16xi1>, vector<16xi32>
        %add3A_244 = arith.addi %mul3A_203, %and3A_39 : vector<16xi32>
        %gather3A_245 = tpu.vector_load_idx %arg6[%add3A_244] : memref<80000xi32, #tpu.memory_space<vmem>>[vector<16xi32>], vector<16xi32>,
        %add3A_246 = arith.addi %mul3A_203, %and3A_39 : vector<16xi32>
        %bitcast3A_247 = vector.bitcast %gather3A_245 : vector<16xi32> to vector<32xbf16>
        %bitcast3A_248 = vector.bitcast %select_n3A_243 : vector<16xi32> to vector<32xbf16>
        %max3A_249 = arith.maximumf %bitcast3A_247, %bitcast3A_248 : vector<32xbf16>
        %bitcast3A_250 = vector.bitcast %max3A_249 : vector<32xbf16> to vector<16xi32>
        tpu.vector_store_idx %arg6[%add3A_246], %bitcast3A_250 masked %not3A_213 : memref<80000xi32, #tpu.memory_space<vmem>>[vector<16xi32>], vector<16xi32>, vector<16xi1>
        %bitcast3A_251 = vector.bitcast %gather3A_216 : vector<16xi32> to vector<32xbf16>
        %bitcast3A_252 = vector.bitcast %gather3A_224 : vector<16xi32> to vector<32xbf16>
        %max3A_253 = arith.maximumf %bitcast3A_251, %bitcast3A_252 : vector<32xbf16>
        %bitcast3A_254 = vector.bitcast %max3A_253 : vector<32xbf16> to vector<16xi32>
        %select_n3A_255 = arith.select %eq3A, %bitcast3A_254, %gather3A_216 : vector<16xi1>, vector<16xi32>
        %add3A_256 = arith.addi %mul3A_203, %and3A_45 : vector<16xi32>
        %gather3A_257 = tpu.vector_load_idx %arg6[%add3A_256] : memref<80000xi32, #tpu.memory_space<vmem>>[vector<16xi32>], vector<16xi32>,
        %add3A_258 = arith.addi %mul3A_203, %and3A_45 : vector<16xi32>
        %bitcast3A_259 = vector.bitcast %gather3A_257 : vector<16xi32> to vector<32xbf16>
        %bitcast3A_260 = vector.bitcast %select_n3A_255 : vector<16xi32> to vector<32xbf16>
        %max3A_261 = arith.maximumf %bitcast3A_259, %bitcast3A_260 : vector<32xbf16>
        %bitcast3A_262 = vector.bitcast %max3A_261 : vector<32xbf16> to vector<16xi32>
        tpu.vector_store_idx %arg6[%add3A_258], %bitcast3A_262 masked %not3A_213 : memref<80000xi32, #tpu.memory_space<vmem>>[vector<16xi32>], vector<16xi32>, vector<16xi1>
        %bitcast3A_263 = vector.bitcast %gather3A_217 : vector<16xi32> to vector<32xbf16>
        %bitcast3A_264 = vector.bitcast %gather3A_225 : vector<16xi32> to vector<32xbf16>
        %max3A_265 = arith.maximumf %bitcast3A_263, %bitcast3A_264 : vector<32xbf16>
        %bitcast3A_266 = vector.bitcast %max3A_265 : vector<32xbf16> to vector<16xi32>
        %select_n3A_267 = arith.select %eq3A, %bitcast3A_266, %gather3A_217 : vector<16xi1>, vector<16xi32>
        %add3A_268 = arith.addi %mul3A_203, %and3A_51 : vector<16xi32>
        %gather3A_269 = tpu.vector_load_idx %arg6[%add3A_268] : memref<80000xi32, #tpu.memory_space<vmem>>[vector<16xi32>], vector<16xi32>,
        %add3A_270 = arith.addi %mul3A_203, %and3A_51 : vector<16xi32>
        %bitcast3A_271 = vector.bitcast %gather3A_269 : vector<16xi32> to vector<32xbf16>
        %bitcast3A_272 = vector.bitcast %select_n3A_267 : vector<16xi32> to vector<32xbf16>
        %max3A_273 = arith.maximumf %bitcast3A_271, %bitcast3A_272 : vector<32xbf16>
        %bitcast3A_274 = vector.bitcast %max3A_273 : vector<32xbf16> to vector<16xi32>
        tpu.vector_store_idx %arg6[%add3A_270], %bitcast3A_274 masked %not3A_213 : memref<80000xi32, #tpu.memory_space<vmem>>[vector<16xi32>], vector<16xi32>, vector<16xi1>
        %bitcast3A_275 = vector.bitcast %gather3A_218 : vector<16xi32> to vector<32xbf16>
        %bitcast3A_276 = vector.bitcast %gather3A_226 : vector<16xi32> to vector<32xbf16>
        %max3A_277 = arith.maximumf %bitcast3A_275, %bitcast3A_276 : vector<32xbf16>
        %bitcast3A_278 = vector.bitcast %max3A_277 : vector<32xbf16> to vector<16xi32>
        %select_n3A_279 = arith.select %eq3A, %bitcast3A_278, %gather3A_218 : vector<16xi1>, vector<16xi32>
        %add3A_280 = arith.addi %mul3A_203, %and3A_57 : vector<16xi32>
        %gather3A_281 = tpu.vector_load_idx %arg6[%add3A_280] : memref<80000xi32, #tpu.memory_space<vmem>>[vector<16xi32>], vector<16xi32>,
        %add3A_282 = arith.addi %mul3A_203, %and3A_57 : vector<16xi32>
        %bitcast3A_283 = vector.bitcast %gather3A_281 : vector<16xi32> to vector<32xbf16>
        %bitcast3A_284 = vector.bitcast %select_n3A_279 : vector<16xi32> to vector<32xbf16>
        %max3A_285 = arith.maximumf %bitcast3A_283, %bitcast3A_284 : vector<32xbf16>
        %bitcast3A_286 = vector.bitcast %max3A_285 : vector<32xbf16> to vector<16xi32>
        tpu.vector_store_idx %arg6[%add3A_282], %bitcast3A_286 masked %not3A_213 : memref<80000xi32, #tpu.memory_space<vmem>>[vector<16xi32>], vector<16xi32>, vector<16xi1>
        %bitcast3A_287 = vector.bitcast %gather3A_219 : vector<16xi32> to vector<32xbf16>
        %bitcast3A_288 = vector.bitcast %gather3A_227 : vector<16xi32> to vector<32xbf16>
        %max3A_289 = arith.maximumf %bitcast3A_287, %bitcast3A_288 : vector<32xbf16>
        %bitcast3A_290 = vector.bitcast %max3A_289 : vector<32xbf16> to vector<16xi32>
        %select_n3A_291 = arith.select %eq3A, %bitcast3A_290, %gather3A_219 : vector<16xi1>, vector<16xi32>
        %add3A_292 = arith.addi %mul3A_203, %and3A_63 : vector<16xi32>
        %gather3A_293 = tpu.vector_load_idx %arg6[%add3A_292] : memref<80000xi32, #tpu.memory_space<vmem>>[vector<16xi32>], vector<16xi32>,
        %add3A_294 = arith.addi %mul3A_203, %and3A_63 : vector<16xi32>
        %bitcast3A_295 = vector.bitcast %gather3A_293 : vector<16xi32> to vector<32xbf16>
        %bitcast3A_296 = vector.bitcast %select_n3A_291 : vector<16xi32> to vector<32xbf16>
        %max3A_297 = arith.maximumf %bitcast3A_295, %bitcast3A_296 : vector<32xbf16>
        %bitcast3A_298 = vector.bitcast %max3A_297 : vector<32xbf16> to vector<16xi32>
        tpu.vector_store_idx %arg6[%add3A_294], %bitcast3A_298 masked %not3A_213 : memref<80000xi32, #tpu.memory_space<vmem>>[vector<16xi32>], vector<16xi32>, vector<16xi1>
        %bitcast3A_299 = vector.bitcast %gather3A_220 : vector<16xi32> to vector<32xbf16>
        %bitcast3A_300 = vector.bitcast %gather3A_228 : vector<16xi32> to vector<32xbf16>
        %max3A_301 = arith.maximumf %bitcast3A_299, %bitcast3A_300 : vector<32xbf16>
        %bitcast3A_302 = vector.bitcast %max3A_301 : vector<32xbf16> to vector<16xi32>
        %select_n3A_303 = arith.select %eq3A, %bitcast3A_302, %gather3A_220 : vector<16xi1>, vector<16xi32>
        %add3A_304 = arith.addi %mul3A_203, %and3A_69 : vector<16xi32>
        %gather3A_305 = tpu.vector_load_idx %arg6[%add3A_304] : memref<80000xi32, #tpu.memory_space<vmem>>[vector<16xi32>], vector<16xi32>,
        %add3A_306 = arith.addi %mul3A_203, %and3A_69 : vector<16xi32>
        %bitcast3A_307 = vector.bitcast %gather3A_305 : vector<16xi32> to vector<32xbf16>
        %bitcast3A_308 = vector.bitcast %select_n3A_303 : vector<16xi32> to vector<32xbf16>
        %max3A_309 = arith.maximumf %bitcast3A_307, %bitcast3A_308 : vector<32xbf16>
        %bitcast3A_310 = vector.bitcast %max3A_309 : vector<32xbf16> to vector<16xi32>
        tpu.vector_store_idx %arg6[%add3A_306], %bitcast3A_310 masked %not3A_213 : memref<80000xi32, #tpu.memory_space<vmem>>[vector<16xi32>], vector<16xi32>, vector<16xi1>
        %bitcast3A_311 = vector.bitcast %gather3A_221 : vector<16xi32> to vector<32xbf16>
        %bitcast3A_312 = vector.bitcast %gather3A_229 : vector<16xi32> to vector<32xbf16>
        %max3A_313 = arith.maximumf %bitcast3A_311, %bitcast3A_312 : vector<32xbf16>
        %bitcast3A_314 = vector.bitcast %max3A_313 : vector<32xbf16> to vector<16xi32>
        %select_n3A_315 = arith.select %eq3A, %bitcast3A_314, %gather3A_221 : vector<16xi1>, vector<16xi32>
        %add3A_316 = arith.addi %mul3A_203, %and3A_75 : vector<16xi32>
        %gather3A_317 = tpu.vector_load_idx %arg6[%add3A_316] : memref<80000xi32, #tpu.memory_space<vmem>>[vector<16xi32>], vector<16xi32>,
        %add3A_318 = arith.addi %mul3A_203, %and3A_75 : vector<16xi32>
        %bitcast3A_319 = vector.bitcast %gather3A_317 : vector<16xi32> to vector<32xbf16>
        %bitcast3A_320 = vector.bitcast %select_n3A_315 : vector<16xi32> to vector<32xbf16>
        %max3A_321 = arith.maximumf %bitcast3A_319, %bitcast3A_320 : vector<32xbf16>
        %bitcast3A_322 = vector.bitcast %max3A_321 : vector<32xbf16> to vector<16xi32>
        tpu.vector_store_idx %arg6[%add3A_318], %bitcast3A_322 masked %not3A_213 : memref<80000xi32, #tpu.memory_space<vmem>>[vector<16xi32>], vector<16xi32>, vector<16xi1>
        %scan3A_323 = arith.constant 1 : i32
        %scan3A_324 = arith.addi %scan3A_193, %scan3A_323 : i32
        %mul3A_325 = arith.constant 1 : i32
        %mul3A_326 = arith.muli %scan3A_324, %mul3A_325 : i32
        %add3A_327 = arith.constant 0 : i32
        %add3A_328 = arith.addi %add3A_327, %mul3A_326 : i32
        %mul3A_329 = arith.constant 16 : i32
        %mul3A_330 = arith.muli %add3A_328, %mul3A_329 : i32
        %get3A_331 = arith.index_cast %mul3A_330 : i32 to index
        %get3A_332 = tpu.vector_load %arg9[%get3A_331] {strides = array<i32>} : memref<800xi32, #tpu.memory_space<vmem>>, vector<16xi32>,
        %mul3A_333 = arith.constant 8 : i32
        %mul3A_334 = vector.broadcast %mul3A_333 : i32 to vector<16xi32>
        %mul3A_335 = arith.muli %get3A_332, %mul3A_334 : vector<16xi32>
        %mul3A_336 = arith.constant 16 : i32
        %mul3A_337 = arith.muli %add3A_328, %mul3A_336 : i32
        %add3A_338 = vector.broadcast %mul3A_337 : i32 to vector<16xi32>
        %add3A_339 = arith.addi %add3A_338, %iota3A : vector<16xi32>
        %mul3A_340 = arith.constant 16 : i32
        %mul3A_341 = arith.muli %add3A_328, %mul3A_340 : i32
        %add3A_342 = vector.broadcast %mul3A_341 : i32 to vector<16xi32>
        %add3A_343 = arith.addi %add3A_342, %and3A_21 : vector<16xi32>
        %gather3A_344 = tpu.vector_load_idx %arg9[%add3A_343] : memref<800xi32, #tpu.memory_space<vmem>>[vector<16xi32>], vector<16xi32>,
        %eq3A_345 = arith.cmpi eq, %get3A_332, %gather3A_344 : vector<16xi32>
        %and3A_346 = arith.andi %eq3A_345, %ge3A_15 : vector<16xi1>
        %not3A_347 = arith.constant dense<true> : vector<16xi1>
        %not3A_348 = arith.xori %and3A_346, %not3A_347 : vector<16xi1>
        %gather3A_349 = tpu.vector_load_idx %arg7[%add3A_339, %and3A_33] : memref<800x8xi32, #tpu.memory_space<vmem>>[vector<16xi32>, vector<16xi32>], vector<16xi32>,
        %gather3A_350 = tpu.vector_load_idx %arg7[%add3A_339, %and3A_39] : memref<800x8xi32, #tpu.memory_space<vmem>>[vector<16xi32>, vector<16xi32>], vector<16xi32>,
        %gather3A_351 = tpu.vector_load_idx %arg7[%add3A_339, %and3A_45] : memref<800x8xi32, #tpu.memory_space<vmem>>[vector<16xi32>, vector<16xi32>], vector<16xi32>,
        %gather3A_352 = tpu.vector_load_idx %arg7[%add3A_339, %and3A_51] : memref<800x8xi32, #tpu.memory_space<vmem>>[vector<16xi32>, vector<16xi32>], vector<16xi32>,
        %gather3A_353 = tpu.vector_load_idx %arg7[%add3A_339, %and3A_57] : memref<800x8xi32, #tpu.memory_space<vmem>>[vector<16xi32>, vector<16xi32>], vector<16xi32>,
        %gather3A_354 = tpu.vector_load_idx %arg7[%add3A_339, %and3A_63] : memref<800x8xi32, #tpu.memory_space<vmem>>[vector<16xi32>, vector<16xi32>], vector<16xi32>,
        %gather3A_355 = tpu.vector_load_idx %arg7[%add3A_339, %and3A_69] : memref<800x8xi32, #tpu.memory_space<vmem>>[vector<16xi32>, vector<16xi32>], vector<16xi32>,
        %gather3A_356 = tpu.vector_load_idx %arg7[%add3A_339, %and3A_75] : memref<800x8xi32, #tpu.memory_space<vmem>>[vector<16xi32>, vector<16xi32>], vector<16xi32>,
        %gather3A_357 = tpu.vector_load_idx %arg7[%add3A_343, %and3A_33] : memref<800x8xi32, #tpu.memory_space<vmem>>[vector<16xi32>, vector<16xi32>], vector<16xi32>,
        %gather3A_358 = tpu.vector_load_idx %arg7[%add3A_343, %and3A_39] : memref<800x8xi32, #tpu.memory_space<vmem>>[vector<16xi32>, vector<16xi32>], vector<16xi32>,
        %gather3A_359 = tpu.vector_load_idx %arg7[%add3A_343, %and3A_45] : memref<800x8xi32, #tpu.memory_space<vmem>>[vector<16xi32>, vector<16xi32>], vector<16xi32>,
        %gather3A_360 = tpu.vector_load_idx %arg7[%add3A_343, %and3A_51] : memref<800x8xi32, #tpu.memory_space<vmem>>[vector<16xi32>, vector<16xi32>], vector<16xi32>,
        %gather3A_361 = tpu.vector_load_idx %arg7[%add3A_343, %and3A_57] : memref<800x8xi32, #tpu.memory_space<vmem>>[vector<16xi32>, vector<16xi32>], vector<16xi32>,
        %gather3A_362 = tpu.vector_load_idx %arg7[%add3A_343, %and3A_63] : memref<800x8xi32, #tpu.memory_space<vmem>>[vector<16xi32>, vector<16xi32>], vector<16xi32>,
        %gather3A_363 = tpu.vector_load_idx %arg7[%add3A_343, %and3A_69] : memref<800x8xi32, #tpu.memory_space<vmem>>[vector<16xi32>, vector<16xi32>], vector<16xi32>,
        %gather3A_364 = tpu.vector_load_idx %arg7[%add3A_343, %and3A_75] : memref<800x8xi32, #tpu.memory_space<vmem>>[vector<16xi32>, vector<16xi32>], vector<16xi32>,
        %bitcast3A_365 = vector.bitcast %gather3A_349 : vector<16xi32> to vector<32xbf16>
        %bitcast3A_366 = vector.bitcast %gather3A_357 : vector<16xi32> to vector<32xbf16>
        %max3A_367 = arith.maximumf %bitcast3A_365, %bitcast3A_366 : vector<32xbf16>
        %bitcast3A_368 = vector.bitcast %max3A_367 : vector<32xbf16> to vector<16xi32>
        %select_n3A_369 = arith.select %eq3A_345, %bitcast3A_368, %gather3A_349 : vector<16xi1>, vector<16xi32>
        %add3A_370 = arith.addi %mul3A_335, %and3A_33 : vector<16xi32>
        %gather3A_371 = tpu.vector_load_idx %arg6[%add3A_370] : memref<80000xi32, #tpu.memory_space<vmem>>[vector<16xi32>], vector<16xi32>,
        %add3A_372 = arith.addi %mul3A_335, %and3A_33 : vector<16xi32>
        %bitcast3A_373 = vector.bitcast %gather3A_371 : vector<16xi32> to vector<32xbf16>
        %bitcast3A_374 = vector.bitcast %select_n3A_369 : vector<16xi32> to vector<32xbf16>
        %max3A_375 = arith.maximumf %bitcast3A_373, %bitcast3A_374 : vector<32xbf16>
        %bitcast3A_376 = vector.bitcast %max3A_375 : vector<32xbf16> to vector<16xi32>
        tpu.vector_store_idx %arg6[%add3A_372], %bitcast3A_376 masked %not3A_348 : memref<80000xi32, #tpu.memory_space<vmem>>[vector<16xi32>], vector<16xi32>, vector<16xi1>
        %bitcast3A_377 = vector.bitcast %gather3A_350 : vector<16xi32> to vector<32xbf16>
        %bitcast3A_378 = vector.bitcast %gather3A_358 : vector<16xi32> to vector<32xbf16>
        %max3A_379 = arith.maximumf %bitcast3A_377, %bitcast3A_378 : vector<32xbf16>
        %bitcast3A_380 = vector.bitcast %max3A_379 : vector<32xbf16> to vector<16xi32>
        %select_n3A_381 = arith.select %eq3A_345, %bitcast3A_380, %gather3A_350 : vector<16xi1>, vector<16xi32>
        %add3A_382 = arith.addi %mul3A_335, %and3A_39 : vector<16xi32>
        %gather3A_383 = tpu.vector_load_idx %arg6[%add3A_382] : memref<80000xi32, #tpu.memory_space<vmem>>[vector<16xi32>], vector<16xi32>,
        %add3A_384 = arith.addi %mul3A_335, %and3A_39 : vector<16xi32>
        %bitcast3A_385 = vector.bitcast %gather3A_383 : vector<16xi32> to vector<32xbf16>
        %bitcast3A_386 = vector.bitcast %select_n3A_381 : vector<16xi32> to vector<32xbf16>
        %max3A_387 = arith.maximumf %bitcast3A_385, %bitcast3A_386 : vector<32xbf16>
        %bitcast3A_388 = vector.bitcast %max3A_387 : vector<32xbf16> to vector<16xi32>
        tpu.vector_store_idx %arg6[%add3A_384], %bitcast3A_388 masked %not3A_348 : memref<80000xi32, #tpu.memory_space<vmem>>[vector<16xi32>], vector<16xi32>, vector<16xi1>
        %bitcast3A_389 = vector.bitcast %gather3A_351 : vector<16xi32> to vector<32xbf16>
        %bitcast3A_390 = vector.bitcast %gather3A_359 : vector<16xi32> to vector<32xbf16>
        %max3A_391 = arith.maximumf %bitcast3A_389, %bitcast3A_390 : vector<32xbf16>
        %bitcast3A_392 = vector.bitcast %max3A_391 : vector<32xbf16> to vector<16xi32>
        %select_n3A_393 = arith.select %eq3A_345, %bitcast3A_392, %gather3A_351 : vector<16xi1>, vector<16xi32>
        %add3A_394 = arith.addi %mul3A_335, %and3A_45 : vector<16xi32>
        %gather3A_395 = tpu.vector_load_idx %arg6[%add3A_394] : memref<80000xi32, #tpu.memory_space<vmem>>[vector<16xi32>], vector<16xi32>,
        %add3A_396 = arith.addi %mul3A_335, %and3A_45 : vector<16xi32>
        %bitcast3A_397 = vector.bitcast %gather3A_395 : vector<16xi32> to vector<32xbf16>
        %bitcast3A_398 = vector.bitcast %select_n3A_393 : vector<16xi32> to vector<32xbf16>
        %max3A_399 = arith.maximumf %bitcast3A_397, %bitcast3A_398 : vector<32xbf16>
        %bitcast3A_400 = vector.bitcast %max3A_399 : vector<32xbf16> to vector<16xi32>
        tpu.vector_store_idx %arg6[%add3A_396], %bitcast3A_400 masked %not3A_348 : memref<80000xi32, #tpu.memory_space<vmem>>[vector<16xi32>], vector<16xi32>, vector<16xi1>
        %bitcast3A_401 = vector.bitcast %gather3A_352 : vector<16xi32> to vector<32xbf16>
        %bitcast3A_402 = vector.bitcast %gather3A_360 : vector<16xi32> to vector<32xbf16>
        %max3A_403 = arith.maximumf %bitcast3A_401, %bitcast3A_402 : vector<32xbf16>
        %bitcast3A_404 = vector.bitcast %max3A_403 : vector<32xbf16> to vector<16xi32>
        %select_n3A_405 = arith.select %eq3A_345, %bitcast3A_404, %gather3A_352 : vector<16xi1>, vector<16xi32>
        %add3A_406 = arith.addi %mul3A_335, %and3A_51 : vector<16xi32>
        %gather3A_407 = tpu.vector_load_idx %arg6[%add3A_406] : memref<80000xi32, #tpu.memory_space<vmem>>[vector<16xi32>], vector<16xi32>,
        %add3A_408 = arith.addi %mul3A_335, %and3A_51 : vector<16xi32>
        %bitcast3A_409 = vector.bitcast %gather3A_407 : vector<16xi32> to vector<32xbf16>
        %bitcast3A_410 = vector.bitcast %select_n3A_405 : vector<16xi32> to vector<32xbf16>
        %max3A_411 = arith.maximumf %bitcast3A_409, %bitcast3A_410 : vector<32xbf16>
        %bitcast3A_412 = vector.bitcast %max3A_411 : vector<32xbf16> to vector<16xi32>
        tpu.vector_store_idx %arg6[%add3A_408], %bitcast3A_412 masked %not3A_348 : memref<80000xi32, #tpu.memory_space<vmem>>[vector<16xi32>], vector<16xi32>, vector<16xi1>
        %bitcast3A_413 = vector.bitcast %gather3A_353 : vector<16xi32> to vector<32xbf16>
        %bitcast3A_414 = vector.bitcast %gather3A_361 : vector<16xi32> to vector<32xbf16>
        %max3A_415 = arith.maximumf %bitcast3A_413, %bitcast3A_414 : vector<32xbf16>
        %bitcast3A_416 = vector.bitcast %max3A_415 : vector<32xbf16> to vector<16xi32>
        %select_n3A_417 = arith.select %eq3A_345, %bitcast3A_416, %gather3A_353 : vector<16xi1>, vector<16xi32>
        %add3A_418 = arith.addi %mul3A_335, %and3A_57 : vector<16xi32>
        %gather3A_419 = tpu.vector_load_idx %arg6[%add3A_418] : memref<80000xi32, #tpu.memory_space<vmem>>[vector<16xi32>], vector<16xi32>,
        %add3A_420 = arith.addi %mul3A_335, %and3A_57 : vector<16xi32>
        %bitcast3A_421 = vector.bitcast %gather3A_419 : vector<16xi32> to vector<32xbf16>
        %bitcast3A_422 = vector.bitcast %select_n3A_417 : vector<16xi32> to vector<32xbf16>
        %max3A_423 = arith.maximumf %bitcast3A_421, %bitcast3A_422 : vector<32xbf16>
        %bitcast3A_424 = vector.bitcast %max3A_423 : vector<32xbf16> to vector<16xi32>
        tpu.vector_store_idx %arg6[%add3A_420], %bitcast3A_424 masked %not3A_348 : memref<80000xi32, #tpu.memory_space<vmem>>[vector<16xi32>], vector<16xi32>, vector<16xi1>
        %bitcast3A_425 = vector.bitcast %gather3A_354 : vector<16xi32> to vector<32xbf16>
        %bitcast3A_426 = vector.bitcast %gather3A_362 : vector<16xi32> to vector<32xbf16>
        %max3A_427 = arith.maximumf %bitcast3A_425, %bitcast3A_426 : vector<32xbf16>
        %bitcast3A_428 = vector.bitcast %max3A_427 : vector<32xbf16> to vector<16xi32>
        %select_n3A_429 = arith.select %eq3A_345, %bitcast3A_428, %gather3A_354 : vector<16xi1>, vector<16xi32>
        %add3A_430 = arith.addi %mul3A_335, %and3A_63 : vector<16xi32>
        %gather3A_431 = tpu.vector_load_idx %arg6[%add3A_430] : memref<80000xi32, #tpu.memory_space<vmem>>[vector<16xi32>], vector<16xi32>,
        %add3A_432 = arith.addi %mul3A_335, %and3A_63 : vector<16xi32>
        %bitcast3A_433 = vector.bitcast %gather3A_431 : vector<16xi32> to vector<32xbf16>
        %bitcast3A_434 = vector.bitcast %select_n3A_429 : vector<16xi32> to vector<32xbf16>
        %max3A_435 = arith.maximumf %bitcast3A_433, %bitcast3A_434 : vector<32xbf16>
        %bitcast3A_436 = vector.bitcast %max3A_435 : vector<32xbf16> to vector<16xi32>
        tpu.vector_store_idx %arg6[%add3A_432], %bitcast3A_436 masked %not3A_348 : memref<80000xi32, #tpu.memory_space<vmem>>[vector<16xi32>], vector<16xi32>, vector<16xi1>
        %bitcast3A_437 = vector.bitcast %gather3A_355 : vector<16xi32> to vector<32xbf16>
        %bitcast3A_438 = vector.bitcast %gather3A_363 : vector<16xi32> to vector<32xbf16>
        %max3A_439 = arith.maximumf %bitcast3A_437, %bitcast3A_438 : vector<32xbf16>
        %bitcast3A_440 = vector.bitcast %max3A_439 : vector<32xbf16> to vector<16xi32>
        %select_n3A_441 = arith.select %eq3A_345, %bitcast3A_440, %gather3A_355 : vector<16xi1>, vector<16xi32>
        %add3A_442 = arith.addi %mul3A_335, %and3A_69 : vector<16xi32>
        %gather3A_443 = tpu.vector_load_idx %arg6[%add3A_442] : memref<80000xi32, #tpu.memory_space<vmem>>[vector<16xi32>], vector<16xi32>,
        %add3A_444 = arith.addi %mul3A_335, %and3A_69 : vector<16xi32>
        %bitcast3A_445 = vector.bitcast %gather3A_443 : vector<16xi32> to vector<32xbf16>
        %bitcast3A_446 = vector.bitcast %select_n3A_441 : vector<16xi32> to vector<32xbf16>
        %max3A_447 = arith.maximumf %bitcast3A_445, %bitcast3A_446 : vector<32xbf16>
        %bitcast3A_448 = vector.bitcast %max3A_447 : vector<32xbf16> to vector<16xi32>
        tpu.vector_store_idx %arg6[%add3A_444], %bitcast3A_448 masked %not3A_348 : memref<80000xi32, #tpu.memory_space<vmem>>[vector<16xi32>], vector<16xi32>, vector<16xi1>
        %bitcast3A_449 = vector.bitcast %gather3A_356 : vector<16xi32> to vector<32xbf16>
        %bitcast3A_450 = vector.bitcast %gather3A_364 : vector<16xi32> to vector<32xbf16>
        %max3A_451 = arith.maximumf %bitcast3A_449, %bitcast3A_450 : vector<32xbf16>
        %bitcast3A_452 = vector.bitcast %max3A_451 : vector<32xbf16> to vector<16xi32>
        %select_n3A_453 = arith.select %eq3A_345, %bitcast3A_452, %gather3A_356 : vector<16xi1>, vector<16xi32>
        %add3A_454 = arith.addi %mul3A_335, %and3A_75 : vector<16xi32>
        %gather3A_455 = tpu.vector_load_idx %arg6[%add3A_454] : memref<80000xi32, #tpu.memory_space<vmem>>[vector<16xi32>], vector<16xi32>,
        %add3A_456 = arith.addi %mul3A_335, %and3A_75 : vector<16xi32>
        %bitcast3A_457 = vector.bitcast %gather3A_455 : vector<16xi32> to vector<32xbf16>
        %bitcast3A_458 = vector.bitcast %select_n3A_453 : vector<16xi32> to vector<32xbf16>
        %max3A_459 = arith.maximumf %bitcast3A_457, %bitcast3A_458 : vector<32xbf16>
        %bitcast3A_460 = vector.bitcast %max3A_459 : vector<32xbf16> to vector<16xi32>
        tpu.vector_store_idx %arg6[%add3A_456], %bitcast3A_460 masked %not3A_348 : memref<80000xi32, #tpu.memory_space<vmem>>[vector<16xi32>], vector<16xi32>, vector<16xi1>
      }
      %scan3A_163 = arith.constant 50 : i32
      %add3A_164 = arith.constant 2 : i32
      %add3A_165 = arith.addi %add3A_150, %add3A_164 : i32
      %lt3A = arith.constant 100 : i32
      %lt3A_166 = arith.cmpi slt, %add3A_165, %lt3A : i32
      %convert_element_type3A = arith.extui %lt3A_166 : i1 to i32
      %cond3A = arith.constant 0 : i32
      %cond3A_167 = arith.cmpi ne, %convert_element_type3A, %cond3A : i32
      scf.if %cond3A_167 {
        %mul3A_193 = arith.constant 80000 : i32
        %mul3A_194 = arith.muli %and3A_4, %mul3A_193 : i32
        %mul3A_195 = arith.constant 800 : i32
        %mul3A_196 = arith.muli %add3A_165, %mul3A_195 : i32
        %add3A_197 = arith.addi %mul3A_194, %mul3A_196 : i32
        %dma_start3A_198 = tpu.memref_slice %arg3[%add3A_197] : memref<320000xi32, #tpu.memory_space<hbm>> -> memref<800xi32, #tpu.memory_space<hbm>>
        %dma_start3A_199 = tpu.memref_slice %arg3[%add3A_197] : memref<320000xi32, #tpu.memory_space<hbm>> -> memref<800xi32, #tpu.memory_space<hbm>>
        tpu.enqueue_dma source(%dma_start3A_199 : memref<800xi32, #tpu.memory_space<hbm>>) target(%arg9 : memref<800xi32, #tpu.memory_space<vmem>>) target_semaphore(%arg16 : memref<!tpu.dma_semaphore, #tpu.memory_space<semaphore_mem>>)
        %dma_start3A_200 = tpu.memref_slice %arg2[%add3A_197, %mul3A_3] : memref<320000x64xi32, #tpu.memory_space<hbm>> -> memref<800x8xi32, #tpu.memory_space<hbm>>
        %dma_start3A_201 = tpu.memref_slice %arg2[%add3A_197, %mul3A_3] : memref<320000x64xi32, #tpu.memory_space<hbm>> -> memref<800x8xi32, #tpu.memory_space<hbm>>
        tpu.enqueue_dma source(%dma_start3A_201 : memref<800x8xi32, #tpu.memory_space<hbm>>) target(%arg7 : memref<800x8xi32, #tpu.memory_space<vmem>>) target_semaphore(%arg14 : memref<!tpu.dma_semaphore, #tpu.memory_space<semaphore_mem>>)
      } else {
      }
      %mul3A_168 = arith.constant 2 : i32
      %mul3A_169 = arith.muli %add3A_146, %mul3A_168 : i32
      %add3A_170 = arith.constant 1 : i32
      %add3A_171 = arith.addi %mul3A_169, %add3A_170 : i32
      %mul3A_172 = arith.constant 80000 : i32
      %mul3A_173 = arith.muli %and3A_4, %mul3A_172 : i32
      %mul3A_174 = arith.constant 800 : i32
      %mul3A_175 = arith.muli %add3A_171, %mul3A_174 : i32
      %add3A_176 = arith.addi %mul3A_173, %mul3A_175 : i32
      %dma_wait3A_177 = tpu.memref_slice %arg3[%add3A_176] : memref<320000xi32, #tpu.memory_space<hbm>> -> memref<800xi32, #tpu.memory_space<hbm>>
      %dma_wait3A_178 = tpu.memref_slice %arg3[%add3A_176] : memref<320000xi32, #tpu.memory_space<hbm>> -> memref<800xi32, #tpu.memory_space<hbm>>
      tpu.wait_dma2 semaphore(%arg17 : memref<!tpu.dma_semaphore, #tpu.memory_space<semaphore_mem>>) src(%dma_wait3A_178 : memref<800xi32, #tpu.memory_space<hbm>>) dst(%arg10 : memref<800xi32, #tpu.memory_space<vmem>>)
      %dma_wait3A_179 = tpu.memref_slice %arg2[%add3A_176, %mul3A_3] : memref<320000x64xi32, #tpu.memory_space<hbm>> -> memref<800x8xi32, #tpu.memory_space<hbm>>
      %dma_wait3A_180 = tpu.memref_slice %arg2[%add3A_176, %mul3A_3] : memref<320000x64xi32, #tpu.memory_space<hbm>> -> memref<800x8xi32, #tpu.memory_space<hbm>>
      tpu.wait_dma2 semaphore(%arg15 : memref<!tpu.dma_semaphore, #tpu.memory_space<semaphore_mem>>) src(%dma_wait3A_180 : memref<800x8xi32, #tpu.memory_space<hbm>>) dst(%arg8 : memref<800x8xi32, #tpu.memory_space<vmem>>)
      %scan3A_181 = arith.constant 0 : i32
      %scan3A_182 = arith.constant 50 : i32
      %scan3A_183 = arith.addi %scan3A_181, %scan3A_182 : i32
      %scan3A_184 = arith.constant 2 : i32
      scf.for %scan3A_193 = %scan3A_181 to %scan3A_183 step %scan3A_184  : i32 {
        %mul3A_194 = arith.constant 1 : i32
        %mul3A_195 = arith.muli %scan3A_193, %mul3A_194 : i32
        %add3A_196 = arith.constant 0 : i32
        %add3A_197 = arith.addi %add3A_196, %mul3A_195 : i32
        %mul3A_198 = arith.constant 16 : i32
        %mul3A_199 = arith.muli %add3A_197, %mul3A_198 : i32
        %get3A = arith.index_cast %mul3A_199 : i32 to index
        %get3A_200 = tpu.vector_load %arg10[%get3A] {strides = array<i32>} : memref<800xi32, #tpu.memory_space<vmem>>, vector<16xi32>,
        %mul3A_201 = arith.constant 8 : i32
        %mul3A_202 = vector.broadcast %mul3A_201 : i32 to vector<16xi32>
        %mul3A_203 = arith.muli %get3A_200, %mul3A_202 : vector<16xi32>
        %mul3A_204 = arith.constant 16 : i32
        %mul3A_205 = arith.muli %add3A_197, %mul3A_204 : i32
        %add3A_206 = vector.broadcast %mul3A_205 : i32 to vector<16xi32>
        %add3A_207 = arith.addi %add3A_206, %iota3A : vector<16xi32>
        %mul3A_208 = arith.constant 16 : i32
        %mul3A_209 = arith.muli %add3A_197, %mul3A_208 : i32
        %add3A_210 = vector.broadcast %mul3A_209 : i32 to vector<16xi32>
        %add3A_211 = arith.addi %add3A_210, %and3A_21 : vector<16xi32>
        %gather3A = tpu.vector_load_idx %arg10[%add3A_211] : memref<800xi32, #tpu.memory_space<vmem>>[vector<16xi32>], vector<16xi32>,
        %eq3A = arith.cmpi eq, %get3A_200, %gather3A : vector<16xi32>
        %and3A_212 = arith.andi %eq3A, %ge3A_15 : vector<16xi1>
        %not3A = arith.constant dense<true> : vector<16xi1>
        %not3A_213 = arith.xori %and3A_212, %not3A : vector<16xi1>
        %gather3A_214 = tpu.vector_load_idx %arg8[%add3A_207, %and3A_33] : memref<800x8xi32, #tpu.memory_space<vmem>>[vector<16xi32>, vector<16xi32>], vector<16xi32>,
        %gather3A_215 = tpu.vector_load_idx %arg8[%add3A_207, %and3A_39] : memref<800x8xi32, #tpu.memory_space<vmem>>[vector<16xi32>, vector<16xi32>], vector<16xi32>,
        %gather3A_216 = tpu.vector_load_idx %arg8[%add3A_207, %and3A_45] : memref<800x8xi32, #tpu.memory_space<vmem>>[vector<16xi32>, vector<16xi32>], vector<16xi32>,
        %gather3A_217 = tpu.vector_load_idx %arg8[%add3A_207, %and3A_51] : memref<800x8xi32, #tpu.memory_space<vmem>>[vector<16xi32>, vector<16xi32>], vector<16xi32>,
        %gather3A_218 = tpu.vector_load_idx %arg8[%add3A_207, %and3A_57] : memref<800x8xi32, #tpu.memory_space<vmem>>[vector<16xi32>, vector<16xi32>], vector<16xi32>,
        %gather3A_219 = tpu.vector_load_idx %arg8[%add3A_207, %and3A_63] : memref<800x8xi32, #tpu.memory_space<vmem>>[vector<16xi32>, vector<16xi32>], vector<16xi32>,
        %gather3A_220 = tpu.vector_load_idx %arg8[%add3A_207, %and3A_69] : memref<800x8xi32, #tpu.memory_space<vmem>>[vector<16xi32>, vector<16xi32>], vector<16xi32>,
        %gather3A_221 = tpu.vector_load_idx %arg8[%add3A_207, %and3A_75] : memref<800x8xi32, #tpu.memory_space<vmem>>[vector<16xi32>, vector<16xi32>], vector<16xi32>,
        %gather3A_222 = tpu.vector_load_idx %arg8[%add3A_211, %and3A_33] : memref<800x8xi32, #tpu.memory_space<vmem>>[vector<16xi32>, vector<16xi32>], vector<16xi32>,
        %gather3A_223 = tpu.vector_load_idx %arg8[%add3A_211, %and3A_39] : memref<800x8xi32, #tpu.memory_space<vmem>>[vector<16xi32>, vector<16xi32>], vector<16xi32>,
        %gather3A_224 = tpu.vector_load_idx %arg8[%add3A_211, %and3A_45] : memref<800x8xi32, #tpu.memory_space<vmem>>[vector<16xi32>, vector<16xi32>], vector<16xi32>,
        %gather3A_225 = tpu.vector_load_idx %arg8[%add3A_211, %and3A_51] : memref<800x8xi32, #tpu.memory_space<vmem>>[vector<16xi32>, vector<16xi32>], vector<16xi32>,
        %gather3A_226 = tpu.vector_load_idx %arg8[%add3A_211, %and3A_57] : memref<800x8xi32, #tpu.memory_space<vmem>>[vector<16xi32>, vector<16xi32>], vector<16xi32>,
        %gather3A_227 = tpu.vector_load_idx %arg8[%add3A_211, %and3A_63] : memref<800x8xi32, #tpu.memory_space<vmem>>[vector<16xi32>, vector<16xi32>], vector<16xi32>,
        %gather3A_228 = tpu.vector_load_idx %arg8[%add3A_211, %and3A_69] : memref<800x8xi32, #tpu.memory_space<vmem>>[vector<16xi32>, vector<16xi32>], vector<16xi32>,
        %gather3A_229 = tpu.vector_load_idx %arg8[%add3A_211, %and3A_75] : memref<800x8xi32, #tpu.memory_space<vmem>>[vector<16xi32>, vector<16xi32>], vector<16xi32>,
        %bitcast3A = vector.bitcast %gather3A_214 : vector<16xi32> to vector<32xbf16>
        %bitcast3A_230 = vector.bitcast %gather3A_222 : vector<16xi32> to vector<32xbf16>
        %max3A = arith.maximumf %bitcast3A, %bitcast3A_230 : vector<32xbf16>
        %bitcast3A_231 = vector.bitcast %max3A : vector<32xbf16> to vector<16xi32>
        %select_n3A = arith.select %eq3A, %bitcast3A_231, %gather3A_214 : vector<16xi1>, vector<16xi32>
        %add3A_232 = arith.addi %mul3A_203, %and3A_33 : vector<16xi32>
        %gather3A_233 = tpu.vector_load_idx %arg6[%add3A_232] : memref<80000xi32, #tpu.memory_space<vmem>>[vector<16xi32>], vector<16xi32>,
        %add3A_234 = arith.addi %mul3A_203, %and3A_33 : vector<16xi32>
        %bitcast3A_235 = vector.bitcast %gather3A_233 : vector<16xi32> to vector<32xbf16>
        %bitcast3A_236 = vector.bitcast %select_n3A : vector<16xi32> to vector<32xbf16>
        %max3A_237 = arith.maximumf %bitcast3A_235, %bitcast3A_236 : vector<32xbf16>
        %bitcast3A_238 = vector.bitcast %max3A_237 : vector<32xbf16> to vector<16xi32>
        tpu.vector_store_idx %arg6[%add3A_234], %bitcast3A_238 masked %not3A_213 : memref<80000xi32, #tpu.memory_space<vmem>>[vector<16xi32>], vector<16xi32>, vector<16xi1>
        %bitcast3A_239 = vector.bitcast %gather3A_215 : vector<16xi32> to vector<32xbf16>
        %bitcast3A_240 = vector.bitcast %gather3A_223 : vector<16xi32> to vector<32xbf16>
        %max3A_241 = arith.maximumf %bitcast3A_239, %bitcast3A_240 : vector<32xbf16>
        %bitcast3A_242 = vector.bitcast %max3A_241 : vector<32xbf16> to vector<16xi32>
        %select_n3A_243 = arith.select %eq3A, %bitcast3A_242, %gather3A_215 : vector<16xi1>, vector<16xi32>
        %add3A_244 = arith.addi %mul3A_203, %and3A_39 : vector<16xi32>
        %gather3A_245 = tpu.vector_load_idx %arg6[%add3A_244] : memref<80000xi32, #tpu.memory_space<vmem>>[vector<16xi32>], vector<16xi32>,
        %add3A_246 = arith.addi %mul3A_203, %and3A_39 : vector<16xi32>
        %bitcast3A_247 = vector.bitcast %gather3A_245 : vector<16xi32> to vector<32xbf16>
        %bitcast3A_248 = vector.bitcast %select_n3A_243 : vector<16xi32> to vector<32xbf16>
        %max3A_249 = arith.maximumf %bitcast3A_247, %bitcast3A_248 : vector<32xbf16>
        %bitcast3A_250 = vector.bitcast %max3A_249 : vector<32xbf16> to vector<16xi32>
        tpu.vector_store_idx %arg6[%add3A_246], %bitcast3A_250 masked %not3A_213 : memref<80000xi32, #tpu.memory_space<vmem>>[vector<16xi32>], vector<16xi32>, vector<16xi1>
        %bitcast3A_251 = vector.bitcast %gather3A_216 : vector<16xi32> to vector<32xbf16>
        %bitcast3A_252 = vector.bitcast %gather3A_224 : vector<16xi32> to vector<32xbf16>
        %max3A_253 = arith.maximumf %bitcast3A_251, %bitcast3A_252 : vector<32xbf16>
        %bitcast3A_254 = vector.bitcast %max3A_253 : vector<32xbf16> to vector<16xi32>
        %select_n3A_255 = arith.select %eq3A, %bitcast3A_254, %gather3A_216 : vector<16xi1>, vector<16xi32>
        %add3A_256 = arith.addi %mul3A_203, %and3A_45 : vector<16xi32>
        %gather3A_257 = tpu.vector_load_idx %arg6[%add3A_256] : memref<80000xi32, #tpu.memory_space<vmem>>[vector<16xi32>], vector<16xi32>,
        %add3A_258 = arith.addi %mul3A_203, %and3A_45 : vector<16xi32>
        %bitcast3A_259 = vector.bitcast %gather3A_257 : vector<16xi32> to vector<32xbf16>
        %bitcast3A_260 = vector.bitcast %select_n3A_255 : vector<16xi32> to vector<32xbf16>
        %max3A_261 = arith.maximumf %bitcast3A_259, %bitcast3A_260 : vector<32xbf16>
        %bitcast3A_262 = vector.bitcast %max3A_261 : vector<32xbf16> to vector<16xi32>
        tpu.vector_store_idx %arg6[%add3A_258], %bitcast3A_262 masked %not3A_213 : memref<80000xi32, #tpu.memory_space<vmem>>[vector<16xi32>], vector<16xi32>, vector<16xi1>
        %bitcast3A_263 = vector.bitcast %gather3A_217 : vector<16xi32> to vector<32xbf16>
        %bitcast3A_264 = vector.bitcast %gather3A_225 : vector<16xi32> to vector<32xbf16>
        %max3A_265 = arith.maximumf %bitcast3A_263, %bitcast3A_264 : vector<32xbf16>
        %bitcast3A_266 = vector.bitcast %max3A_265 : vector<32xbf16> to vector<16xi32>
        %select_n3A_267 = arith.select %eq3A, %bitcast3A_266, %gather3A_217 : vector<16xi1>, vector<16xi32>
        %add3A_268 = arith.addi %mul3A_203, %and3A_51 : vector<16xi32>
        %gather3A_269 = tpu.vector_load_idx %arg6[%add3A_268] : memref<80000xi32, #tpu.memory_space<vmem>>[vector<16xi32>], vector<16xi32>,
        %add3A_270 = arith.addi %mul3A_203, %and3A_51 : vector<16xi32>
        %bitcast3A_271 = vector.bitcast %gather3A_269 : vector<16xi32> to vector<32xbf16>
        %bitcast3A_272 = vector.bitcast %select_n3A_267 : vector<16xi32> to vector<32xbf16>
        %max3A_273 = arith.maximumf %bitcast3A_271, %bitcast3A_272 : vector<32xbf16>
        %bitcast3A_274 = vector.bitcast %max3A_273 : vector<32xbf16> to vector<16xi32>
        tpu.vector_store_idx %arg6[%add3A_270], %bitcast3A_274 masked %not3A_213 : memref<80000xi32, #tpu.memory_space<vmem>>[vector<16xi32>], vector<16xi32>, vector<16xi1>
        %bitcast3A_275 = vector.bitcast %gather3A_218 : vector<16xi32> to vector<32xbf16>
        %bitcast3A_276 = vector.bitcast %gather3A_226 : vector<16xi32> to vector<32xbf16>
        %max3A_277 = arith.maximumf %bitcast3A_275, %bitcast3A_276 : vector<32xbf16>
        %bitcast3A_278 = vector.bitcast %max3A_277 : vector<32xbf16> to vector<16xi32>
        %select_n3A_279 = arith.select %eq3A, %bitcast3A_278, %gather3A_218 : vector<16xi1>, vector<16xi32>
        %add3A_280 = arith.addi %mul3A_203, %and3A_57 : vector<16xi32>
        %gather3A_281 = tpu.vector_load_idx %arg6[%add3A_280] : memref<80000xi32, #tpu.memory_space<vmem>>[vector<16xi32>], vector<16xi32>,
        %add3A_282 = arith.addi %mul3A_203, %and3A_57 : vector<16xi32>
        %bitcast3A_283 = vector.bitcast %gather3A_281 : vector<16xi32> to vector<32xbf16>
        %bitcast3A_284 = vector.bitcast %select_n3A_279 : vector<16xi32> to vector<32xbf16>
        %max3A_285 = arith.maximumf %bitcast3A_283, %bitcast3A_284 : vector<32xbf16>
        %bitcast3A_286 = vector.bitcast %max3A_285 : vector<32xbf16> to vector<16xi32>
        tpu.vector_store_idx %arg6[%add3A_282], %bitcast3A_286 masked %not3A_213 : memref<80000xi32, #tpu.memory_space<vmem>>[vector<16xi32>], vector<16xi32>, vector<16xi1>
        %bitcast3A_287 = vector.bitcast %gather3A_219 : vector<16xi32> to vector<32xbf16>
        %bitcast3A_288 = vector.bitcast %gather3A_227 : vector<16xi32> to vector<32xbf16>
        %max3A_289 = arith.maximumf %bitcast3A_287, %bitcast3A_288 : vector<32xbf16>
        %bitcast3A_290 = vector.bitcast %max3A_289 : vector<32xbf16> to vector<16xi32>
        %select_n3A_291 = arith.select %eq3A, %bitcast3A_290, %gather3A_219 : vector<16xi1>, vector<16xi32>
        %add3A_292 = arith.addi %mul3A_203, %and3A_63 : vector<16xi32>
        %gather3A_293 = tpu.vector_load_idx %arg6[%add3A_292] : memref<80000xi32, #tpu.memory_space<vmem>>[vector<16xi32>], vector<16xi32>,
        %add3A_294 = arith.addi %mul3A_203, %and3A_63 : vector<16xi32>
        %bitcast3A_295 = vector.bitcast %gather3A_293 : vector<16xi32> to vector<32xbf16>
        %bitcast3A_296 = vector.bitcast %select_n3A_291 : vector<16xi32> to vector<32xbf16>
        %max3A_297 = arith.maximumf %bitcast3A_295, %bitcast3A_296 : vector<32xbf16>
        %bitcast3A_298 = vector.bitcast %max3A_297 : vector<32xbf16> to vector<16xi32>
        tpu.vector_store_idx %arg6[%add3A_294], %bitcast3A_298 masked %not3A_213 : memref<80000xi32, #tpu.memory_space<vmem>>[vector<16xi32>], vector<16xi32>, vector<16xi1>
        %bitcast3A_299 = vector.bitcast %gather3A_220 : vector<16xi32> to vector<32xbf16>
        %bitcast3A_300 = vector.bitcast %gather3A_228 : vector<16xi32> to vector<32xbf16>
        %max3A_301 = arith.maximumf %bitcast3A_299, %bitcast3A_300 : vector<32xbf16>
        %bitcast3A_302 = vector.bitcast %max3A_301 : vector<32xbf16> to vector<16xi32>
        %select_n3A_303 = arith.select %eq3A, %bitcast3A_302, %gather3A_220 : vector<16xi1>, vector<16xi32>
        %add3A_304 = arith.addi %mul3A_203, %and3A_69 : vector<16xi32>
        %gather3A_305 = tpu.vector_load_idx %arg6[%add3A_304] : memref<80000xi32, #tpu.memory_space<vmem>>[vector<16xi32>], vector<16xi32>,
        %add3A_306 = arith.addi %mul3A_203, %and3A_69 : vector<16xi32>
        %bitcast3A_307 = vector.bitcast %gather3A_305 : vector<16xi32> to vector<32xbf16>
        %bitcast3A_308 = vector.bitcast %select_n3A_303 : vector<16xi32> to vector<32xbf16>
        %max3A_309 = arith.maximumf %bitcast3A_307, %bitcast3A_308 : vector<32xbf16>
        %bitcast3A_310 = vector.bitcast %max3A_309 : vector<32xbf16> to vector<16xi32>
        tpu.vector_store_idx %arg6[%add3A_306], %bitcast3A_310 masked %not3A_213 : memref<80000xi32, #tpu.memory_space<vmem>>[vector<16xi32>], vector<16xi32>, vector<16xi1>
        %bitcast3A_311 = vector.bitcast %gather3A_221 : vector<16xi32> to vector<32xbf16>
        %bitcast3A_312 = vector.bitcast %gather3A_229 : vector<16xi32> to vector<32xbf16>
        %max3A_313 = arith.maximumf %bitcast3A_311, %bitcast3A_312 : vector<32xbf16>
        %bitcast3A_314 = vector.bitcast %max3A_313 : vector<32xbf16> to vector<16xi32>
        %select_n3A_315 = arith.select %eq3A, %bitcast3A_314, %gather3A_221 : vector<16xi1>, vector<16xi32>
        %add3A_316 = arith.addi %mul3A_203, %and3A_75 : vector<16xi32>
        %gather3A_317 = tpu.vector_load_idx %arg6[%add3A_316] : memref<80000xi32, #tpu.memory_space<vmem>>[vector<16xi32>], vector<16xi32>,
        %add3A_318 = arith.addi %mul3A_203, %and3A_75 : vector<16xi32>
        %bitcast3A_319 = vector.bitcast %gather3A_317 : vector<16xi32> to vector<32xbf16>
        %bitcast3A_320 = vector.bitcast %select_n3A_315 : vector<16xi32> to vector<32xbf16>
        %max3A_321 = arith.maximumf %bitcast3A_319, %bitcast3A_320 : vector<32xbf16>
        %bitcast3A_322 = vector.bitcast %max3A_321 : vector<32xbf16> to vector<16xi32>
        tpu.vector_store_idx %arg6[%add3A_318], %bitcast3A_322 masked %not3A_213 : memref<80000xi32, #tpu.memory_space<vmem>>[vector<16xi32>], vector<16xi32>, vector<16xi1>
        %scan3A_323 = arith.constant 1 : i32
        %scan3A_324 = arith.addi %scan3A_193, %scan3A_323 : i32
        %mul3A_325 = arith.constant 1 : i32
        %mul3A_326 = arith.muli %scan3A_324, %mul3A_325 : i32
        %add3A_327 = arith.constant 0 : i32
        %add3A_328 = arith.addi %add3A_327, %mul3A_326 : i32
        %mul3A_329 = arith.constant 16 : i32
        %mul3A_330 = arith.muli %add3A_328, %mul3A_329 : i32
        %get3A_331 = arith.index_cast %mul3A_330 : i32 to index
        %get3A_332 = tpu.vector_load %arg10[%get3A_331] {strides = array<i32>} : memref<800xi32, #tpu.memory_space<vmem>>, vector<16xi32>,
        %mul3A_333 = arith.constant 8 : i32
        %mul3A_334 = vector.broadcast %mul3A_333 : i32 to vector<16xi32>
        %mul3A_335 = arith.muli %get3A_332, %mul3A_334 : vector<16xi32>
        %mul3A_336 = arith.constant 16 : i32
        %mul3A_337 = arith.muli %add3A_328, %mul3A_336 : i32
        %add3A_338 = vector.broadcast %mul3A_337 : i32 to vector<16xi32>
        %add3A_339 = arith.addi %add3A_338, %iota3A : vector<16xi32>
        %mul3A_340 = arith.constant 16 : i32
        %mul3A_341 = arith.muli %add3A_328, %mul3A_340 : i32
        %add3A_342 = vector.broadcast %mul3A_341 : i32 to vector<16xi32>
        %add3A_343 = arith.addi %add3A_342, %and3A_21 : vector<16xi32>
        %gather3A_344 = tpu.vector_load_idx %arg10[%add3A_343] : memref<800xi32, #tpu.memory_space<vmem>>[vector<16xi32>], vector<16xi32>,
        %eq3A_345 = arith.cmpi eq, %get3A_332, %gather3A_344 : vector<16xi32>
        %and3A_346 = arith.andi %eq3A_345, %ge3A_15 : vector<16xi1>
        %not3A_347 = arith.constant dense<true> : vector<16xi1>
        %not3A_348 = arith.xori %and3A_346, %not3A_347 : vector<16xi1>
        %gather3A_349 = tpu.vector_load_idx %arg8[%add3A_339, %and3A_33] : memref<800x8xi32, #tpu.memory_space<vmem>>[vector<16xi32>, vector<16xi32>], vector<16xi32>,
        %gather3A_350 = tpu.vector_load_idx %arg8[%add3A_339, %and3A_39] : memref<800x8xi32, #tpu.memory_space<vmem>>[vector<16xi32>, vector<16xi32>], vector<16xi32>,
        %gather3A_351 = tpu.vector_load_idx %arg8[%add3A_339, %and3A_45] : memref<800x8xi32, #tpu.memory_space<vmem>>[vector<16xi32>, vector<16xi32>], vector<16xi32>,
        %gather3A_352 = tpu.vector_load_idx %arg8[%add3A_339, %and3A_51] : memref<800x8xi32, #tpu.memory_space<vmem>>[vector<16xi32>, vector<16xi32>], vector<16xi32>,
        %gather3A_353 = tpu.vector_load_idx %arg8[%add3A_339, %and3A_57] : memref<800x8xi32, #tpu.memory_space<vmem>>[vector<16xi32>, vector<16xi32>], vector<16xi32>,
        %gather3A_354 = tpu.vector_load_idx %arg8[%add3A_339, %and3A_63] : memref<800x8xi32, #tpu.memory_space<vmem>>[vector<16xi32>, vector<16xi32>], vector<16xi32>,
        %gather3A_355 = tpu.vector_load_idx %arg8[%add3A_339, %and3A_69] : memref<800x8xi32, #tpu.memory_space<vmem>>[vector<16xi32>, vector<16xi32>], vector<16xi32>,
        %gather3A_356 = tpu.vector_load_idx %arg8[%add3A_339, %and3A_75] : memref<800x8xi32, #tpu.memory_space<vmem>>[vector<16xi32>, vector<16xi32>], vector<16xi32>,
        %gather3A_357 = tpu.vector_load_idx %arg8[%add3A_343, %and3A_33] : memref<800x8xi32, #tpu.memory_space<vmem>>[vector<16xi32>, vector<16xi32>], vector<16xi32>,
        %gather3A_358 = tpu.vector_load_idx %arg8[%add3A_343, %and3A_39] : memref<800x8xi32, #tpu.memory_space<vmem>>[vector<16xi32>, vector<16xi32>], vector<16xi32>,
        %gather3A_359 = tpu.vector_load_idx %arg8[%add3A_343, %and3A_45] : memref<800x8xi32, #tpu.memory_space<vmem>>[vector<16xi32>, vector<16xi32>], vector<16xi32>,
        %gather3A_360 = tpu.vector_load_idx %arg8[%add3A_343, %and3A_51] : memref<800x8xi32, #tpu.memory_space<vmem>>[vector<16xi32>, vector<16xi32>], vector<16xi32>,
        %gather3A_361 = tpu.vector_load_idx %arg8[%add3A_343, %and3A_57] : memref<800x8xi32, #tpu.memory_space<vmem>>[vector<16xi32>, vector<16xi32>], vector<16xi32>,
        %gather3A_362 = tpu.vector_load_idx %arg8[%add3A_343, %and3A_63] : memref<800x8xi32, #tpu.memory_space<vmem>>[vector<16xi32>, vector<16xi32>], vector<16xi32>,
        %gather3A_363 = tpu.vector_load_idx %arg8[%add3A_343, %and3A_69] : memref<800x8xi32, #tpu.memory_space<vmem>>[vector<16xi32>, vector<16xi32>], vector<16xi32>,
        %gather3A_364 = tpu.vector_load_idx %arg8[%add3A_343, %and3A_75] : memref<800x8xi32, #tpu.memory_space<vmem>>[vector<16xi32>, vector<16xi32>], vector<16xi32>,
        %bitcast3A_365 = vector.bitcast %gather3A_349 : vector<16xi32> to vector<32xbf16>
        %bitcast3A_366 = vector.bitcast %gather3A_357 : vector<16xi32> to vector<32xbf16>
        %max3A_367 = arith.maximumf %bitcast3A_365, %bitcast3A_366 : vector<32xbf16>
        %bitcast3A_368 = vector.bitcast %max3A_367 : vector<32xbf16> to vector<16xi32>
        %select_n3A_369 = arith.select %eq3A_345, %bitcast3A_368, %gather3A_349 : vector<16xi1>, vector<16xi32>
        %add3A_370 = arith.addi %mul3A_335, %and3A_33 : vector<16xi32>
        %gather3A_371 = tpu.vector_load_idx %arg6[%add3A_370] : memref<80000xi32, #tpu.memory_space<vmem>>[vector<16xi32>], vector<16xi32>,
        %add3A_372 = arith.addi %mul3A_335, %and3A_33 : vector<16xi32>
        %bitcast3A_373 = vector.bitcast %gather3A_371 : vector<16xi32> to vector<32xbf16>
        %bitcast3A_374 = vector.bitcast %select_n3A_369 : vector<16xi32> to vector<32xbf16>
        %max3A_375 = arith.maximumf %bitcast3A_373, %bitcast3A_374 : vector<32xbf16>
        %bitcast3A_376 = vector.bitcast %max3A_375 : vector<32xbf16> to vector<16xi32>
        tpu.vector_store_idx %arg6[%add3A_372], %bitcast3A_376 masked %not3A_348 : memref<80000xi32, #tpu.memory_space<vmem>>[vector<16xi32>], vector<16xi32>, vector<16xi1>
        %bitcast3A_377 = vector.bitcast %gather3A_350 : vector<16xi32> to vector<32xbf16>
        %bitcast3A_378 = vector.bitcast %gather3A_358 : vector<16xi32> to vector<32xbf16>
        %max3A_379 = arith.maximumf %bitcast3A_377, %bitcast3A_378 : vector<32xbf16>
        %bitcast3A_380 = vector.bitcast %max3A_379 : vector<32xbf16> to vector<16xi32>
        %select_n3A_381 = arith.select %eq3A_345, %bitcast3A_380, %gather3A_350 : vector<16xi1>, vector<16xi32>
        %add3A_382 = arith.addi %mul3A_335, %and3A_39 : vector<16xi32>
        %gather3A_383 = tpu.vector_load_idx %arg6[%add3A_382] : memref<80000xi32, #tpu.memory_space<vmem>>[vector<16xi32>], vector<16xi32>,
        %add3A_384 = arith.addi %mul3A_335, %and3A_39 : vector<16xi32>
        %bitcast3A_385 = vector.bitcast %gather3A_383 : vector<16xi32> to vector<32xbf16>
        %bitcast3A_386 = vector.bitcast %select_n3A_381 : vector<16xi32> to vector<32xbf16>
        %max3A_387 = arith.maximumf %bitcast3A_385, %bitcast3A_386 : vector<32xbf16>
        %bitcast3A_388 = vector.bitcast %max3A_387 : vector<32xbf16> to vector<16xi32>
        tpu.vector_store_idx %arg6[%add3A_384], %bitcast3A_388 masked %not3A_348 : memref<80000xi32, #tpu.memory_space<vmem>>[vector<16xi32>], vector<16xi32>, vector<16xi1>
        %bitcast3A_389 = vector.bitcast %gather3A_351 : vector<16xi32> to vector<32xbf16>
        %bitcast3A_390 = vector.bitcast %gather3A_359 : vector<16xi32> to vector<32xbf16>
        %max3A_391 = arith.maximumf %bitcast3A_389, %bitcast3A_390 : vector<32xbf16>
        %bitcast3A_392 = vector.bitcast %max3A_391 : vector<32xbf16> to vector<16xi32>
        %select_n3A_393 = arith.select %eq3A_345, %bitcast3A_392, %gather3A_351 : vector<16xi1>, vector<16xi32>
        %add3A_394 = arith.addi %mul3A_335, %and3A_45 : vector<16xi32>
        %gather3A_395 = tpu.vector_load_idx %arg6[%add3A_394] : memref<80000xi32, #tpu.memory_space<vmem>>[vector<16xi32>], vector<16xi32>,
        %add3A_396 = arith.addi %mul3A_335, %and3A_45 : vector<16xi32>
        %bitcast3A_397 = vector.bitcast %gather3A_395 : vector<16xi32> to vector<32xbf16>
        %bitcast3A_398 = vector.bitcast %select_n3A_393 : vector<16xi32> to vector<32xbf16>
        %max3A_399 = arith.maximumf %bitcast3A_397, %bitcast3A_398 : vector<32xbf16>
        %bitcast3A_400 = vector.bitcast %max3A_399 : vector<32xbf16> to vector<16xi32>
        tpu.vector_store_idx %arg6[%add3A_396], %bitcast3A_400 masked %not3A_348 : memref<80000xi32, #tpu.memory_space<vmem>>[vector<16xi32>], vector<16xi32>, vector<16xi1>
        %bitcast3A_401 = vector.bitcast %gather3A_352 : vector<16xi32> to vector<32xbf16>
        %bitcast3A_402 = vector.bitcast %gather3A_360 : vector<16xi32> to vector<32xbf16>
        %max3A_403 = arith.maximumf %bitcast3A_401, %bitcast3A_402 : vector<32xbf16>
        %bitcast3A_404 = vector.bitcast %max3A_403 : vector<32xbf16> to vector<16xi32>
        %select_n3A_405 = arith.select %eq3A_345, %bitcast3A_404, %gather3A_352 : vector<16xi1>, vector<16xi32>
        %add3A_406 = arith.addi %mul3A_335, %and3A_51 : vector<16xi32>
        %gather3A_407 = tpu.vector_load_idx %arg6[%add3A_406] : memref<80000xi32, #tpu.memory_space<vmem>>[vector<16xi32>], vector<16xi32>,
        %add3A_408 = arith.addi %mul3A_335, %and3A_51 : vector<16xi32>
        %bitcast3A_409 = vector.bitcast %gather3A_407 : vector<16xi32> to vector<32xbf16>
        %bitcast3A_410 = vector.bitcast %select_n3A_405 : vector<16xi32> to vector<32xbf16>
        %max3A_411 = arith.maximumf %bitcast3A_409, %bitcast3A_410 : vector<32xbf16>
        %bitcast3A_412 = vector.bitcast %max3A_411 : vector<32xbf16> to vector<16xi32>
        tpu.vector_store_idx %arg6[%add3A_408], %bitcast3A_412 masked %not3A_348 : memref<80000xi32, #tpu.memory_space<vmem>>[vector<16xi32>], vector<16xi32>, vector<16xi1>
        %bitcast3A_413 = vector.bitcast %gather3A_353 : vector<16xi32> to vector<32xbf16>
        %bitcast3A_414 = vector.bitcast %gather3A_361 : vector<16xi32> to vector<32xbf16>
        %max3A_415 = arith.maximumf %bitcast3A_413, %bitcast3A_414 : vector<32xbf16>
        %bitcast3A_416 = vector.bitcast %max3A_415 : vector<32xbf16> to vector<16xi32>
        %select_n3A_417 = arith.select %eq3A_345, %bitcast3A_416, %gather3A_353 : vector<16xi1>, vector<16xi32>
        %add3A_418 = arith.addi %mul3A_335, %and3A_57 : vector<16xi32>
        %gather3A_419 = tpu.vector_load_idx %arg6[%add3A_418] : memref<80000xi32, #tpu.memory_space<vmem>>[vector<16xi32>], vector<16xi32>,
        %add3A_420 = arith.addi %mul3A_335, %and3A_57 : vector<16xi32>
        %bitcast3A_421 = vector.bitcast %gather3A_419 : vector<16xi32> to vector<32xbf16>
        %bitcast3A_422 = vector.bitcast %select_n3A_417 : vector<16xi32> to vector<32xbf16>
        %max3A_423 = arith.maximumf %bitcast3A_421, %bitcast3A_422 : vector<32xbf16>
        %bitcast3A_424 = vector.bitcast %max3A_423 : vector<32xbf16> to vector<16xi32>
        tpu.vector_store_idx %arg6[%add3A_420], %bitcast3A_424 masked %not3A_348 : memref<80000xi32, #tpu.memory_space<vmem>>[vector<16xi32>], vector<16xi32>, vector<16xi1>
        %bitcast3A_425 = vector.bitcast %gather3A_354 : vector<16xi32> to vector<32xbf16>
        %bitcast3A_426 = vector.bitcast %gather3A_362 : vector<16xi32> to vector<32xbf16>
        %max3A_427 = arith.maximumf %bitcast3A_425, %bitcast3A_426 : vector<32xbf16>
        %bitcast3A_428 = vector.bitcast %max3A_427 : vector<32xbf16> to vector<16xi32>
        %select_n3A_429 = arith.select %eq3A_345, %bitcast3A_428, %gather3A_354 : vector<16xi1>, vector<16xi32>
        %add3A_430 = arith.addi %mul3A_335, %and3A_63 : vector<16xi32>
        %gather3A_431 = tpu.vector_load_idx %arg6[%add3A_430] : memref<80000xi32, #tpu.memory_space<vmem>>[vector<16xi32>], vector<16xi32>,
        %add3A_432 = arith.addi %mul3A_335, %and3A_63 : vector<16xi32>
        %bitcast3A_433 = vector.bitcast %gather3A_431 : vector<16xi32> to vector<32xbf16>
        %bitcast3A_434 = vector.bitcast %select_n3A_429 : vector<16xi32> to vector<32xbf16>
        %max3A_435 = arith.maximumf %bitcast3A_433, %bitcast3A_434 : vector<32xbf16>
        %bitcast3A_436 = vector.bitcast %max3A_435 : vector<32xbf16> to vector<16xi32>
        tpu.vector_store_idx %arg6[%add3A_432], %bitcast3A_436 masked %not3A_348 : memref<80000xi32, #tpu.memory_space<vmem>>[vector<16xi32>], vector<16xi32>, vector<16xi1>
        %bitcast3A_437 = vector.bitcast %gather3A_355 : vector<16xi32> to vector<32xbf16>
        %bitcast3A_438 = vector.bitcast %gather3A_363 : vector<16xi32> to vector<32xbf16>
        %max3A_439 = arith.maximumf %bitcast3A_437, %bitcast3A_438 : vector<32xbf16>
        %bitcast3A_440 = vector.bitcast %max3A_439 : vector<32xbf16> to vector<16xi32>
        %select_n3A_441 = arith.select %eq3A_345, %bitcast3A_440, %gather3A_355 : vector<16xi1>, vector<16xi32>
        %add3A_442 = arith.addi %mul3A_335, %and3A_69 : vector<16xi32>
        %gather3A_443 = tpu.vector_load_idx %arg6[%add3A_442] : memref<80000xi32, #tpu.memory_space<vmem>>[vector<16xi32>], vector<16xi32>,
        %add3A_444 = arith.addi %mul3A_335, %and3A_69 : vector<16xi32>
        %bitcast3A_445 = vector.bitcast %gather3A_443 : vector<16xi32> to vector<32xbf16>
        %bitcast3A_446 = vector.bitcast %select_n3A_441 : vector<16xi32> to vector<32xbf16>
        %max3A_447 = arith.maximumf %bitcast3A_445, %bitcast3A_446 : vector<32xbf16>
        %bitcast3A_448 = vector.bitcast %max3A_447 : vector<32xbf16> to vector<16xi32>
        tpu.vector_store_idx %arg6[%add3A_444], %bitcast3A_448 masked %not3A_348 : memref<80000xi32, #tpu.memory_space<vmem>>[vector<16xi32>], vector<16xi32>, vector<16xi1>
        %bitcast3A_449 = vector.bitcast %gather3A_356 : vector<16xi32> to vector<32xbf16>
        %bitcast3A_450 = vector.bitcast %gather3A_364 : vector<16xi32> to vector<32xbf16>
        %max3A_451 = arith.maximumf %bitcast3A_449, %bitcast3A_450 : vector<32xbf16>
        %bitcast3A_452 = vector.bitcast %max3A_451 : vector<32xbf16> to vector<16xi32>
        %select_n3A_453 = arith.select %eq3A_345, %bitcast3A_452, %gather3A_356 : vector<16xi1>, vector<16xi32>
        %add3A_454 = arith.addi %mul3A_335, %and3A_75 : vector<16xi32>
        %gather3A_455 = tpu.vector_load_idx %arg6[%add3A_454] : memref<80000xi32, #tpu.memory_space<vmem>>[vector<16xi32>], vector<16xi32>,
        %add3A_456 = arith.addi %mul3A_335, %and3A_75 : vector<16xi32>
        %bitcast3A_457 = vector.bitcast %gather3A_455 : vector<16xi32> to vector<32xbf16>
        %bitcast3A_458 = vector.bitcast %select_n3A_453 : vector<16xi32> to vector<32xbf16>
        %max3A_459 = arith.maximumf %bitcast3A_457, %bitcast3A_458 : vector<32xbf16>
        %bitcast3A_460 = vector.bitcast %max3A_459 : vector<32xbf16> to vector<16xi32>
        tpu.vector_store_idx %arg6[%add3A_456], %bitcast3A_460 masked %not3A_348 : memref<80000xi32, #tpu.memory_space<vmem>>[vector<16xi32>], vector<16xi32>, vector<16xi1>
      }
      %scan3A_185 = arith.constant 50 : i32
      %add3A_186 = arith.constant 2 : i32
      %add3A_187 = arith.addi %add3A_171, %add3A_186 : i32
      %lt3A_188 = arith.constant 100 : i32
      %lt3A_189 = arith.cmpi slt, %add3A_187, %lt3A_188 : i32
      %convert_element_type3A_190 = arith.extui %lt3A_189 : i1 to i32
      %cond3A_191 = arith.constant 0 : i32
      %cond3A_192 = arith.cmpi ne, %convert_element_type3A_190, %cond3A_191 : i32
      scf.if %cond3A_192 {
        %mul3A_193 = arith.constant 80000 : i32
        %mul3A_194 = arith.muli %and3A_4, %mul3A_193 : i32
        %mul3A_195 = arith.constant 800 : i32
        %mul3A_196 = arith.muli %add3A_187, %mul3A_195 : i32
        %add3A_197 = arith.addi %mul3A_194, %mul3A_196 : i32
        %dma_start3A_198 = tpu.memref_slice %arg3[%add3A_197] : memref<320000xi32, #tpu.memory_space<hbm>> -> memref<800xi32, #tpu.memory_space<hbm>>
        %dma_start3A_199 = tpu.memref_slice %arg3[%add3A_197] : memref<320000xi32, #tpu.memory_space<hbm>> -> memref<800xi32, #tpu.memory_space<hbm>>
        tpu.enqueue_dma source(%dma_start3A_199 : memref<800xi32, #tpu.memory_space<hbm>>) target(%arg10 : memref<800xi32, #tpu.memory_space<vmem>>) target_semaphore(%arg17 : memref<!tpu.dma_semaphore, #tpu.memory_space<semaphore_mem>>)
        %dma_start3A_200 = tpu.memref_slice %arg2[%add3A_197, %mul3A_3] : memref<320000x64xi32, #tpu.memory_space<hbm>> -> memref<800x8xi32, #tpu.memory_space<hbm>>
        %dma_start3A_201 = tpu.memref_slice %arg2[%add3A_197, %mul3A_3] : memref<320000x64xi32, #tpu.memory_space<hbm>> -> memref<800x8xi32, #tpu.memory_space<hbm>>
        tpu.enqueue_dma source(%dma_start3A_201 : memref<800x8xi32, #tpu.memory_space<hbm>>) target(%arg8 : memref<800x8xi32, #tpu.memory_space<vmem>>) target_semaphore(%arg15 : memref<!tpu.dma_semaphore, #tpu.memory_space<semaphore_mem>>)
      } else {
      }
    }
    %scan3A_100 = arith.constant 50 : i32
    "tpu.region"() ({
      %run_scoped3A = tpu.sem_alloc : memref<!tpu.dma_semaphore, #tpu.memory_space<semaphore_mem>>
      %dma_start3A_142 = arith.constant 0 : i32
      %dma_start3A_143 = tpu.memref_slice %arg5[%add3A_7, %dma_start3A_142] : memref<32x80000xi32, #tpu.memory_space<hbm>> -> memref<1x80000xi32, #tpu.memory_space<hbm>>
      %dma_start3A_144 = tpu.memref_squeeze %dma_start3A_143 : memref<1x80000xi32, #tpu.memory_space<hbm>> -> memref<80000xi32, #tpu.memory_space<hbm>>
      %dma_start3A_145 = arith.constant 0 : i32
      %dma_start3A_146 = tpu.memref_slice %arg5[%add3A_7, %dma_start3A_145] : memref<32x80000xi32, #tpu.memory_space<hbm>> -> memref<1x80000xi32, #tpu.memory_space<hbm>>
      %dma_start3A_147 = tpu.memref_squeeze %dma_start3A_146 : memref<1x80000xi32, #tpu.memory_space<hbm>> -> memref<80000xi32, #tpu.memory_space<hbm>>
      tpu.enqueue_dma source(%arg6 : memref<80000xi32, #tpu.memory_space<vmem>>) target(%dma_start3A_147 : memref<80000xi32, #tpu.memory_space<hbm>>) target_semaphore(%run_scoped3A : memref<!tpu.dma_semaphore, #tpu.memory_space<semaphore_mem>>)
      %dma_wait3A = arith.constant 0 : i32
      %dma_wait3A_148 = tpu.memref_slice %arg5[%add3A_7, %dma_wait3A] : memref<32x80000xi32, #tpu.memory_space<hbm>> -> memref<1x80000xi32, #tpu.memory_space<hbm>>
      %dma_wait3A_149 = tpu.memref_squeeze %dma_wait3A_148 : memref<1x80000xi32, #tpu.memory_space<hbm>> -> memref<80000xi32, #tpu.memory_space<hbm>>
      %dma_wait3A_150 = arith.constant 0 : i32
      %dma_wait3A_151 = tpu.memref_slice %arg5[%add3A_7, %dma_wait3A_150] : memref<32x80000xi32, #tpu.memory_space<hbm>> -> memref<1x80000xi32, #tpu.memory_space<hbm>>
      %dma_wait3A_152 = tpu.memref_squeeze %dma_wait3A_151 : memref<1x80000xi32, #tpu.memory_space<hbm>> -> memref<80000xi32, #tpu.memory_space<hbm>>
      tpu.wait_dma2 semaphore(%run_scoped3A : memref<!tpu.dma_semaphore, #tpu.memory_space<semaphore_mem>>) src(%arg6 : memref<80000xi32, #tpu.memory_space<vmem>>) dst(%dma_wait3A_152 : memref<80000xi32, #tpu.memory_space<hbm>>)
      tpu.yield
    }) : () -> ()
    %barrier3A = arith.constant 0 : index
    tpu.barrier barrier_id(%barrier3A)
    %mul3A_101 = arith.constant 2500 : i32
    %mul3A_102 = arith.muli %and3A_4, %mul3A_101 : i32
    %mul3A_103 = arith.constant 8 : i32
    %mul3A_104 = arith.muli %mul3A_102, %mul3A_103 : i32
    %sub3A = arith.subi %add3A_7, %and3A_4 : i32
    %add3A_105 = arith.constant 1 : i32
    %add3A_106 = arith.addi %and3A_4, %add3A_105 : i32
    %and3A_107 = arith.constant 3 : i32
    %and3A_108 = arith.andi %add3A_106, %and3A_107 : i32
    %add3A_109 = arith.addi %sub3A, %and3A_108 : i32
    "tpu.region"() ({
      %run_scoped3A = tpu.sem_alloc : memref<!tpu.dma_semaphore, #tpu.memory_space<semaphore_mem>>
      %dma_start3A_142 = tpu.memref_slice %arg5[%add3A_109, %mul3A_104] : memref<32x80000xi32, #tpu.memory_space<hbm>> -> memref<1x20000xi32, #tpu.memory_space<hbm>>
      %dma_start3A_143 = tpu.memref_squeeze %dma_start3A_142 : memref<1x20000xi32, #tpu.memory_space<hbm>> -> memref<20000xi32, #tpu.memory_space<hbm>>
      %dma_start3A_144 = tpu.memref_slice %arg5[%add3A_109, %mul3A_104] : memref<32x80000xi32, #tpu.memory_space<hbm>> -> memref<1x20000xi32, #tpu.memory_space<hbm>>
      %dma_start3A_145 = tpu.memref_squeeze %dma_start3A_144 : memref<1x20000xi32, #tpu.memory_space<hbm>> -> memref<20000xi32, #tpu.memory_space<hbm>>
      tpu.enqueue_dma source(%dma_start3A_145 : memref<20000xi32, #tpu.memory_space<hbm>>) target(%arg11 : memref<20000xi32, #tpu.memory_space<vmem>>) target_semaphore(%run_scoped3A : memref<!tpu.dma_semaphore, #tpu.memory_space<semaphore_mem>>)
      %dma_wait3A = tpu.memref_slice %arg5[%add3A_109, %mul3A_104] : memref<32x80000xi32, #tpu.memory_space<hbm>> -> memref<1x20000xi32, #tpu.memory_space<hbm>>
      %dma_wait3A_146 = tpu.memref_squeeze %dma_wait3A : memref<1x20000xi32, #tpu.memory_space<hbm>> -> memref<20000xi32, #tpu.memory_space<hbm>>
      %dma_wait3A_147 = tpu.memref_slice %arg5[%add3A_109, %mul3A_104] : memref<32x80000xi32, #tpu.memory_space<hbm>> -> memref<1x20000xi32, #tpu.memory_space<hbm>>
      %dma_wait3A_148 = tpu.memref_squeeze %dma_wait3A_147 : memref<1x20000xi32, #tpu.memory_space<hbm>> -> memref<20000xi32, #tpu.memory_space<hbm>>
      tpu.wait_dma2 semaphore(%run_scoped3A : memref<!tpu.dma_semaphore, #tpu.memory_space<semaphore_mem>>) src(%dma_wait3A_148 : memref<20000xi32, #tpu.memory_space<hbm>>) dst(%arg11 : memref<20000xi32, #tpu.memory_space<vmem>>)
      tpu.yield
    }) : () -> ()
    %scan3A_110 = arith.constant 0 : i32
    %scan3A_111 = arith.constant 1250 : i32
    %scan3A_112 = arith.addi %scan3A_110, %scan3A_111 : i32
    %scan3A_113 = arith.constant 1 : i32
    scf.for %scan3A_142 = %scan3A_110 to %scan3A_112 step %scan3A_113  : i32 {
      %mul3A_143 = arith.constant 1 : i32
      %mul3A_144 = arith.muli %scan3A_142, %mul3A_143 : i32
      %add3A_145 = arith.constant 0 : i32
      %add3A_146 = arith.addi %add3A_145, %mul3A_144 : i32
      %mul3A_147 = arith.constant 16 : i32
      %mul3A_148 = arith.muli %add3A_146, %mul3A_147 : i32
      %add3A_149 = arith.addi %mul3A_104, %mul3A_148 : i32
      %get3A = arith.index_cast %add3A_149 : i32 to index
      %get3A_150 = tpu.vector_load %arg6[%get3A] {strides = array<i32>} : memref<80000xi32, #tpu.memory_space<vmem>>, vector<16xi32>,
      %mul3A_151 = arith.constant 16 : i32
      %mul3A_152 = arith.muli %add3A_146, %mul3A_151 : i32
      %get3A_153 = arith.index_cast %mul3A_152 : i32 to index
      %get3A_154 = tpu.vector_load %arg11[%get3A_153] {strides = array<i32>} : memref<20000xi32, #tpu.memory_space<vmem>>, vector<16xi32>,
      %bitcast3A = vector.bitcast %get3A_150 : vector<16xi32> to vector<32xbf16>
      %bitcast3A_155 = vector.bitcast %get3A_154 : vector<16xi32> to vector<32xbf16>
      %max3A = arith.maximumf %bitcast3A, %bitcast3A_155 : vector<32xbf16>
      %bitcast3A_156 = vector.bitcast %max3A : vector<32xbf16> to vector<16xi32>
      %swap3A = arith.index_cast %add3A_149 : i32 to index
      %swap3A_157 = tpu.vector_load %arg6[%swap3A] {strides = array<i32>} : memref<80000xi32, #tpu.memory_space<vmem>>, vector<16xi32>,
      tpu.vector_store %arg6[%swap3A], %bitcast3A_156 {strides = array<i32>} : memref<80000xi32, #tpu.memory_space<vmem>>, vector<16xi32>,
    }
    %scan3A_114 = arith.constant 1250 : i32
    %sub3A_115 = arith.subi %add3A_7, %and3A_4 : i32
    %add3A_116 = arith.constant 2 : i32
    %add3A_117 = arith.addi %and3A_4, %add3A_116 : i32
    %and3A_118 = arith.constant 3 : i32
    %and3A_119 = arith.andi %add3A_117, %and3A_118 : i32
    %add3A_120 = arith.addi %sub3A_115, %and3A_119 : i32
    "tpu.region"() ({
      %run_scoped3A = tpu.sem_alloc : memref<!tpu.dma_semaphore, #tpu.memory_space<semaphore_mem>>
      %dma_start3A_142 = tpu.memref_slice %arg5[%add3A_120, %mul3A_104] : memref<32x80000xi32, #tpu.memory_space<hbm>> -> memref<1x20000xi32, #tpu.memory_space<hbm>>
      %dma_start3A_143 = tpu.memref_squeeze %dma_start3A_142 : memref<1x20000xi32, #tpu.memory_space<hbm>> -> memref<20000xi32, #tpu.memory_space<hbm>>
      %dma_start3A_144 = tpu.memref_slice %arg5[%add3A_120, %mul3A_104] : memref<32x80000xi32, #tpu.memory_space<hbm>> -> memref<1x20000xi32, #tpu.memory_space<hbm>>
      %dma_start3A_145 = tpu.memref_squeeze %dma_start3A_144 : memref<1x20000xi32, #tpu.memory_space<hbm>> -> memref<20000xi32, #tpu.memory_space<hbm>>
      tpu.enqueue_dma source(%dma_start3A_145 : memref<20000xi32, #tpu.memory_space<hbm>>) target(%arg11 : memref<20000xi32, #tpu.memory_space<vmem>>) target_semaphore(%run_scoped3A : memref<!tpu.dma_semaphore, #tpu.memory_space<semaphore_mem>>)
      %dma_wait3A = tpu.memref_slice %arg5[%add3A_120, %mul3A_104] : memref<32x80000xi32, #tpu.memory_space<hbm>> -> memref<1x20000xi32, #tpu.memory_space<hbm>>
      %dma_wait3A_146 = tpu.memref_squeeze %dma_wait3A : memref<1x20000xi32, #tpu.memory_space<hbm>> -> memref<20000xi32, #tpu.memory_space<hbm>>
      %dma_wait3A_147 = tpu.memref_slice %arg5[%add3A_120, %mul3A_104] : memref<32x80000xi32, #tpu.memory_space<hbm>> -> memref<1x20000xi32, #tpu.memory_space<hbm>>
      %dma_wait3A_148 = tpu.memref_squeeze %dma_wait3A_147 : memref<1x20000xi32, #tpu.memory_space<hbm>> -> memref<20000xi32, #tpu.memory_space<hbm>>
      tpu.wait_dma2 semaphore(%run_scoped3A : memref<!tpu.dma_semaphore, #tpu.memory_space<semaphore_mem>>) src(%dma_wait3A_148 : memref<20000xi32, #tpu.memory_space<hbm>>) dst(%arg11 : memref<20000xi32, #tpu.memory_space<vmem>>)
      tpu.yield
    }) : () -> ()
    %scan3A_121 = arith.constant 0 : i32
    %scan3A_122 = arith.constant 1250 : i32
    %scan3A_123 = arith.addi %scan3A_121, %scan3A_122 : i32
    %scan3A_124 = arith.constant 1 : i32
    scf.for %scan3A_142 = %scan3A_121 to %scan3A_123 step %scan3A_124  : i32 {
      %mul3A_143 = arith.constant 1 : i32
      %mul3A_144 = arith.muli %scan3A_142, %mul3A_143 : i32
      %add3A_145 = arith.constant 0 : i32
      %add3A_146 = arith.addi %add3A_145, %mul3A_144 : i32
      %mul3A_147 = arith.constant 16 : i32
      %mul3A_148 = arith.muli %add3A_146, %mul3A_147 : i32
      %add3A_149 = arith.addi %mul3A_104, %mul3A_148 : i32
      %get3A = arith.index_cast %add3A_149 : i32 to index
      %get3A_150 = tpu.vector_load %arg6[%get3A] {strides = array<i32>} : memref<80000xi32, #tpu.memory_space<vmem>>, vector<16xi32>,
      %mul3A_151 = arith.constant 16 : i32
      %mul3A_152 = arith.muli %add3A_146, %mul3A_151 : i32
      %get3A_153 = arith.index_cast %mul3A_152 : i32 to index
      %get3A_154 = tpu.vector_load %arg11[%get3A_153] {strides = array<i32>} : memref<20000xi32, #tpu.memory_space<vmem>>, vector<16xi32>,
      %bitcast3A = vector.bitcast %get3A_150 : vector<16xi32> to vector<32xbf16>
      %bitcast3A_155 = vector.bitcast %get3A_154 : vector<16xi32> to vector<32xbf16>
      %max3A = arith.maximumf %bitcast3A, %bitcast3A_155 : vector<32xbf16>
      %bitcast3A_156 = vector.bitcast %max3A : vector<32xbf16> to vector<16xi32>
      %swap3A = arith.index_cast %add3A_149 : i32 to index
      %swap3A_157 = tpu.vector_load %arg6[%swap3A] {strides = array<i32>} : memref<80000xi32, #tpu.memory_space<vmem>>, vector<16xi32>,
      tpu.vector_store %arg6[%swap3A], %bitcast3A_156 {strides = array<i32>} : memref<80000xi32, #tpu.memory_space<vmem>>, vector<16xi32>,
    }
    %scan3A_125 = arith.constant 1250 : i32
    %sub3A_126 = arith.subi %add3A_7, %and3A_4 : i32
    %add3A_127 = arith.constant 3 : i32
    %add3A_128 = arith.addi %and3A_4, %add3A_127 : i32
    %and3A_129 = arith.constant 3 : i32
    %and3A_130 = arith.andi %add3A_128, %and3A_129 : i32
    %add3A_131 = arith.addi %sub3A_126, %and3A_130 : i32
    "tpu.region"() ({
      %run_scoped3A = tpu.sem_alloc : memref<!tpu.dma_semaphore, #tpu.memory_space<semaphore_mem>>
      %dma_start3A_142 = tpu.memref_slice %arg5[%add3A_131, %mul3A_104] : memref<32x80000xi32, #tpu.memory_space<hbm>> -> memref<1x20000xi32, #tpu.memory_space<hbm>>
      %dma_start3A_143 = tpu.memref_squeeze %dma_start3A_142 : memref<1x20000xi32, #tpu.memory_space<hbm>> -> memref<20000xi32, #tpu.memory_space<hbm>>
      %dma_start3A_144 = tpu.memref_slice %arg5[%add3A_131, %mul3A_104] : memref<32x80000xi32, #tpu.memory_space<hbm>> -> memref<1x20000xi32, #tpu.memory_space<hbm>>
      %dma_start3A_145 = tpu.memref_squeeze %dma_start3A_144 : memref<1x20000xi32, #tpu.memory_space<hbm>> -> memref<20000xi32, #tpu.memory_space<hbm>>
      tpu.enqueue_dma source(%dma_start3A_145 : memref<20000xi32, #tpu.memory_space<hbm>>) target(%arg11 : memref<20000xi32, #tpu.memory_space<vmem>>) target_semaphore(%run_scoped3A : memref<!tpu.dma_semaphore, #tpu.memory_space<semaphore_mem>>)
      %dma_wait3A = tpu.memref_slice %arg5[%add3A_131, %mul3A_104] : memref<32x80000xi32, #tpu.memory_space<hbm>> -> memref<1x20000xi32, #tpu.memory_space<hbm>>
      %dma_wait3A_146 = tpu.memref_squeeze %dma_wait3A : memref<1x20000xi32, #tpu.memory_space<hbm>> -> memref<20000xi32, #tpu.memory_space<hbm>>
      %dma_wait3A_147 = tpu.memref_slice %arg5[%add3A_131, %mul3A_104] : memref<32x80000xi32, #tpu.memory_space<hbm>> -> memref<1x20000xi32, #tpu.memory_space<hbm>>
      %dma_wait3A_148 = tpu.memref_squeeze %dma_wait3A_147 : memref<1x20000xi32, #tpu.memory_space<hbm>> -> memref<20000xi32, #tpu.memory_space<hbm>>
      tpu.wait_dma2 semaphore(%run_scoped3A : memref<!tpu.dma_semaphore, #tpu.memory_space<semaphore_mem>>) src(%dma_wait3A_148 : memref<20000xi32, #tpu.memory_space<hbm>>) dst(%arg11 : memref<20000xi32, #tpu.memory_space<vmem>>)
      tpu.yield
    }) : () -> ()
    %scan3A_132 = arith.constant 0 : i32
    %scan3A_133 = arith.constant 1250 : i32
    %scan3A_134 = arith.addi %scan3A_132, %scan3A_133 : i32
    %scan3A_135 = arith.constant 1 : i32
    scf.for %scan3A_142 = %scan3A_132 to %scan3A_134 step %scan3A_135  : i32 {
      %mul3A_143 = arith.constant 1 : i32
      %mul3A_144 = arith.muli %scan3A_142, %mul3A_143 : i32
      %add3A_145 = arith.constant 0 : i32
      %add3A_146 = arith.addi %add3A_145, %mul3A_144 : i32
      %mul3A_147 = arith.constant 16 : i32
      %mul3A_148 = arith.muli %add3A_146, %mul3A_147 : i32
      %add3A_149 = arith.addi %mul3A_104, %mul3A_148 : i32
      %get3A = arith.index_cast %add3A_149 : i32 to index
      %get3A_150 = tpu.vector_load %arg6[%get3A] {strides = array<i32>} : memref<80000xi32, #tpu.memory_space<vmem>>, vector<16xi32>,
      %mul3A_151 = arith.constant 16 : i32
      %mul3A_152 = arith.muli %add3A_146, %mul3A_151 : i32
      %get3A_153 = arith.index_cast %mul3A_152 : i32 to index
      %get3A_154 = tpu.vector_load %arg11[%get3A_153] {strides = array<i32>} : memref<20000xi32, #tpu.memory_space<vmem>>, vector<16xi32>,
      %bitcast3A = vector.bitcast %get3A_150 : vector<16xi32> to vector<32xbf16>
      %bitcast3A_155 = vector.bitcast %get3A_154 : vector<16xi32> to vector<32xbf16>
      %max3A = arith.maximumf %bitcast3A, %bitcast3A_155 : vector<32xbf16>
      %bitcast3A_156 = vector.bitcast %max3A : vector<32xbf16> to vector<16xi32>
      %swap3A = arith.index_cast %add3A_149 : i32 to index
      %swap3A_157 = tpu.vector_load %arg6[%swap3A] {strides = array<i32>} : memref<80000xi32, #tpu.memory_space<vmem>>, vector<16xi32>,
      tpu.vector_store %arg6[%swap3A], %bitcast3A_156 {strides = array<i32>} : memref<80000xi32, #tpu.memory_space<vmem>>, vector<16xi32>,
    }
    %scan3A_136 = arith.constant 1250 : i32
    %scan3A_137 = arith.constant 0 : i32
    %scan3A_138 = arith.constant 5 : i32
    %scan3A_139 = arith.addi %scan3A_137, %scan3A_138 : i32
    %scan3A_140 = arith.constant 1 : i32
    scf.for %scan3A_142 = %scan3A_137 to %scan3A_139 step %scan3A_140  : i32 {
      %mul3A_143 = arith.constant 1 : i32
      %mul3A_144 = arith.muli %scan3A_142, %mul3A_143 : i32
      %add3A_145 = arith.constant 0 : i32
      %add3A_146 = arith.addi %add3A_145, %mul3A_144 : i32
      %scan3A_147 = arith.constant 0 : i32
      %scan3A_148 = arith.constant 250 : i32
      %scan3A_149 = arith.addi %scan3A_147, %scan3A_148 : i32
      %scan3A_150 = arith.constant 1 : i32
      scf.for %scan3A_160 = %scan3A_147 to %scan3A_149 step %scan3A_150  : i32 {
        %mul3A_161 = arith.constant 1 : i32
        %mul3A_162 = arith.muli %scan3A_160, %mul3A_161 : i32
        %add3A_163 = arith.constant 0 : i32
        %add3A_164 = arith.addi %add3A_163, %mul3A_162 : i32
        %mul3A_165 = arith.constant 500 : i32
        %mul3A_166 = arith.muli %add3A_146, %mul3A_165 : i32
        %mul3A_167 = arith.constant 8 : i32
        %mul3A_168 = arith.muli %mul3A_166, %mul3A_167 : i32
        %add3A_169 = arith.addi %mul3A_104, %mul3A_168 : i32
        %mul3A_170 = arith.constant 16 : i32
        %mul3A_171 = arith.muli %add3A_164, %mul3A_170 : i32
        %add3A_172 = arith.addi %add3A_169, %mul3A_171 : i32
        %get3A = arith.index_cast %add3A_172 : i32 to index
        %get3A_173 = tpu.vector_load %arg6[%get3A] {strides = array<i32>} : memref<80000xi32, #tpu.memory_space<vmem>>, vector<16xi32>,
        %shift_left3A = arith.constant 16 : i32
        %shift_left3A_174 = vector.broadcast %shift_left3A : i32 to vector<16xi32>
        %shift_left3A_175 = arith.shli %get3A_173, %shift_left3A_174 : vector<16xi32>
        %bitcast3A = vector.bitcast %shift_left3A_175 : vector<16xi32> to vector<16xf32>
        %max3A = arith.constant 0.000000e+00 : f32
        %max3A_176 = vector.broadcast %max3A : f32 to vector<16xf32>
        %max3A_177 = arith.maximumf %bitcast3A, %max3A_176 : vector<16xf32>
        %and3A_178 = arith.constant -65536 : i32
        %and3A_179 = vector.broadcast %and3A_178 : i32 to vector<16xi32>
        %and3A_180 = arith.andi %get3A_173, %and3A_179 : vector<16xi32>
        %bitcast3A_181 = vector.bitcast %and3A_180 : vector<16xi32> to vector<16xf32>
        %max3A_182 = arith.constant 0.000000e+00 : f32
        %max3A_183 = vector.broadcast %max3A_182 : f32 to vector<16xf32>
        %max3A_184 = arith.maximumf %bitcast3A_181, %max3A_183 : vector<16xf32>
        %mul3A_185 = arith.constant 2 : i32
        %mul3A_186 = arith.muli %add3A_164, %mul3A_185 : i32
        %add3A_187 = vector.broadcast %mul3A_186 : i32 to vector<16xi32>
        %add3A_188 = arith.addi %add3A_187, %shift_right_arithmetic3A_10 : vector<16xi32>
        tpu.vector_store_idx %arg12[%add3A_188, %and3A_13], %max3A_177 : memref<500x8xf32, #tpu.memory_space<vmem>>[vector<16xi32>, vector<16xi32>], vector<16xf32>,
        %mul3A_189 = arith.constant 2 : i32
        %mul3A_190 = arith.muli %add3A_164, %mul3A_189 : i32
        %add3A_191 = vector.broadcast %mul3A_190 : i32 to vector<16xi32>
        %add3A_192 = arith.addi %add3A_191, %shift_right_arithmetic3A_10 : vector<16xi32>
        tpu.vector_store_idx %arg13[%add3A_192, %and3A_13], %max3A_184 : memref<500x8xf32, #tpu.memory_space<vmem>>[vector<16xi32>, vector<16xi32>], vector<16xf32>,
      }
      %scan3A_151 = arith.constant 250 : i32
      %mul3A_152 = arith.constant 500 : i32
      %mul3A_153 = arith.muli %add3A_146, %mul3A_152 : i32
      %add3A_154 = arith.addi %mul3A_102, %mul3A_153 : i32
      "tpu.region"() ({
        %run_scoped3A = tpu.sem_alloc : memref<!tpu.dma_semaphore, #tpu.memory_space<semaphore_mem>>
        %dma_start3A_160 = tpu.memref_slice %arg4[%add3A_154, %mul3A_3] : memref<10000x128xf32, #tpu.memory_space<hbm>> -> memref<500x8xf32, #tpu.memory_space<hbm>>
        %dma_start3A_161 = tpu.memref_slice %arg4[%add3A_154, %mul3A_3] : memref<10000x128xf32, #tpu.memory_space<hbm>> -> memref<500x8xf32, #tpu.memory_space<hbm>>
        tpu.enqueue_dma source(%arg12 : memref<500x8xf32, #tpu.memory_space<vmem>>) target(%dma_start3A_161 : memref<500x8xf32, #tpu.memory_space<hbm>>) target_semaphore(%run_scoped3A : memref<!tpu.dma_semaphore, #tpu.memory_space<semaphore_mem>>)
        %dma_wait3A = tpu.memref_slice %arg4[%add3A_154, %mul3A_3] : memref<10000x128xf32, #tpu.memory_space<hbm>> -> memref<500x8xf32, #tpu.memory_space<hbm>>
        %dma_wait3A_162 = tpu.memref_slice %arg4[%add3A_154, %mul3A_3] : memref<10000x128xf32, #tpu.memory_space<hbm>> -> memref<500x8xf32, #tpu.memory_space<hbm>>
        tpu.wait_dma2 semaphore(%run_scoped3A : memref<!tpu.dma_semaphore, #tpu.memory_space<semaphore_mem>>) src(%arg12 : memref<500x8xf32, #tpu.memory_space<vmem>>) dst(%dma_wait3A_162 : memref<500x8xf32, #tpu.memory_space<hbm>>)
        tpu.yield
      }) : () -> ()
      %mul3A_155 = arith.constant 500 : i32
      %mul3A_156 = arith.muli %add3A_146, %mul3A_155 : i32
      %add3A_157 = arith.addi %mul3A_102, %mul3A_156 : i32
      %add3A_158 = arith.constant 64 : i32
      %add3A_159 = arith.addi %add3A_158, %mul3A_3 : i32
      "tpu.region"() ({
        %run_scoped3A = tpu.sem_alloc : memref<!tpu.dma_semaphore, #tpu.memory_space<semaphore_mem>>
        %dma_start3A_160 = tpu.memref_slice %arg4[%add3A_157, %add3A_159] : memref<10000x128xf32, #tpu.memory_space<hbm>> -> memref<500x8xf32, #tpu.memory_space<hbm>>
        %dma_start3A_161 = tpu.memref_slice %arg4[%add3A_157, %add3A_159] : memref<10000x128xf32, #tpu.memory_space<hbm>> -> memref<500x8xf32, #tpu.memory_space<hbm>>
        tpu.enqueue_dma source(%arg13 : memref<500x8xf32, #tpu.memory_space<vmem>>) target(%dma_start3A_161 : memref<500x8xf32, #tpu.memory_space<hbm>>) target_semaphore(%run_scoped3A : memref<!tpu.dma_semaphore, #tpu.memory_space<semaphore_mem>>)
        %dma_wait3A = tpu.memref_slice %arg4[%add3A_157, %add3A_159] : memref<10000x128xf32, #tpu.memory_space<hbm>> -> memref<500x8xf32, #tpu.memory_space<hbm>>
        %dma_wait3A_162 = tpu.memref_slice %arg4[%add3A_157, %add3A_159] : memref<10000x128xf32, #tpu.memory_space<hbm>> -> memref<500x8xf32, #tpu.memory_space<hbm>>
        tpu.wait_dma2 semaphore(%run_scoped3A : memref<!tpu.dma_semaphore, #tpu.memory_space<semaphore_mem>>) src(%arg13 : memref<500x8xf32, #tpu.memory_space<vmem>>) dst(%dma_wait3A_162 : memref<500x8xf32, #tpu.memory_space<hbm>>)
        tpu.yield
      }) : () -> ()
    }
    %scan3A_141 = arith.constant 5 : i32
    return
  }
}

#map = affine_map<(d0, d1) -> (0, 0)>
#map1 = affine_map<(d0, d1) -> (0)>
module attributes {stable_mosaic.version = 14 : i64} {
  func.func @_gather_add_body(%arg0: i32, %arg1: i32, %arg2: memref<10000x128xf32, #tpu.memory_space<hbm>>, %arg3: memref<10000x128xf32, #tpu.memory_space<hbm>>, %arg4: memref<320000xi32, #tpu.memory_space<hbm>>, %arg5: memref<320000xi32, #tpu.memory_space<hbm>>, %arg6: memref<320000x128xf32, #tpu.memory_space<hbm>>, %arg7: memref<400xi32, #tpu.memory_space<vmem>>, %arg8: memref<400xi32, #tpu.memory_space<vmem>>, %arg9: memref<400xi32, #tpu.memory_space<vmem>>, %arg10: memref<400xi32, #tpu.memory_space<vmem>>, %arg11: memref<400x128xf32, #tpu.memory_space<vmem>>, %arg12: memref<400x128xf32, #tpu.memory_space<vmem>>, %arg13: memref<!tpu.dma_semaphore, #tpu.memory_space<semaphore_mem>>, %arg14: memref<!tpu.dma_semaphore, #tpu.memory_space<semaphore_mem>>, %arg15: memref<!tpu.dma_semaphore, #tpu.memory_space<semaphore_mem>>, %arg16: memref<!tpu.dma_semaphore, #tpu.memory_space<semaphore_mem>>, %arg17: memref<!tpu.dma_semaphore, #tpu.memory_space<semaphore_mem>>, %arg18: memref<!tpu.dma_semaphore, #tpu.memory_space<semaphore_mem>>, %arg19: memref<!tpu.dma_semaphore, #tpu.memory_space<semaphore_mem>>, %arg20: memref<!tpu.dma_semaphore, #tpu.memory_space<semaphore_mem>>, %arg21: memref<!tpu.dma_semaphore, #tpu.memory_space<semaphore_mem>>, %arg22: memref<!tpu.dma_semaphore, #tpu.memory_space<semaphore_mem>>) attributes {dimension_semantics = [#tpu.dimension_semantics<core_parallel>, #tpu.dimension_semantics<subcore_parallel>], iteration_bounds = array<i64: 2, 16>, scalar_prefetch = 0 : i64, scratch_operands = 16 : i64, tpu.core_type = #tpu.core_type<sc_vector_subcore>, window_params = [{transform_indices = #map}, {transform_indices = #map}, {transform_indices = #map1}, {transform_indices = #map1}, {transform_indices = #map}]} {
    %mul3A = arith.constant 2 : i32
    %mul3A_0 = arith.muli %arg1, %mul3A : i32
    %add3A = arith.addi %mul3A_0, %arg0 : i32
    %mul3A_1 = arith.constant 10000 : i32
    %mul3A_2 = arith.muli %add3A, %mul3A_1 : i32
    %add3A_3 = arith.constant 0 : i32
    %add3A_4 = arith.addi %mul3A_2, %add3A_3 : i32
    %dma_start3A = tpu.memref_slice %arg4[%add3A_4] : memref<320000xi32, #tpu.memory_space<hbm>> -> memref<400xi32, #tpu.memory_space<hbm>>
    %dma_start3A_5 = tpu.memref_slice %arg4[%add3A_4] : memref<320000xi32, #tpu.memory_space<hbm>> -> memref<400xi32, #tpu.memory_space<hbm>>
    tpu.enqueue_dma source(%dma_start3A_5 : memref<400xi32, #tpu.memory_space<hbm>>) target(%arg7 : memref<400xi32, #tpu.memory_space<vmem>>) target_semaphore(%arg13 : memref<!tpu.dma_semaphore, #tpu.memory_space<semaphore_mem>>)
    %add3A_6 = arith.constant 0 : i32
    %add3A_7 = arith.addi %mul3A_2, %add3A_6 : i32
    %dma_start3A_8 = tpu.memref_slice %arg5[%add3A_7] : memref<320000xi32, #tpu.memory_space<hbm>> -> memref<400xi32, #tpu.memory_space<hbm>>
    %dma_start3A_9 = tpu.memref_slice %arg5[%add3A_7] : memref<320000xi32, #tpu.memory_space<hbm>> -> memref<400xi32, #tpu.memory_space<hbm>>
    tpu.enqueue_dma source(%dma_start3A_9 : memref<400xi32, #tpu.memory_space<hbm>>) target(%arg9 : memref<400xi32, #tpu.memory_space<vmem>>) target_semaphore(%arg15 : memref<!tpu.dma_semaphore, #tpu.memory_space<semaphore_mem>>)
    %add3A_10 = arith.constant 400 : i32
    %add3A_11 = arith.addi %mul3A_2, %add3A_10 : i32
    %dma_start3A_12 = tpu.memref_slice %arg4[%add3A_11] : memref<320000xi32, #tpu.memory_space<hbm>> -> memref<400xi32, #tpu.memory_space<hbm>>
    %dma_start3A_13 = tpu.memref_slice %arg4[%add3A_11] : memref<320000xi32, #tpu.memory_space<hbm>> -> memref<400xi32, #tpu.memory_space<hbm>>
    tpu.enqueue_dma source(%dma_start3A_13 : memref<400xi32, #tpu.memory_space<hbm>>) target(%arg8 : memref<400xi32, #tpu.memory_space<vmem>>) target_semaphore(%arg14 : memref<!tpu.dma_semaphore, #tpu.memory_space<semaphore_mem>>)
    %add3A_14 = arith.constant 400 : i32
    %add3A_15 = arith.addi %mul3A_2, %add3A_14 : i32
    %dma_start3A_16 = tpu.memref_slice %arg5[%add3A_15] : memref<320000xi32, #tpu.memory_space<hbm>> -> memref<400xi32, #tpu.memory_space<hbm>>
    %dma_start3A_17 = tpu.memref_slice %arg5[%add3A_15] : memref<320000xi32, #tpu.memory_space<hbm>> -> memref<400xi32, #tpu.memory_space<hbm>>
    tpu.enqueue_dma source(%dma_start3A_17 : memref<400xi32, #tpu.memory_space<hbm>>) target(%arg10 : memref<400xi32, #tpu.memory_space<vmem>>) target_semaphore(%arg16 : memref<!tpu.dma_semaphore, #tpu.memory_space<semaphore_mem>>)
    %add3A_18 = arith.constant 0 : i32
    %add3A_19 = arith.addi %mul3A_2, %add3A_18 : i32
    %dma_wait3A = tpu.memref_slice %arg4[%add3A_19] : memref<320000xi32, #tpu.memory_space<hbm>> -> memref<400xi32, #tpu.memory_space<hbm>>
    %dma_wait3A_20 = tpu.memref_slice %arg4[%add3A_19] : memref<320000xi32, #tpu.memory_space<hbm>> -> memref<400xi32, #tpu.memory_space<hbm>>
    tpu.wait_dma2 semaphore(%arg13 : memref<!tpu.dma_semaphore, #tpu.memory_space<semaphore_mem>>) src(%dma_wait3A_20 : memref<400xi32, #tpu.memory_space<hbm>>) dst(%arg7 : memref<400xi32, #tpu.memory_space<vmem>>)
    %add3A_21 = arith.constant 0 : i32
    %add3A_22 = arith.addi %mul3A_2, %add3A_21 : i32
    %dma_wait3A_23 = tpu.memref_slice %arg5[%add3A_22] : memref<320000xi32, #tpu.memory_space<hbm>> -> memref<400xi32, #tpu.memory_space<hbm>>
    %dma_wait3A_24 = tpu.memref_slice %arg5[%add3A_22] : memref<320000xi32, #tpu.memory_space<hbm>> -> memref<400xi32, #tpu.memory_space<hbm>>
    tpu.wait_dma2 semaphore(%arg15 : memref<!tpu.dma_semaphore, #tpu.memory_space<semaphore_mem>>) src(%dma_wait3A_24 : memref<400xi32, #tpu.memory_space<hbm>>) dst(%arg9 : memref<400xi32, #tpu.memory_space<vmem>>)
    %dma_start3A_25 = arith.constant 0 : i32
    %dma_start3A_26 = arith.constant 0 : i32
    %dma_start3A_27 = tpu.memref_slice %arg2[%dma_start3A_25, %dma_start3A_26] : memref<10000x128xf32, #tpu.memory_space<hbm>> -> memref<10000x128xf32, #tpu.memory_space<hbm>>
    tpu.enqueue_indirect_dma source(%dma_start3A_27 : memref<10000x128xf32, #tpu.memory_space<hbm>>) target(%arg11 : memref<400x128xf32, #tpu.memory_space<vmem>>) offsets(%arg7 : memref<400xi32, #tpu.memory_space<vmem>>) semaphore(%arg17 : memref<!tpu.dma_semaphore, #tpu.memory_space<semaphore_mem>>)
    %scan3A = arith.constant 0 : i32
    %scan3A_28 = arith.constant 12 : i32
    %scan3A_29 = arith.addi %scan3A, %scan3A_28 : i32
    %scan3A_30 = arith.constant 1 : i32
    scf.for %scan3A_49 = %scan3A to %scan3A_29 step %scan3A_30  : i32 {
      %mul3A_50 = arith.constant 1 : i32
      %mul3A_51 = arith.muli %scan3A_49, %mul3A_50 : i32
      %add3A_52 = arith.constant 0 : i32
      %add3A_53 = arith.addi %add3A_52, %mul3A_51 : i32
      %mul3A_54 = arith.constant 2 : i32
      %mul3A_55 = arith.muli %add3A_53, %mul3A_54 : i32
      %dma_wait3A_56 = arith.constant 0 : i32
      %dma_wait3A_57 = arith.constant 0 : i32
      %dma_wait3A_58 = tpu.memref_slice %arg2[%dma_wait3A_56, %dma_wait3A_57] : memref<10000x128xf32, #tpu.memory_space<hbm>> -> memref<10000x128xf32, #tpu.memory_space<hbm>>
      tpu.wait_indirect_dma semaphore(%arg17 : memref<!tpu.dma_semaphore, #tpu.memory_space<semaphore_mem>>) src(%dma_wait3A_58 : memref<10000x128xf32, #tpu.memory_space<hbm>>) dst(%arg11 : memref<400x128xf32, #tpu.memory_space<vmem>>)
      %dma_start3A_59 = arith.constant 0 : i32
      %dma_start3A_60 = arith.constant 0 : i32
      %dma_start3A_61 = tpu.memref_slice %arg3[%dma_start3A_59, %dma_start3A_60] : memref<10000x128xf32, #tpu.memory_space<hbm>> -> memref<10000x128xf32, #tpu.memory_space<hbm>>
      tpu.enqueue_indirect_dma source(%dma_start3A_61 : memref<10000x128xf32, #tpu.memory_space<hbm>>) target(%arg11 : memref<400x128xf32, #tpu.memory_space<vmem>>) offsets(%arg9 : memref<400xi32, #tpu.memory_space<vmem>>) semaphore(%arg19 : memref<!tpu.dma_semaphore, #tpu.memory_space<semaphore_mem>>) {add = true}
      %ge3A = arith.constant 1 : i32
      %ge3A_62 = arith.cmpi sge, %mul3A_55, %ge3A : i32
      %convert_element_type3A = arith.extui %ge3A_62 : i1 to i32
      %cond3A = arith.constant 0 : i32
      %cond3A_63 = arith.cmpi ne, %convert_element_type3A, %cond3A : i32
      scf.if %cond3A_63 {
        %sub3A = arith.constant 1 : i32
        %sub3A_126 = arith.subi %mul3A_55, %sub3A : i32
        %mul3A_127 = arith.constant 400 : i32
        %mul3A_128 = arith.muli %sub3A_126, %mul3A_127 : i32
        %add3A_129 = arith.addi %mul3A_2, %mul3A_128 : i32
        %dma_wait3A_130 = arith.constant 0 : i32
        %dma_wait3A_131 = tpu.memref_slice %arg6[%add3A_129, %dma_wait3A_130] : memref<320000x128xf32, #tpu.memory_space<hbm>> -> memref<400x128xf32, #tpu.memory_space<hbm>>
        %dma_wait3A_132 = arith.constant 0 : i32
        %dma_wait3A_133 = tpu.memref_slice %arg6[%add3A_129, %dma_wait3A_132] : memref<320000x128xf32, #tpu.memory_space<hbm>> -> memref<400x128xf32, #tpu.memory_space<hbm>>
        tpu.wait_dma2 semaphore(%arg22 : memref<!tpu.dma_semaphore, #tpu.memory_space<semaphore_mem>>) src(%arg12 : memref<400x128xf32, #tpu.memory_space<vmem>>) dst(%dma_wait3A_133 : memref<400x128xf32, #tpu.memory_space<hbm>>)
      } else {
      }
      %add3A_64 = arith.constant 1 : i32
      %add3A_65 = arith.addi %mul3A_55, %add3A_64 : i32
      %lt3A = arith.constant 25 : i32
      %lt3A_66 = arith.cmpi slt, %add3A_65, %lt3A : i32
      %convert_element_type3A_67 = arith.extui %lt3A_66 : i1 to i32
      %cond3A_68 = arith.constant 0 : i32
      %cond3A_69 = arith.cmpi ne, %convert_element_type3A_67, %cond3A_68 : i32
      scf.if %cond3A_69 {
        %add3A_126 = arith.constant 1 : i32
        %add3A_127 = arith.addi %mul3A_55, %add3A_126 : i32
        %mul3A_128 = arith.constant 400 : i32
        %mul3A_129 = arith.muli %add3A_127, %mul3A_128 : i32
        %add3A_130 = arith.addi %mul3A_2, %mul3A_129 : i32
        %dma_wait3A_131 = tpu.memref_slice %arg4[%add3A_130] : memref<320000xi32, #tpu.memory_space<hbm>> -> memref<400xi32, #tpu.memory_space<hbm>>
        %dma_wait3A_132 = tpu.memref_slice %arg4[%add3A_130] : memref<320000xi32, #tpu.memory_space<hbm>> -> memref<400xi32, #tpu.memory_space<hbm>>
        tpu.wait_dma2 semaphore(%arg14 : memref<!tpu.dma_semaphore, #tpu.memory_space<semaphore_mem>>) src(%dma_wait3A_132 : memref<400xi32, #tpu.memory_space<hbm>>) dst(%arg8 : memref<400xi32, #tpu.memory_space<vmem>>)
        %add3A_133 = arith.constant 1 : i32
        %add3A_134 = arith.addi %mul3A_55, %add3A_133 : i32
        %mul3A_135 = arith.constant 400 : i32
        %mul3A_136 = arith.muli %add3A_134, %mul3A_135 : i32
        %add3A_137 = arith.addi %mul3A_2, %mul3A_136 : i32
        %dma_wait3A_138 = tpu.memref_slice %arg5[%add3A_137] : memref<320000xi32, #tpu.memory_space<hbm>> -> memref<400xi32, #tpu.memory_space<hbm>>
        %dma_wait3A_139 = tpu.memref_slice %arg5[%add3A_137] : memref<320000xi32, #tpu.memory_space<hbm>> -> memref<400xi32, #tpu.memory_space<hbm>>
        tpu.wait_dma2 semaphore(%arg16 : memref<!tpu.dma_semaphore, #tpu.memory_space<semaphore_mem>>) src(%dma_wait3A_139 : memref<400xi32, #tpu.memory_space<hbm>>) dst(%arg10 : memref<400xi32, #tpu.memory_space<vmem>>)
        %dma_start3A_140 = arith.constant 0 : i32
        %dma_start3A_141 = arith.constant 0 : i32
        %dma_start3A_142 = tpu.memref_slice %arg2[%dma_start3A_140, %dma_start3A_141] : memref<10000x128xf32, #tpu.memory_space<hbm>> -> memref<10000x128xf32, #tpu.memory_space<hbm>>
        tpu.enqueue_indirect_dma source(%dma_start3A_142 : memref<10000x128xf32, #tpu.memory_space<hbm>>) target(%arg12 : memref<400x128xf32, #tpu.memory_space<vmem>>) offsets(%arg8 : memref<400xi32, #tpu.memory_space<vmem>>) semaphore(%arg18 : memref<!tpu.dma_semaphore, #tpu.memory_space<semaphore_mem>>)
      } else {
      }
      %dma_wait3A_70 = arith.constant 0 : i32
      %dma_wait3A_71 = arith.constant 0 : i32
      %dma_wait3A_72 = tpu.memref_slice %arg3[%dma_wait3A_70, %dma_wait3A_71] : memref<10000x128xf32, #tpu.memory_space<hbm>> -> memref<10000x128xf32, #tpu.memory_space<hbm>>
      tpu.wait_indirect_dma semaphore(%arg19 : memref<!tpu.dma_semaphore, #tpu.memory_space<semaphore_mem>>) src(%dma_wait3A_72 : memref<10000x128xf32, #tpu.memory_space<hbm>>) dst(%arg11 : memref<400x128xf32, #tpu.memory_space<vmem>>)
      %mul3A_73 = arith.constant 400 : i32
      %mul3A_74 = arith.muli %mul3A_55, %mul3A_73 : i32
      %add3A_75 = arith.addi %mul3A_2, %mul3A_74 : i32
      %dma_start3A_76 = arith.constant 0 : i32
      %dma_start3A_77 = tpu.memref_slice %arg6[%add3A_75, %dma_start3A_76] : memref<320000x128xf32, #tpu.memory_space<hbm>> -> memref<400x128xf32, #tpu.memory_space<hbm>>
      %dma_start3A_78 = arith.constant 0 : i32
      %dma_start3A_79 = tpu.memref_slice %arg6[%add3A_75, %dma_start3A_78] : memref<320000x128xf32, #tpu.memory_space<hbm>> -> memref<400x128xf32, #tpu.memory_space<hbm>>
      tpu.enqueue_dma source(%arg11 : memref<400x128xf32, #tpu.memory_space<vmem>>) target(%dma_start3A_79 : memref<400x128xf32, #tpu.memory_space<hbm>>) target_semaphore(%arg21 : memref<!tpu.dma_semaphore, #tpu.memory_space<semaphore_mem>>)
      %add3A_80 = arith.constant 2 : i32
      %add3A_81 = arith.addi %mul3A_55, %add3A_80 : i32
      %lt3A_82 = arith.constant 25 : i32
      %lt3A_83 = arith.cmpi slt, %add3A_81, %lt3A_82 : i32
      %convert_element_type3A_84 = arith.extui %lt3A_83 : i1 to i32
      %cond3A_85 = arith.constant 0 : i32
      %cond3A_86 = arith.cmpi ne, %convert_element_type3A_84, %cond3A_85 : i32
      scf.if %cond3A_86 {
        %add3A_126 = arith.constant 2 : i32
        %add3A_127 = arith.addi %mul3A_55, %add3A_126 : i32
        %mul3A_128 = arith.constant 400 : i32
        %mul3A_129 = arith.muli %add3A_127, %mul3A_128 : i32
        %add3A_130 = arith.addi %mul3A_2, %mul3A_129 : i32
        %dma_start3A_131 = tpu.memref_slice %arg4[%add3A_130] : memref<320000xi32, #tpu.memory_space<hbm>> -> memref<400xi32, #tpu.memory_space<hbm>>
        %dma_start3A_132 = tpu.memref_slice %arg4[%add3A_130] : memref<320000xi32, #tpu.memory_space<hbm>> -> memref<400xi32, #tpu.memory_space<hbm>>
        tpu.enqueue_dma source(%dma_start3A_132 : memref<400xi32, #tpu.memory_space<hbm>>) target(%arg7 : memref<400xi32, #tpu.memory_space<vmem>>) target_semaphore(%arg13 : memref<!tpu.dma_semaphore, #tpu.memory_space<semaphore_mem>>)
        %mul3A_133 = arith.constant 400 : i32
        %mul3A_134 = arith.muli %add3A_127, %mul3A_133 : i32
        %add3A_135 = arith.addi %mul3A_2, %mul3A_134 : i32
        %dma_start3A_136 = tpu.memref_slice %arg5[%add3A_135] : memref<320000xi32, #tpu.memory_space<hbm>> -> memref<400xi32, #tpu.memory_space<hbm>>
        %dma_start3A_137 = tpu.memref_slice %arg5[%add3A_135] : memref<320000xi32, #tpu.memory_space<hbm>> -> memref<400xi32, #tpu.memory_space<hbm>>
        tpu.enqueue_dma source(%dma_start3A_137 : memref<400xi32, #tpu.memory_space<hbm>>) target(%arg9 : memref<400xi32, #tpu.memory_space<vmem>>) target_semaphore(%arg15 : memref<!tpu.dma_semaphore, #tpu.memory_space<semaphore_mem>>)
      } else {
      }
      %mul3A_87 = arith.constant 2 : i32
      %mul3A_88 = arith.muli %add3A_53, %mul3A_87 : i32
      %add3A_89 = arith.constant 1 : i32
      %add3A_90 = arith.addi %mul3A_88, %add3A_89 : i32
      %dma_wait3A_91 = arith.constant 0 : i32
      %dma_wait3A_92 = arith.constant 0 : i32
      %dma_wait3A_93 = tpu.memref_slice %arg2[%dma_wait3A_91, %dma_wait3A_92] : memref<10000x128xf32, #tpu.memory_space<hbm>> -> memref<10000x128xf32, #tpu.memory_space<hbm>>
      tpu.wait_indirect_dma semaphore(%arg18 : memref<!tpu.dma_semaphore, #tpu.memory_space<semaphore_mem>>) src(%dma_wait3A_93 : memref<10000x128xf32, #tpu.memory_space<hbm>>) dst(%arg12 : memref<400x128xf32, #tpu.memory_space<vmem>>)
      %dma_start3A_94 = arith.constant 0 : i32
      %dma_start3A_95 = arith.constant 0 : i32
      %dma_start3A_96 = tpu.memref_slice %arg3[%dma_start3A_94, %dma_start3A_95] : memref<10000x128xf32, #tpu.memory_space<hbm>> -> memref<10000x128xf32, #tpu.memory_space<hbm>>
      tpu.enqueue_indirect_dma source(%dma_start3A_96 : memref<10000x128xf32, #tpu.memory_space<hbm>>) target(%arg12 : memref<400x128xf32, #tpu.memory_space<vmem>>) offsets(%arg10 : memref<400xi32, #tpu.memory_space<vmem>>) semaphore(%arg20 : memref<!tpu.dma_semaphore, #tpu.memory_space<semaphore_mem>>) {add = true}
      %ge3A_97 = arith.constant 1 : i32
      %ge3A_98 = arith.cmpi sge, %add3A_90, %ge3A_97 : i32
      %convert_element_type3A_99 = arith.extui %ge3A_98 : i1 to i32
      %cond3A_100 = arith.constant 0 : i32
      %cond3A_101 = arith.cmpi ne, %convert_element_type3A_99, %cond3A_100 : i32
      scf.if %cond3A_101 {
        %sub3A = arith.constant 1 : i32
        %sub3A_126 = arith.subi %add3A_90, %sub3A : i32
        %mul3A_127 = arith.constant 400 : i32
        %mul3A_128 = arith.muli %sub3A_126, %mul3A_127 : i32
        %add3A_129 = arith.addi %mul3A_2, %mul3A_128 : i32
        %dma_wait3A_130 = arith.constant 0 : i32
        %dma_wait3A_131 = tpu.memref_slice %arg6[%add3A_129, %dma_wait3A_130] : memref<320000x128xf32, #tpu.memory_space<hbm>> -> memref<400x128xf32, #tpu.memory_space<hbm>>
        %dma_wait3A_132 = arith.constant 0 : i32
        %dma_wait3A_133 = tpu.memref_slice %arg6[%add3A_129, %dma_wait3A_132] : memref<320000x128xf32, #tpu.memory_space<hbm>> -> memref<400x128xf32, #tpu.memory_space<hbm>>
        tpu.wait_dma2 semaphore(%arg21 : memref<!tpu.dma_semaphore, #tpu.memory_space<semaphore_mem>>) src(%arg11 : memref<400x128xf32, #tpu.memory_space<vmem>>) dst(%dma_wait3A_133 : memref<400x128xf32, #tpu.memory_space<hbm>>)
      } else {
      }
      %add3A_102 = arith.constant 1 : i32
      %add3A_103 = arith.addi %add3A_90, %add3A_102 : i32
      %lt3A_104 = arith.constant 25 : i32
      %lt3A_105 = arith.cmpi slt, %add3A_103, %lt3A_104 : i32
      %convert_element_type3A_106 = arith.extui %lt3A_105 : i1 to i32
      %cond3A_107 = arith.constant 0 : i32
      %cond3A_108 = arith.cmpi ne, %convert_element_type3A_106, %cond3A_107 : i32
      scf.if %cond3A_108 {
        %add3A_126 = arith.constant 1 : i32
        %add3A_127 = arith.addi %add3A_90, %add3A_126 : i32
        %mul3A_128 = arith.constant 400 : i32
        %mul3A_129 = arith.muli %add3A_127, %mul3A_128 : i32
        %add3A_130 = arith.addi %mul3A_2, %mul3A_129 : i32
        %dma_wait3A_131 = tpu.memref_slice %arg4[%add3A_130] : memref<320000xi32, #tpu.memory_space<hbm>> -> memref<400xi32, #tpu.memory_space<hbm>>
        %dma_wait3A_132 = tpu.memref_slice %arg4[%add3A_130] : memref<320000xi32, #tpu.memory_space<hbm>> -> memref<400xi32, #tpu.memory_space<hbm>>
        tpu.wait_dma2 semaphore(%arg13 : memref<!tpu.dma_semaphore, #tpu.memory_space<semaphore_mem>>) src(%dma_wait3A_132 : memref<400xi32, #tpu.memory_space<hbm>>) dst(%arg7 : memref<400xi32, #tpu.memory_space<vmem>>)
        %add3A_133 = arith.constant 1 : i32
        %add3A_134 = arith.addi %add3A_90, %add3A_133 : i32
        %mul3A_135 = arith.constant 400 : i32
        %mul3A_136 = arith.muli %add3A_134, %mul3A_135 : i32
        %add3A_137 = arith.addi %mul3A_2, %mul3A_136 : i32
        %dma_wait3A_138 = tpu.memref_slice %arg5[%add3A_137] : memref<320000xi32, #tpu.memory_space<hbm>> -> memref<400xi32, #tpu.memory_space<hbm>>
        %dma_wait3A_139 = tpu.memref_slice %arg5[%add3A_137] : memref<320000xi32, #tpu.memory_space<hbm>> -> memref<400xi32, #tpu.memory_space<hbm>>
        tpu.wait_dma2 semaphore(%arg15 : memref<!tpu.dma_semaphore, #tpu.memory_space<semaphore_mem>>) src(%dma_wait3A_139 : memref<400xi32, #tpu.memory_space<hbm>>) dst(%arg9 : memref<400xi32, #tpu.memory_space<vmem>>)
        %dma_start3A_140 = arith.constant 0 : i32
        %dma_start3A_141 = arith.constant 0 : i32
        %dma_start3A_142 = tpu.memref_slice %arg2[%dma_start3A_140, %dma_start3A_141] : memref<10000x128xf32, #tpu.memory_space<hbm>> -> memref<10000x128xf32, #tpu.memory_space<hbm>>
        tpu.enqueue_indirect_dma source(%dma_start3A_142 : memref<10000x128xf32, #tpu.memory_space<hbm>>) target(%arg11 : memref<400x128xf32, #tpu.memory_space<vmem>>) offsets(%arg7 : memref<400xi32, #tpu.memory_space<vmem>>) semaphore(%arg17 : memref<!tpu.dma_semaphore, #tpu.memory_space<semaphore_mem>>)
      } else {
      }
      %dma_wait3A_109 = arith.constant 0 : i32
      %dma_wait3A_110 = arith.constant 0 : i32
      %dma_wait3A_111 = tpu.memref_slice %arg3[%dma_wait3A_109, %dma_wait3A_110] : memref<10000x128xf32, #tpu.memory_space<hbm>> -> memref<10000x128xf32, #tpu.memory_space<hbm>>
      tpu.wait_indirect_dma semaphore(%arg20 : memref<!tpu.dma_semaphore, #tpu.memory_space<semaphore_mem>>) src(%dma_wait3A_111 : memref<10000x128xf32, #tpu.memory_space<hbm>>) dst(%arg12 : memref<400x128xf32, #tpu.memory_space<vmem>>)
      %mul3A_112 = arith.constant 400 : i32
      %mul3A_113 = arith.muli %add3A_90, %mul3A_112 : i32
      %add3A_114 = arith.addi %mul3A_2, %mul3A_113 : i32
      %dma_start3A_115 = arith.constant 0 : i32
      %dma_start3A_116 = tpu.memref_slice %arg6[%add3A_114, %dma_start3A_115] : memref<320000x128xf32, #tpu.memory_space<hbm>> -> memref<400x128xf32, #tpu.memory_space<hbm>>
      %dma_start3A_117 = arith.constant 0 : i32
      %dma_start3A_118 = tpu.memref_slice %arg6[%add3A_114, %dma_start3A_117] : memref<320000x128xf32, #tpu.memory_space<hbm>> -> memref<400x128xf32, #tpu.memory_space<hbm>>
      tpu.enqueue_dma source(%arg12 : memref<400x128xf32, #tpu.memory_space<vmem>>) target(%dma_start3A_118 : memref<400x128xf32, #tpu.memory_space<hbm>>) target_semaphore(%arg22 : memref<!tpu.dma_semaphore, #tpu.memory_space<semaphore_mem>>)
      %add3A_119 = arith.constant 2 : i32
      %add3A_120 = arith.addi %add3A_90, %add3A_119 : i32
      %lt3A_121 = arith.constant 25 : i32
      %lt3A_122 = arith.cmpi slt, %add3A_120, %lt3A_121 : i32
      %convert_element_type3A_123 = arith.extui %lt3A_122 : i1 to i32
      %cond3A_124 = arith.constant 0 : i32
      %cond3A_125 = arith.cmpi ne, %convert_element_type3A_123, %cond3A_124 : i32
      scf.if %cond3A_125 {
        %add3A_126 = arith.constant 2 : i32
        %add3A_127 = arith.addi %add3A_90, %add3A_126 : i32
        %mul3A_128 = arith.constant 400 : i32
        %mul3A_129 = arith.muli %add3A_127, %mul3A_128 : i32
        %add3A_130 = arith.addi %mul3A_2, %mul3A_129 : i32
        %dma_start3A_131 = tpu.memref_slice %arg4[%add3A_130] : memref<320000xi32, #tpu.memory_space<hbm>> -> memref<400xi32, #tpu.memory_space<hbm>>
        %dma_start3A_132 = tpu.memref_slice %arg4[%add3A_130] : memref<320000xi32, #tpu.memory_space<hbm>> -> memref<400xi32, #tpu.memory_space<hbm>>
        tpu.enqueue_dma source(%dma_start3A_132 : memref<400xi32, #tpu.memory_space<hbm>>) target(%arg8 : memref<400xi32, #tpu.memory_space<vmem>>) target_semaphore(%arg14 : memref<!tpu.dma_semaphore, #tpu.memory_space<semaphore_mem>>)
        %mul3A_133 = arith.constant 400 : i32
        %mul3A_134 = arith.muli %add3A_127, %mul3A_133 : i32
        %add3A_135 = arith.addi %mul3A_2, %mul3A_134 : i32
        %dma_start3A_136 = tpu.memref_slice %arg5[%add3A_135] : memref<320000xi32, #tpu.memory_space<hbm>> -> memref<400xi32, #tpu.memory_space<hbm>>
        %dma_start3A_137 = tpu.memref_slice %arg5[%add3A_135] : memref<320000xi32, #tpu.memory_space<hbm>> -> memref<400xi32, #tpu.memory_space<hbm>>
        tpu.enqueue_dma source(%dma_start3A_137 : memref<400xi32, #tpu.memory_space<hbm>>) target(%arg10 : memref<400xi32, #tpu.memory_space<vmem>>) target_semaphore(%arg16 : memref<!tpu.dma_semaphore, #tpu.memory_space<semaphore_mem>>)
      } else {
      }
    }
    %scan3A_31 = arith.constant 12 : i32
    %dma_wait3A_32 = arith.constant 0 : i32
    %dma_wait3A_33 = arith.constant 0 : i32
    %dma_wait3A_34 = tpu.memref_slice %arg2[%dma_wait3A_32, %dma_wait3A_33] : memref<10000x128xf32, #tpu.memory_space<hbm>> -> memref<10000x128xf32, #tpu.memory_space<hbm>>
    tpu.wait_indirect_dma semaphore(%arg17 : memref<!tpu.dma_semaphore, #tpu.memory_space<semaphore_mem>>) src(%dma_wait3A_34 : memref<10000x128xf32, #tpu.memory_space<hbm>>) dst(%arg11 : memref<400x128xf32, #tpu.memory_space<vmem>>)
    %dma_start3A_35 = arith.constant 0 : i32
    %dma_start3A_36 = arith.constant 0 : i32
    %dma_start3A_37 = tpu.memref_slice %arg3[%dma_start3A_35, %dma_start3A_36] : memref<10000x128xf32, #tpu.memory_space<hbm>> -> memref<10000x128xf32, #tpu.memory_space<hbm>>
    tpu.enqueue_indirect_dma source(%dma_start3A_37 : memref<10000x128xf32, #tpu.memory_space<hbm>>) target(%arg11 : memref<400x128xf32, #tpu.memory_space<vmem>>) offsets(%arg9 : memref<400xi32, #tpu.memory_space<vmem>>) semaphore(%arg19 : memref<!tpu.dma_semaphore, #tpu.memory_space<semaphore_mem>>) {add = true}
    %dma_wait3A_38 = arith.constant 0 : i32
    %dma_wait3A_39 = arith.constant 0 : i32
    %dma_wait3A_40 = tpu.memref_slice %arg3[%dma_wait3A_38, %dma_wait3A_39] : memref<10000x128xf32, #tpu.memory_space<hbm>> -> memref<10000x128xf32, #tpu.memory_space<hbm>>
    tpu.wait_indirect_dma semaphore(%arg19 : memref<!tpu.dma_semaphore, #tpu.memory_space<semaphore_mem>>) src(%dma_wait3A_40 : memref<10000x128xf32, #tpu.memory_space<hbm>>) dst(%arg11 : memref<400x128xf32, #tpu.memory_space<vmem>>)
    %add3A_41 = arith.constant 9200 : i32
    %add3A_42 = arith.addi %mul3A_2, %add3A_41 : i32
    %dma_wait3A_43 = arith.constant 0 : i32
    %dma_wait3A_44 = tpu.memref_slice %arg6[%add3A_42, %dma_wait3A_43] : memref<320000x128xf32, #tpu.memory_space<hbm>> -> memref<400x128xf32, #tpu.memory_space<hbm>>
    %dma_wait3A_45 = arith.constant 0 : i32
    %dma_wait3A_46 = tpu.memref_slice %arg6[%add3A_42, %dma_wait3A_45] : memref<320000x128xf32, #tpu.memory_space<hbm>> -> memref<400x128xf32, #tpu.memory_space<hbm>>
    tpu.wait_dma2 semaphore(%arg22 : memref<!tpu.dma_semaphore, #tpu.memory_space<semaphore_mem>>) src(%arg12 : memref<400x128xf32, #tpu.memory_space<vmem>>) dst(%dma_wait3A_46 : memref<400x128xf32, #tpu.memory_space<hbm>>)
    %add3A_47 = arith.constant 9600 : i32
    %add3A_48 = arith.addi %mul3A_2, %add3A_47 : i32
    "tpu.region"() ({
      %run_scoped3A = tpu.sem_alloc : memref<!tpu.dma_semaphore, #tpu.memory_space<semaphore_mem>>
      %dma_start3A_49 = arith.constant 0 : i32
      %dma_start3A_50 = tpu.memref_slice %arg6[%add3A_48, %dma_start3A_49] : memref<320000x128xf32, #tpu.memory_space<hbm>> -> memref<400x128xf32, #tpu.memory_space<hbm>>
      %dma_start3A_51 = arith.constant 0 : i32
      %dma_start3A_52 = tpu.memref_slice %arg6[%add3A_48, %dma_start3A_51] : memref<320000x128xf32, #tpu.memory_space<hbm>> -> memref<400x128xf32, #tpu.memory_space<hbm>>
      tpu.enqueue_dma source(%arg11 : memref<400x128xf32, #tpu.memory_space<vmem>>) target(%dma_start3A_52 : memref<400x128xf32, #tpu.memory_space<hbm>>) target_semaphore(%run_scoped3A : memref<!tpu.dma_semaphore, #tpu.memory_space<semaphore_mem>>)
      %dma_wait3A_53 = arith.constant 0 : i32
      %dma_wait3A_54 = tpu.memref_slice %arg6[%add3A_48, %dma_wait3A_53] : memref<320000x128xf32, #tpu.memory_space<hbm>> -> memref<400x128xf32, #tpu.memory_space<hbm>>
      %dma_wait3A_55 = arith.constant 0 : i32
      %dma_wait3A_56 = tpu.memref_slice %arg6[%add3A_48, %dma_wait3A_55] : memref<320000x128xf32, #tpu.memory_space<hbm>> -> memref<400x128xf32, #tpu.memory_space<hbm>>
      tpu.wait_dma2 semaphore(%run_scoped3A : memref<!tpu.dma_semaphore, #tpu.memory_space<semaphore_mem>>) src(%arg11 : memref<400x128xf32, #tpu.memory_space<vmem>>) dst(%dma_wait3A_56 : memref<400x128xf32, #tpu.memory_space<hbm>>)
      tpu.yield
    }) : () -> ()
    return
  }
}

module attributes {stable_mosaic.version = 14 : i64} {
  func.func @_node_tables_kernel(%arg0: memref<10000x128xf32, #tpu.memory_space<vmem>>, %arg1: memref<1x128xf32, #tpu.memory_space<vmem>>, %arg2: memref<1x128xf32, #tpu.memory_space<vmem>>, %arg3: memref<128x128xf32, #tpu.memory_space<vmem>>, %arg4: memref<128x128xf32, #tpu.memory_space<vmem>>, %arg5: memref<1x128xf32, #tpu.memory_space<vmem>>, %arg6: memref<10000x128xf32, #tpu.memory_space<vmem>>, %arg7: memref<10000x128xf32, #tpu.memory_space<vmem>>) attributes {dimension_semantics = [], scalar_prefetch = 0 : i64, scratch_operands = 0 : i64, tpu.core_type = #tpu.core_type<tc>} {
    %get3A = arith.constant 0 : index
    %get3A_0 = arith.constant 0 : index
    %get3A_1 = vector.load %arg0[%get3A, %get3A_0] : memref<10000x128xf32, #tpu.memory_space<vmem>>, vector<10000x128xf32>
    %reduce_sum3A = arith.constant dense<0.000000e+00> : vector<128xf32>
    %reduce_sum3A_2 = vector.multi_reduction <add>, %get3A_1, %reduce_sum3A [0] : vector<10000x128xf32> to vector<128xf32>
    %broadcast_in_dim3A = vector.shape_cast %reduce_sum3A_2 : vector<128xf32> to vector<1x128xf32>
    %div3A = arith.constant 1.000000e+04 : f32
    %div3A_3 = vector.broadcast %div3A : f32 to vector<1x128xf32>
    %div3A_4 = arith.divf %broadcast_in_dim3A, %div3A_3 : vector<1x128xf32>
    %sub3A = vector.broadcast %div3A_4 : vector<1x128xf32> to vector<10000x128xf32>
    %sub3A_5 = arith.subf %get3A_1, %sub3A : vector<10000x128xf32>
    %integer_pow3A = arith.mulf %sub3A_5, %sub3A_5 : vector<10000x128xf32>
    %reduce_sum3A_6 = arith.constant dense<0.000000e+00> : vector<128xf32>
    %reduce_sum3A_7 = vector.multi_reduction <add>, %integer_pow3A, %reduce_sum3A_6 [0] : vector<10000x128xf32> to vector<128xf32>
    %broadcast_in_dim3A_8 = vector.shape_cast %reduce_sum3A_7 : vector<128xf32> to vector<1x128xf32>
    %div3A_9 = arith.constant 1.000000e+04 : f32
    %div3A_10 = vector.broadcast %div3A_9 : f32 to vector<1x128xf32>
    %div3A_11 = arith.divf %broadcast_in_dim3A_8, %div3A_10 : vector<1x128xf32>
    %get3A_12 = arith.constant 0 : index
    %get3A_13 = arith.constant 0 : index
    %get3A_14 = vector.load %arg1[%get3A_12, %get3A_13] : memref<1x128xf32, #tpu.memory_space<vmem>>, vector<1x128xf32>
    %add3A = arith.constant 9.99999974E-6 : f32
    %add3A_15 = vector.broadcast %add3A : f32 to vector<1x128xf32>
    %add3A_16 = arith.addf %div3A_11, %add3A_15 : vector<1x128xf32>
    %rsqrt3A = math.rsqrt %add3A_16 : vector<1x128xf32>
    %mul3A = arith.mulf %get3A_14, %rsqrt3A : vector<1x128xf32>
    %sub3A_17 = vector.broadcast %div3A_4 : vector<1x128xf32> to vector<10000x128xf32>
    %sub3A_18 = arith.subf %get3A_1, %sub3A_17 : vector<10000x128xf32>
    %mul3A_19 = vector.broadcast %mul3A : vector<1x128xf32> to vector<10000x128xf32>
    %mul3A_20 = arith.mulf %sub3A_18, %mul3A_19 : vector<10000x128xf32>
    %get3A_21 = arith.constant 0 : index
    %get3A_22 = arith.constant 0 : index
    %get3A_23 = vector.load %arg2[%get3A_21, %get3A_22] : memref<1x128xf32, #tpu.memory_space<vmem>>, vector<1x128xf32>
    %add3A_24 = vector.broadcast %get3A_23 : vector<1x128xf32> to vector<10000x128xf32>
    %add3A_25 = arith.addf %mul3A_20, %add3A_24 : vector<10000x128xf32>
    %get3A_26 = arith.constant 0 : index
    %get3A_27 = arith.constant 0 : index
    %get3A_28 = vector.load %arg3[%get3A_26, %get3A_27] : memref<128x128xf32, #tpu.memory_space<vmem>>, vector<128x128xf32>
    %dot_general3A = arith.constant dense<0.000000e+00> : vector<10000x128xf32>
    %dot_general3A_29 = tpu.matmul %add3A_25, %get3A_28, %dot_general3A {dimension_numbers = #tpu.dot_dimension_numbers<[1], [0], [0], [1], [0, 0, 1, 1], [], []>, transpose_lhs_hint = false} : vector<10000x128xf32>, vector<128x128xf32>, vector<10000x128xf32> -> vector<10000x128xf32>
    %get3A_30 = arith.constant 0 : index
    %get3A_31 = arith.constant 0 : index
    %get3A_32 = vector.load %arg5[%get3A_30, %get3A_31] : memref<1x128xf32, #tpu.memory_space<vmem>>, vector<1x128xf32>
    %add3A_33 = vector.broadcast %get3A_32 : vector<1x128xf32> to vector<10000x128xf32>
    %add3A_34 = arith.addf %dot_general3A_29, %add3A_33 : vector<10000x128xf32>
    %swap3A = arith.constant 0 : index
    %swap3A_35 = arith.constant 0 : index
    %swap3A_36 = vector.load %arg6[%swap3A, %swap3A_35] : memref<10000x128xf32, #tpu.memory_space<vmem>>, vector<10000x128xf32>
    tpu.vector_store %arg6[%swap3A, %swap3A_35], %add3A_34 {strides = array<i32>} : memref<10000x128xf32, #tpu.memory_space<vmem>>, vector<10000x128xf32>,
    %get3A_37 = arith.constant 0 : index
    %get3A_38 = arith.constant 0 : index
    %get3A_39 = vector.load %arg4[%get3A_37, %get3A_38] : memref<128x128xf32, #tpu.memory_space<vmem>>, vector<128x128xf32>
    %dot_general3A_40 = arith.constant dense<0.000000e+00> : vector<10000x128xf32>
    %dot_general3A_41 = tpu.matmul %add3A_25, %get3A_39, %dot_general3A_40 {dimension_numbers = #tpu.dot_dimension_numbers<[1], [0], [0], [1], [0, 0, 1, 1], [], []>, transpose_lhs_hint = false} : vector<10000x128xf32>, vector<128x128xf32>, vector<10000x128xf32> -> vector<10000x128xf32>
    %swap3A_42 = arith.constant 0 : index
    %swap3A_43 = arith.constant 0 : index
    %swap3A_44 = vector.load %arg7[%swap3A_42, %swap3A_43] : memref<10000x128xf32, #tpu.memory_space<vmem>>, vector<10000x128xf32>
    tpu.vector_store %arg7[%swap3A_42, %swap3A_43], %dot_general3A_41 {strides = array<i32>} : memref<10000x128xf32, #tpu.memory_space<vmem>>, vector<10000x128xf32>,
    return
  }
}

module attributes {stable_mosaic.version = 14 : i64} {
  func.func @_edge_mlp_kernel(%arg0: i32, %arg1: memref<2000x128xf32, #tpu.memory_space<vmem>>, %arg2: memref<128x128xf32, #tpu.memory_space<vmem>>, %arg3: memref<1x128xf32, #tpu.memory_space<vmem>>, %arg4: memref<2000x64xi32, #tpu.memory_space<vmem>>) attributes {dimension_semantics = [#tpu.dimension_semantics<arbitrary>], iteration_bounds = array<i64: 160>, scalar_prefetch = 0 : i64, scratch_operands = 0 : i64, tpu.core_type = #tpu.core_type<tc>, window_params = [{transform_indices = @transform_0, window_bounds = array<i64: 2000, 128>}, {pipeline_mode = #tpu.pipeline_mode<synchronous>, transform_indices = @transform_1, window_bounds = array<i64: 128, 128>}, {pipeline_mode = #tpu.pipeline_mode<synchronous>, transform_indices = @transform_2, window_bounds = array<i64: 1, 128>}, {transform_indices = @transform_3, window_bounds = array<i64: 2000, 64>}]} {
    %get3A = arith.constant 0 : index
    %get3A_0 = arith.constant 0 : index
    %get3A_1 = vector.load %arg1[%get3A, %get3A_0] : memref<2000x128xf32, #tpu.memory_space<vmem>>, vector<2000x128xf32>
    %max3A = arith.constant 0.000000e+00 : f32
    %max3A_2 = vector.broadcast %max3A : f32 to vector<2000x128xf32>
    %max3A_3 = arith.maximumf %get3A_1, %max3A_2 : vector<2000x128xf32>
    %get3A_4 = arith.constant 0 : index
    %get3A_5 = arith.constant 0 : index
    %get3A_6 = vector.load %arg2[%get3A_4, %get3A_5] : memref<128x128xf32, #tpu.memory_space<vmem>>, vector<128x128xf32>
    %dot_general3A = arith.constant dense<0.000000e+00> : vector<2000x128xf32>
    %dot_general3A_7 = tpu.matmul %max3A_3, %get3A_6, %dot_general3A {dimension_numbers = #tpu.dot_dimension_numbers<[1], [0], [0], [1], [0, 0, 1, 1], [], []>, transpose_lhs_hint = false} : vector<2000x128xf32>, vector<128x128xf32>, vector<2000x128xf32> -> vector<2000x128xf32>
    %get3A_8 = arith.constant 0 : index
    %get3A_9 = arith.constant 0 : index
    %get3A_10 = vector.load %arg3[%get3A_8, %get3A_9] : memref<1x128xf32, #tpu.memory_space<vmem>>, vector<1x128xf32>
    %add3A = vector.broadcast %get3A_10 : vector<1x128xf32> to vector<2000x128xf32>
    %add3A_11 = arith.addf %dot_general3A_7, %add3A : vector<2000x128xf32>
    %slice3A = vector.extract_strided_slice %add3A_11 {offsets = [0, 0], sizes = [2000, 64], strides = [1, 1]} : vector<2000x128xf32> to vector<2000x64xf32>
    %bitcast_convert_type3A = tpu.bitcast %slice3A : vector<2000x64xf32> -> vector<2000x64xi32>
    %add3A_12 = arith.constant 32768 : i32
    %add3A_13 = vector.broadcast %add3A_12 : i32 to vector<2000x64xi32>
    %add3A_14 = arith.addi %bitcast_convert_type3A, %add3A_13 : vector<2000x64xi32>
    %slice3A_15 = vector.extract_strided_slice %add3A_11 {offsets = [0, 64], sizes = [2000, 64], strides = [1, 1]} : vector<2000x128xf32> to vector<2000x64xf32>
    %bitcast_convert_type3A_16 = tpu.bitcast %slice3A_15 : vector<2000x64xf32> -> vector<2000x64xi32>
    %add3A_17 = arith.constant 32768 : i32
    %add3A_18 = vector.broadcast %add3A_17 : i32 to vector<2000x64xi32>
    %add3A_19 = arith.addi %bitcast_convert_type3A_16, %add3A_18 : vector<2000x64xi32>
    %shift_right_logical3A = arith.constant 16 : i32
    %shift_right_logical3A_20 = vector.broadcast %shift_right_logical3A : i32 to vector<2000x64xi32>
    %shift_right_logical3A_21 = arith.shrui %add3A_14, %shift_right_logical3A_20 : vector<2000x64xi32>
    %and3A = arith.constant -65536 : i32
    %and3A_22 = vector.broadcast %and3A : i32 to vector<2000x64xi32>
    %and3A_23 = arith.andi %add3A_19, %and3A_22 : vector<2000x64xi32>
    %or3A = arith.ori %shift_right_logical3A_21, %and3A_23 : vector<2000x64xi32>
    %bitcast_convert_type3A_24 = tpu.bitcast %or3A : vector<2000x64xi32> -> vector<2000x64xi32>
    %swap3A = arith.constant 0 : index
    %swap3A_25 = arith.constant 0 : index
    %swap3A_26 = vector.load %arg4[%swap3A, %swap3A_25] : memref<2000x64xi32, #tpu.memory_space<vmem>>, vector<2000x64xi32>
    tpu.vector_store %arg4[%swap3A, %swap3A_25], %bitcast_convert_type3A_24 {strides = array<i32>} : memref<2000x64xi32, #tpu.memory_space<vmem>>, vector<2000x64xi32>,
    return
  }
  func.func @transform_0(%arg0: i32) -> (i32, i32) {
    %c0_i32 = arith.constant 0 : i32
    %c0_i32_0 = arith.constant 0 : i32
    return %arg0, %c0_i32 : i32, i32
  }
  func.func @transform_1(%arg0: i32) -> (i32, i32) {
    %c0_i32 = arith.constant 0 : i32
    %c0_i32_0 = arith.constant 0 : i32
    %c0_i32_1 = arith.constant 0 : i32
    return %c0_i32, %c0_i32_0 : i32, i32
  }
  func.func @transform_2(%arg0: i32) -> (i32, i32) {
    %c0_i32 = arith.constant 0 : i32
    %c0_i32_0 = arith.constant 0 : i32
    %c0_i32_1 = arith.constant 0 : i32
    return %c0_i32, %c0_i32_0 : i32, i32
  }
  func.func @transform_3(%arg0: i32) -> (i32, i32) {
    %c0_i32 = arith.constant 0 : i32
    %c0_i32_0 = arith.constant 0 : i32
    return %arg0, %c0_i32 : i32, i32
  }
}

</mosaic_0001>

<sc_bundles>
// kernel: kernel.6.cloned.1.call-start
scs
__scs_entry_jumppad:
0x0: {  	(pc) =	sbr.rel $0x88, $3  }
0x1: {  	(tag) =	ssettag $0x0;
	lr =	simm.s32 $0x1  }
0x2: {  	[smem:$0x3F99] =	sst lr;
	_ =	strace $0xD0000000  }
0x3: {  	_ = 	snop  }
0x4: {  	_ = 	snop  }
0x5: {  	_ = 	snop  }
0x6: {  	_ = 	snop  }
0x7: {  	_ = 	snop  }
__scs_overlays_trampoline_lowered:
0x8: {  	[smem:$0x3FA8] =	sst s0  }
0x9: {  	[smem:$0x3FA9] =	sst s1  }
0xa: {  	[smem:$0x3FAA] =	sst s2  }
0xb: {  	[smem:$0x3FAB] =	sst s3  }
0xc: {  	[smem:$0x3FAC] =	sst s4  }
0xd: {  	[smem:$0x3FAD] =	sst s5  }
0xe: {  	[smem:$0x3FAE] =	sst s6  }
0xf: {  	[smem:$0x3FAF] =	sst s7  }
0x10: {  	[smem:$0x3FB0] =	sst s8  }
0x11: {  	[smem:$0x3FB1] =	sst s9;
	s0 =	simm.s32 @!p0 $0x0  }
0x12: {  	s1 =	sld [smem:$0x3F97];
	s0 =	simm.s32 @p0 $0x1  }
0x13: {  	[smem:$0x3FB2] =	sst s0;
	s0 =	simm.s32 @!p1 $0x0  }
0x14: {  	s2 =	sld [smem:$0x3F96];
	s0 =	simm.s32 @p1 $0x1  }
0x15: {  	[smem:$0x3FB3] =	sst s0;
	s0 =	simm.s32 @!p2 $0x0  }
0x16: {  	s3 =	sld [smem:$0x3FDB];
	s0 =	simm.s32 @p2 $0x1  }
0x17: {  	s4 =	simm.s32 $0x1BF5;
	[smem:$0x3FB5] =	sst s0  }
0x18: {  	s0 =	sld [smem:$0x3F98];
	_ =	swait.ge [sflag:s4], $0x0  }
0x19: {  	s7 =	sld [smem:$0x3F99]  }
0x1a: {  	s8 =	sadd.s32 $0xFFFFE003, lr  }
0x1b: {  	s9 =	sadd.s32 $0xFFFFFEF7, lr;
	s5 =	simm.s32 $0xFFFFFFFF;
	p2 =	slt.u32 s8, $0xFFFFF086  }
0x1c: {  	p1 =	slt.u32 s9, $0xF7A;
	s5 =	simm.s32 @!p2 $0x0  }
0x1d: {  	s5 =	simm.s32 @p1 $0x1;
	p0 =	seq.s32 s7, s2  }
0x1e: {  	s7 =	smul.u32 @!p0 $0xF7A, s2;
	p2 =	seq.s32 @!p0 s5, $0x0  }
0x1f: {  	s9 =	smul.u32 $0xF7A, s1;
	s8 =	simm.s32 @!p0 $0x1BF5;
	p2 =	por !p2, p0  }
0x20: {  	[sflag:s8] =	ssyncset.s32 @!p0 $0xFFFFF086;
	s6 =	sadd.s32 @!p0 s3, s7;
	s7 =	simm.s32 @!p0 $0x108  }
0x21: {  	s3 =	sadd.s32 s3, s9;
	s6 =	sadd.s32 @!p0 $0x88, s6;
	s7 =	simm.s32 @p2 $0x1082  }
0x22: {  	[simem:s7], [sflag:s8] =	dma.local @!p0 [hbm:s6], $0xF7A  }
0x23: {  	s9 =	sor.u32 $0xD0000000, s2;
	s6 =	simm.s32 $0x108;
	_ =	swait.ge @!p0 [sflag:s8], $0x0  }
0x24: {  	s3 =	sadd.s32 $0x88, s3;
	s6 =	simm.s32 @!p1 $0x1082;
	[sflag:s4] =	ssyncset.s32 $0xFFFFF086  }
0x25: {  	[simem:s6], [sflag:s4] =	dma.local [hbm:s3], $0xF7A  }
0x26: {  	[smem:$0x3F99] =	sst s1;
	(tag) =	ssettag s2;
	_ =	strace s9  }
0x27: {  	s1 =	sld [smem:$0x3FA9]  }
0x28: {  	s2 =	sld [smem:$0x3FAA]  }
0x29: {  	s4 =	sld [smem:$0x3FAC]  }
0x2a: {  	p0 =	seq.s32 s5, $0x0;
	s5 =	sld [smem:$0x3FAD]  }
0x2b: {  	s6 =	sld [smem:$0x3FAE]  }
0x2c: {  	s7 =	sld [smem:$0x3FAF]  }
0x2d: {  	s3 =	simm.s32 $0x108;
	s8 =	sld [smem:$0x3FB0]  }
0x2e: {  	s3 =	simm.s32 @!p0 $0x1082;
	s9 =	sld [smem:$0x3FB1]  }
0x2f: {  	lr =	sadd.s32 s0, s3;
	s0 =	sld [smem:$0x3FA8]  }
0x30: {  	s3 =	sld [smem:$0x3FAB]  }
0x31: {  	[smem:$0x3FB4] =	sst s10  }
0x32: {  	s10 =	sld [smem:$0x3FB2];
	_ =	sdelay $0x3  }
0x33: {  	p0 =	seq.s32 s10, $0x1;
	s10 =	sld [smem:$0x3FB4];
	_ =	sdelay $0x3  }
0x34: {  	[smem:$0x3FB4] =	sst s10  }
0x35: {  	s10 =	sld [smem:$0x3FB3];
	_ =	sdelay $0x3  }
0x36: {  	p1 =	seq.s32 s10, $0x1;
	s10 =	sld [smem:$0x3FB4];
	_ =	sdelay $0x3  }
0x37: {  	[smem:$0x3FB4] =	sst s10  }
0x38: {  	s10 =	sld [smem:$0x3FB5]  }
0x39: {  	_ = 	snop;
	(pc) =	sbr.ind lr, $3  }
0x3a: {  	_ = 	snop  }
0x3b: {  	_ = 	snop  }
0x3c: {  	p2 =	seq.s32 s10, $0x1;
	s10 =	sld [smem:$0x3FB4]  }
0x3d: {  	_ =	shalt  }
0x3e: {  	_ =	shalt  }
0x3f: {  	_ =	shalt  }
0x40: {  	_ =	shalt  }
0x41: {  	_ =	shalt  }
0x42: {  	_ =	shalt  }
0x43: {  	_ =	shalt  }
0x44: {  	_ =	shalt  }
0x45: {  	_ =	shalt  }
0x46: {  	_ =	shalt  }
0x47: {  	_ =	shalt  }
0x48: {  	_ =	shalt  }
0x49: {  	_ =	shalt  }
0x4a: {  	_ =	shalt  }
0x4b: {  	_ =	shalt  }
0x4c: {  	_ =	shalt  }
0x4d: {  	_ =	shalt  }
0x4e: {  	_ =	shalt  }
0x4f: {  	_ =	shalt  }
0x50: {  	_ =	shalt  }
0x51: {  	_ =	shalt  }
0x52: {  	_ =	shalt  }
0x53: {  	_ =	shalt  }
0x54: {  	_ =	shalt  }
0x55: {  	_ =	shalt  }
0x56: {  	_ =	shalt  }
0x57: {  	_ =	shalt  }
0x58: {  	_ =	shalt  }
0x59: {  	_ =	shalt  }
0x5a: {  	_ =	shalt  }
0x5b: {  	_ =	shalt  }
0x5c: {  	_ =	shalt  }
0x5d: {  	_ =	shalt  }
0x5e: {  	_ =	shalt  }
0x5f: {  	_ =	shalt  }
0x60: {  	_ =	shalt  }
0x61: {  	_ =	shalt  }
0x62: {  	_ =	shalt  }
0x63: {  	_ =	shalt  }
0x64: {  	_ =	shalt  }
0x65: {  	_ =	shalt  }
0x66: {  	_ =	shalt  }
0x67: {  	_ =	shalt  }
0x68: {  	_ =	shalt  }
0x69: {  	_ =	shalt  }
0x6a: {  	_ =	shalt  }
0x6b: {  	_ =	shalt  }
0x6c: {  	_ =	shalt  }
0x6d: {  	_ =	shalt  }
0x6e: {  	_ =	shalt  }
0x6f: {  	_ =	shalt  }
0x70: {  	_ =	shalt  }
0x71: {  	_ =	shalt  }
0x72: {  	_ =	shalt  }
0x73: {  	_ =	shalt  }
0x74: {  	_ =	shalt  }
0x75: {  	_ =	shalt  }
0x76: {  	_ =	shalt  }
0x77: {  	_ =	shalt  }
0x78: {  	_ =	shalt  }
0x79: {  	_ =	shalt  }
0x7a: {  	_ =	shalt  }
0x7b: {  	_ =	shalt  }
0x7c: {  	_ =	shalt  }
0x7d: {  	_ =	shalt  }
0x7e: {  	_ =	shalt  }
0x7f: {  	_ =	shalt  }
0x80: {  	_ =	shalt  }
0x81: {  	_ =	shalt  }
0x82: {  	_ =	shalt  }
0x83: {  	_ =	shalt  }
0x84: {  	_ =	shalt  }
0x85: {  	_ =	shalt  }
0x86: {  	_ =	shalt  }
0x87: {  	_ =	shalt  }
.Lfunc_end0:
.L_simem_size_0:
called_computation_lowered:
.L_overlay_start_0:
0x88: {  	s2 =	sld [smem:$0x3FD9]  }
0x89: {  	s3 =	sld [smem:$0x3FFE];
	_ =	sdelay $0x1  }
0x8a: {  	s1 =	srdreg.scid  }
0x8b: {  	s0 =	sand.u32 $0x1, s1  }
0x8c: {  	s17 =	sshll.u32 s0, $0xA;
	s2 =	sadd.s32 s3, s2  }
0x8d: {  	s2 =	sadd.s32 s2, s17  }
0x8e: {  	[smem:$0x3FC0] =	sst s2  }
0x8f: {  	_ = 	snop  }
0x90: {  	s2 =	sld [smem:$0x3FD0];
	(tm) =	ssettm $0x1  }
0x91: {  	s18 =	sld [smem:$0x3FFB];
	_ =	sdelay $0x3  }
0x92: {  	_ =	strace s18  }
0x93: {  	s3 =	sld [smem:$0x3FFC];
	_ =	sdelay $0x3  }
0x94: {  	_ =	strace s3  }
0x95: {  	s3 =	sld [smem:$0x3FFD];
	_ =	sdelay $0x3  }
0x96: {  	_ =	strace s3  }
0x97: {  	_ =	strace $0x8FFFFFFF  }
0x98: {  	s19 =	sld [smem:$0x3FDB];
	_ =	sdelay $0x1  }
0x99: {  	s4 =	simm.s32 $_scs_section_size  }
0x9a: {  	s5 =	simm.s32 $_size__tile_overlayer_lowered;
	s6 =	simm.s32 $_tile_overlayer_lowered  }
0x9b: {  	s22 =	simm.s32 $0x1BFF;
	s21 =	sshll.u32 s6, $0x1;
	s3 =	sadd.s32 s4, s19  }
0x9c: {  	s7 =	simm.s32 $0x0;
	s20 =	sshll.u32 s5, $0x1;
	s5 =	sadd.s32 s21, s3  }
0x9d: {  	[timem:s7], [sflag:s22] =	dma.local [hbm:s5], s20  }
0x9e: {  	_ =	swait.ge [sflag:s22], s20  }
0x9f: {  	s4 =	ssub.s32 $0x0, s20;
	[sflag:s22] =	ssyncset.done $0x0  }
0xa0: {  	[sflag:s22] =	ssyncadd.s32 s4;
	_ =	sdelay $0x1  }
0xa1: {  	s23 =	simm.s32 $0x1B8B  }
0xa2: {  	_ =	swait.ge [sflag:s23], $0x1  }
0xa3: {  	[sflag:s23] =	ssyncset.done $0x0  }
0xa4: {  	s25 =	simm.s32 $0x1B8E;
	s24 =	sld [smem:$0x3FFE];
	[sflag:s23] =	ssyncadd.s32 $0xFFFFFFFF  }
0xa5: {  	s26 =	simm.s32 $execute0_lowered;
	[smem:$0x3FD2] =	sst s25  }
0xa6: {  	s5 =	sshll.u32 s26, $0x1;
	_ =	strace $0x80000046;
	[dreg:$0x1] =	wrdreg $0xFFFFFFFF  }
0xa7: {  	s28 =	simm.s32 $_size_execute0_lowered;
	s3 =	sadd.s32 s3, s5;
	[dreg:$0x0] =	wrdreg $0x0  }
0xa8: {  	s5 =	sshll.u32 s28, $0x1;
	[dreg:$0x2] =	wrdreg s3  }
0xa9: {  	[dreg:$0x3] =	wrdreg s5  }
0xaa: {  	[dreg:$0x4] =	wrdreg $0xC0  }
0xab: {  	_ =	task [dreg:s7], $0x5FFFF  }
0xac: {  	[dreg:$0x1] =	wrdreg $0xFFFFFFFF  }
0xad: {  	[dreg:$0x0] =	wrdreg $0x60  }
0xae: {  	[dreg:$0x2] =	wrdreg s2  }
0xaf: {  	[dreg:$0x3] =	wrdreg s24  }
0xb0: {  	[dreg:$0x4] =	wrdreg $0x9  }
0xb1: {  	_ =	task.clear_ibuf [dreg:s7], $0x5FFFF;
	_ =	strace $0x90000046  }
0xb2: {  	s29 =	simm.s32 $0x9;
	_ =	strace $0x80000048  }
0xb3: {  	_ =	swait.ge [sflag:s29], $0x1  }
0xb4: {  	[sflag:s29] =	ssyncadd.s32 $0xFFFFFFFF  }
0xb5: {  	_ =	strace $0x90000048  }
0xb6: {  	_ =	sfence  }
0xb7: {  	s30 =	sld [smem:$0x0];
	_ =	sdelay $0x2  }
0xb8: {  	s31 =	sshll.u32 s1, $0xD;
	s1 =	sshrl.u32 s1, $0x2  }
0xb9: {  	s3 =	sand.u32 $0x4000, s31;
	s1 =	sadd.s32 s1, s30  }
0xba: {  	s0 =	sor.u32 s3, s0;
	s1 =	sshll.u32 s1, $0x11  }
0xbb: {  	s0 =	sor.u32 s1, s0  }
0xbc: {  	s0 =	sadd.s32 $0x8F2B, s0  }
0xbd: {  	[sflag:s0] =	ssyncadd.remote.s32 $0x1  }
0xbe: {  	_ =	sfence.sel $0xFFFF  }
0xbf: {  	[dreg:$0x0] =	wrdreg $0xFFFFFFFF;
	(pc) =	sbr.abs _section_cstart, $3  }
0xc0: {  	[dreg:$0x1] =	wrdreg $0xFFFFFFFF  }
0xc1: {  	_ =	task.clear_ibuf [dreg:s7], $0x2FFFF;
	_ =	strace $0x9FFFFFFF  }
0xc2: {  	(tm) =	ssettm $0x7FFFFFFF  }
0xc3: {  	_ =	shalt  }
tec
execute0_lowered:
.L_overlay_start_1:
0x0: {  	(tag) =	ssettag $0x1  }
0x1: {  	s1 =	rddreg [dreg:$0x0]  }
0x2: {  	s0 =	rddreg [dreg:$0x1]  }
0x3: {  	s3 =	simm.s32 $0x0;
	s2 =	srdreg.scid;
	s13 =	stileid.u32  }
0x4: {  	s19 =	simm.s32 $0x400;
	s20 =	simm.s32 $0x200;
	s21 =	simm.s32 $0x600  }
0x5: {  	s28 =	simm.s32 $0x2;
	s29 =	simm.s32 $0x4;
	s30 =	simm.s32 $0xD000  }
0x6: {  	s31 =	simm.s32 $0x7;
	[smem:$0x7FF] =	sst s3;
	s2 =	sand.u32 $0x1, s2  }
0x7: {  	s5 =	sshll.u32 s13, $0x1;
	s4 =	sadd.s32 $0x15400, s0;
	s7 =	sadd.s32 $0x1800, s0  }
0x8: {  	s8 =	sadd.s32 $0x3C600, s0;
	s13 =	smul.u32 $0x4E20, s13;
	_ =	strace $0x80000047  }
0x9: {  	s9 =	ssub.s32 $0x2, s2;
	s10 =	sor.u32 s2, s5;
	s2 =	smul.u32 $0x2710, s2  }
0xa: {  	s5 =	sadd.s32 $0xB600, s0;
	s11 =	sshrl.u32 s9, $0x1;
	s6 =	smul.u32 $0x2710, s10  }
0xb: {  	s10 =	smul.u32 $0x138800, s10;
	s22 =	ssub.s32 s9, s11;
	s2 =	sadd.s32 s2, s13  }
0xc: {  	s13 =	simm.s32 $0x0;
	s23 =	sshrl.u32 s6, $0x3;
	s9 =	sadd.s32 $0x190, s6  }
0xd: {  	s14 =	sadd.s32 $0x320, s6;
	s10 =	sshrl.u32 s10, $0x3;
	s15 =	sadd.s32 $0x4B0, s6  }
0xe: {  	s0 =	smax.u32 s22, $0x1;
	s18 =	sadd.s32 $0x190, s2;
	s22 =	simm.s32 $0x1  }
0xf: {  	s2 =	simm.s32 $0x9;
	s12 =	sadd.s32 s5, s23;
	[dreg:$0x8] =	wrdreg s0  }
0x10: {  	s24 =	sshrl.u32 s9, $0x3;
	s11 =	sadd.s32 s7, s23;
	[dreg:$0x3] =	wrdreg s12  }
.Ltmp0:
0x11: {  	[dreg:$0x4] =	wrdreg s11;
	s25 =	sadd.s32 s5, s24;
	(pc) =	sbr.rel .LBB2_1-.Ltmp0, $4  }
0x12: {  	s10 =	sadd.s32 s8, s10;
	s26 =	sadd.s32 s7, s24;
	[dreg:$0x5] =	wrdreg s25  }
0x13: {  	s23 =	simm.s32 $0x3;
	s10 =	sadd.s32 $0x25800, s10;
	[dreg:$0x6] =	wrdreg s26  }
0x14: {  	s0 =	simm.s32 $0x6;
	s24 =	simm.s32 $0x190;
	[dreg:$0x7] =	wrdreg s10  }
0x15: {  	s25 =	simm.s32 $0x800;
	s26 =	simm.s32 $0x5;
	s10 =	simm.s32 $0x8  }
.LBB2_4:
0x16: {  	_ =	swait.ge [sflag:s26], $0xC800  }
0x17: {  	[sflag:s26] =	ssyncset.done $0x0  }
0x18: {  	[sflag:s26] =	ssyncadd.s32 $0xFFFF3800  }
0x19: {  	[tilespmem:s25], [sflag:$0x7] =	stream.indirect.gather.add.f32 [hbm:s4], $0x80, s19, s24, $0xb8;
	[tilespmem:$0x19800] =	vst v63  }
0x1a: {  	_ =	swait.ge [sflag:s31], $0xC800  }
0x1b: {  	[sflag:s31] =	ssyncset.done $0x0  }
0x1c: {  	s11 =	simm.s32 $0xA;
	[sflag:s31] =	ssyncadd.s32 $0xFFFF3800  }
0x1d: {  	_ =	swait.ge [sflag:s11], $0xC800  }
0x1e: {  	[sflag:s11] =	ssyncset.done $0x0  }
0x1f: {  	s12 =	simm.s32 $0xB;
	s16 =	rddreg [dreg:$0x7];
	[sflag:s11] =	ssyncadd.s32 $0xFFFF3800  }
0x20: {  	[hbm4b:s16+s3] =	stream.linear.scatter [tilespmem:s25], [sflag:$0xB], $0xC800, $0x38;
	[tilespmem:$0x19800] =	vst v63  }
0x21: {  	_ =	swait.ge [sflag:s12], $0xC800  }
0x22: {  	s13 =	sadd.s32 $0x1, s13;
	s17 =	rddreg [dreg:$0x8]  }
0x23: {  	p0 =	sne.s32 s13, s17  }
.Ltmp1:
0x24: {  	_ = 	snop;
	(pc) =	sbr.rel @!p0 .LBB2_5-.Ltmp1, $3  }
0x25: {  	_ =	sdelay $0x1  }
0x26: {  	[sflag:s12] =	ssyncset.done $0x0  }
0x27: {  	[sflag:s12] =	ssyncadd.s32 $0xFFFF3800  }
.LBB2_1:
0x28: {  	s11 =	rddreg [dreg:$0x3]  }
0x29: {  	[tilespmem:s3], [sflag:$0x1] =	stream.linear.gather [hbm4b:s11+s3], $0x190, $0x38;
	[tilespmem:$0x19800] =	vst v63  }
0x2a: {  	s12 =	rddreg [dreg:$0x4]  }
0x2b: {  	[tilespmem:s19], [sflag:$0x3] =	stream.linear.gather [hbm4b:s12+s3], $0x190, $0x38;
	[tilespmem:$0x19800] =	vst v63  }
0x2c: {  	s16 =	rddreg [dreg:$0x5]  }
0x2d: {  	[tilespmem:s20], [sflag:$0x2] =	stream.linear.gather [hbm4b:s16+s3], $0x190, $0x38;
	[tilespmem:$0x19800] =	vst v63  }
0x2e: {  	s17 =	rddreg [dreg:$0x6]  }
0x2f: {  	[tilespmem:s21], [sflag:$0x4] =	stream.linear.gather [hbm4b:s17+s3], $0x190, $0x38;
	[tilespmem:$0x19800] =	vst v63  }
0x30: {  	_ =	swait.ge [sflag:s22], $0x190  }
0x31: {  	[sflag:s22] =	ssyncset.done $0x0  }
0x32: {  	[sflag:s22] =	ssyncadd.s32 $0xFFFFFE70  }
0x33: {  	_ =	swait.ge [sflag:s23], $0x190  }
0x34: {  	[sflag:s23] =	ssyncset.done $0x0  }
0x35: {  	s17 =	simm.s32 $0x0;
	[sflag:s23] =	ssyncadd.s32 $0xFFFFFE70  }
0x36: {  	[tilespmem:s25], [sflag:$0x5] =	stream.indirect.gather [hbm4b:s1+s24], $0x80, s3, s24, $0xb8;
	[tilespmem:$0x19800] =	vst v63  }
.LBB2_2:
0x37: {  	_ =	swait.ge [sflag:s26], $0xC800  }
0x38: {  	p0 =	seq.s32 s17, $0x0;
	[sflag:s26] =	ssyncset.done $0x0  }
0x39: {  	s16 =	simm.s32 @!p0 $0xA;
	[sflag:s26] =	ssyncadd.s32 $0xFFFF3800  }
0x3a: {  	[tilespmem:s25], [sflag:$0x7] =	stream.indirect.gather.add.f32 [hbm:s4], $0x80, s19, s24, $0xb8;
	[tilespmem:$0x19800] =	vst v63  }
0x3b: {  	_ =	swait.ge @!p0 [sflag:s16], $0xC800  }
0x3c: {  	[sflag:s16] =	ssyncset.done @!p0 $0x0  }
0x3d: {  	[sflag:s16] =	ssyncadd.s32 @!p0 $0xFFFF3800  }
0x3e: {  	_ =	swait.ge [sflag:s28], $0x190  }
0x3f: {  	[sflag:s28] =	ssyncset.done $0x0  }
0x40: {  	[sflag:s28] =	ssyncadd.s32 $0xFFFFFE70  }
0x41: {  	_ =	swait.ge [sflag:s29], $0x190  }
0x42: {  	s16 =	smov.u32 s17;
	[sflag:s29] =	ssyncset.done $0x0  }
0x43: {  	s16 =	simm.s32 @p0 $0x0;
	[sflag:s29] =	ssyncadd.s32 $0xFFFFFE70  }
0x44: {  	[tilespmem:s30], [sflag:$0x6] =	stream.indirect.gather [hbm4b:s1+s24], $0x80, s20, s24, $0xb8;
	[tilespmem:$0x19800] =	vst v63  }
0x45: {  	s11 =	sadd.s32 s6, s16;
	_ =	swait.ge [sflag:s31], $0xC800  }
0x46: {  	s11 =	sshll.u32 s11, $0x4;
	[sflag:s31] =	ssyncset.done $0x0  }
0x47: {  	s12 =	sadd.s32 s16, s14;
	s11 =	sadd.s32 s8, s11;
	[sflag:s31] =	ssyncadd.s32 $0xFFFF3800  }
0x48: {  	[hbm4b:s11+s3] =	stream.linear.scatter [tilespmem:s25], [sflag:$0x9], $0xC800, $0x38;
	[tilespmem:$0x19800] =	vst v63  }
0x49: {  	s11 =	sshrl.u32 s12, $0x3  }
0x4a: {  	s12 =	sadd.s32 s5, s11  }
0x4b: {  	[tilespmem:s3], [sflag:$0x1] =	stream.linear.gather [hbm4b:s12+s3], $0x190, $0x38;
	[tilespmem:$0x19800] =	vst v63  }
0x4c: {  	s11 =	sadd.s32 s7, s11  }
0x4d: {  	[tilespmem:s19], [sflag:$0x3] =	stream.linear.gather [hbm4b:s11+s3], $0x190, $0x38;
	[tilespmem:$0x19800] =	vst v63  }
0x4e: {  	_ =	swait.ge [sflag:s0], $0xC800  }
0x4f: {  	[sflag:s0] =	ssyncset.done $0x0  }
0x50: {  	[sflag:s0] =	ssyncadd.s32 $0xFFFF3800  }
0x51: {  	[tilespmem:s30], [sflag:$0x8] =	stream.indirect.gather.add.f32 [hbm:s4], $0x80, s21, s24, $0xb8;
	[tilespmem:$0x19800] =	vst v63  }
0x52: {  	_ =	swait.ge [sflag:s2], $0xC800  }
0x53: {  	[sflag:s2] =	ssyncset.done $0x0  }
0x54: {  	[sflag:s2] =	ssyncadd.s32 $0xFFFF3800  }
0x55: {  	_ =	swait.ge [sflag:s22], $0x190  }
0x56: {  	[sflag:s22] =	ssyncset.done $0x0  }
0x57: {  	[sflag:s22] =	ssyncadd.s32 $0xFFFFFE70  }
0x58: {  	_ =	swait.ge [sflag:s23], $0x190  }
0x59: {  	s11 =	sadd.s32 @!p0 s17, s18;
	[sflag:s23] =	ssyncset.done $0x0  }
0x5a: {  	s11 =	smov.u32 @p0 s9;
	p0 =	seq.s32 s17, $0x2260;
	[sflag:s23] =	ssyncadd.s32 $0xFFFFFE70  }
0x5b: {  	[tilespmem:s25], [sflag:$0x5] =	stream.indirect.gather [hbm4b:s1+s24], $0x80, s3, s24, $0xb8;
	[tilespmem:$0x19800] =	vst v63  }
.Ltmp2:
0x5c: {  	_ = 	snop;
	(pc) =	sbr.rel @p0 .LBB2_4-.Ltmp2, $4  }
0x5d: {  	_ =	swait.ge [sflag:s10], $0xC800  }
0x5e: {  	s11 =	sshll.u32 s11, $0x4;
	[sflag:s10] =	ssyncset.done $0x0  }
0x5f: {  	s11 =	sadd.s32 s8, s11;
	[sflag:s10] =	ssyncadd.s32 $0xFFFF3800  }
0x60: {  	[hbm4b:s11+s3] =	stream.linear.scatter [tilespmem:s30], [sflag:$0xA], $0xC800, $0x38;
	[tilespmem:$0x19800] =	vst v63  }
0x61: {  	s11 =	sadd.s32 s16, s15  }
.Ltmp3:
0x62: {  	s11 =	sshrl.u32 s11, $0x3;
	(pc) =	sbr.rel .LBB2_2-.Ltmp3, $4  }
0x63: {  	s12 =	sadd.s32 s5, s11  }
0x64: {  	[tilespmem:s20], [sflag:$0x2] =	stream.linear.gather [hbm4b:s12+s3], $0x190, $0x38;
	[tilespmem:$0x19800] =	vst v63  }
0x65: {  	s17 =	sadd.s32 $0x320, s17;
	s11 =	sadd.s32 s7, s11  }
0x66: {  	[tilespmem:s21], [sflag:$0x4] =	stream.linear.gather [hbm4b:s11+s3], $0x190, $0x38;
	[tilespmem:$0x19800] =	vst v63  }
.LBB2_5:
0x67: {  	_ =	sfence.sel $0x180000  }
0x68: {  	[bflag:$0x0] =	sbarrier.arrive $0xFFFF  }
0x69: {  	_ =	strace $0x90000047  }
0x6a: {  	s0 =	stileid.u32;
	[bflag:$0x2] =	sbarrier.arrive $0xFFFF  }
0x6b: {  	p0 =	sne.s32 s0, $0x0;
	s0 =	rddreg [dreg:$0x2]  }
0x6c: {  	s0 =	sadd.s32 @!p0 $0x100000, s0  }
0x6d: {  	[sflag:s0] =	ssyncadd.tile.s32 @!p0 $0x1;
	_ =	shalt  }
.Lfunc_end2:
_tile_overlayer_lowered:
.L_overlay_start_2:
0x6e: {  	(tag) =	ssettag $0x2  }
0x6f: {  	s0 =	rddreg [dreg:$0x0];
	s2 =	stileid.u32  }
0x70: {  	s1 =	rddreg [dreg:$0x1];
	p0 =	sne.s32 s2, $0x0  }
0x71: {  	s3 =	rddreg [dreg:$0x2];
	[bflag:$0x3] =	sbarrier.arrive $0xFFFF;
	s2 =	simm.s32 @!p0 $0x1C0B  }
0x72: {  	[timem:s3], [sflag:s2] =	dma.local @!p0 [hbm:s0], s1  }
0x73: {  	s0 =	simm.s32 @!p0 $0xB  }
0x74: {  	_ =	swait.ge @!p0 [sflag:s0], s1  }
0x75: {  	s1 =	ssub.s32 @!p0 $0x0, s1;
	[sflag:s0] =	ssyncset.done @!p0 $0x0  }
0x76: {  	[sflag:s0] =	ssyncadd.s32 @!p0 s1  }
0x77: {  	[bflag:$0x3] =	sbarrier.arrive $0xFFFF  }
0x78: {  	_ =	shalt  }

// kernel: kernel.9.cloned.1.call-start
scs
__scs_entry_jumppad:
0x0: {  	(pc) =	sbr.rel $0x88, $3  }
0x1: {  	(tag) =	ssettag $0x0;
	lr =	simm.s32 $0x1  }
0x2: {  	[smem:$0x3F99] =	sst lr;
	_ =	strace $0xD0000000  }
0x3: {  	_ = 	snop  }
0x4: {  	_ = 	snop  }
0x5: {  	_ = 	snop  }
0x6: {  	_ = 	snop  }
0x7: {  	_ = 	snop  }
__scs_overlays_trampoline_lowered:
0x8: {  	[smem:$0x3FA8] =	sst s0  }
0x9: {  	[smem:$0x3FA9] =	sst s1  }
0xa: {  	[smem:$0x3FAA] =	sst s2  }
0xb: {  	[smem:$0x3FAB] =	sst s3  }
0xc: {  	[smem:$0x3FAC] =	sst s4  }
0xd: {  	[smem:$0x3FAD] =	sst s5  }
0xe: {  	[smem:$0x3FAE] =	sst s6  }
0xf: {  	[smem:$0x3FAF] =	sst s7  }
0x10: {  	[smem:$0x3FB0] =	sst s8  }
0x11: {  	[smem:$0x3FB1] =	sst s9;
	s0 =	simm.s32 @!p0 $0x0  }
0x12: {  	s1 =	sld [smem:$0x3F97];
	s0 =	simm.s32 @p0 $0x1  }
0x13: {  	[smem:$0x3FB2] =	sst s0;
	s0 =	simm.s32 @!p1 $0x0  }
0x14: {  	s2 =	sld [smem:$0x3F96];
	s0 =	simm.s32 @p1 $0x1  }
0x15: {  	[smem:$0x3FB3] =	sst s0;
	s0 =	simm.s32 @!p2 $0x0  }
0x16: {  	s3 =	sld [smem:$0x3FDB];
	s0 =	simm.s32 @p2 $0x1  }
0x17: {  	s4 =	simm.s32 $0x1BF5;
	[smem:$0x3FB5] =	sst s0  }
0x18: {  	s0 =	sld [smem:$0x3F98];
	_ =	swait.ge [sflag:s4], $0x0  }
0x19: {  	s7 =	sld [smem:$0x3F99]  }
0x1a: {  	s8 =	sadd.s32 $0xFFFFE003, lr  }
0x1b: {  	s9 =	sadd.s32 $0xFFFFFEF7, lr;
	s5 =	simm.s32 $0xFFFFFFFF;
	p2 =	slt.u32 s8, $0xFFFFF086  }
0x1c: {  	p1 =	slt.u32 s9, $0xF7A;
	s5 =	simm.s32 @!p2 $0x0  }
0x1d: {  	s5 =	simm.s32 @p1 $0x1;
	p0 =	seq.s32 s7, s2  }
0x1e: {  	s7 =	smul.u32 @!p0 $0xF7A, s2;
	p2 =	seq.s32 @!p0 s5, $0x0  }
0x1f: {  	s9 =	smul.u32 $0xF7A, s1;
	s8 =	simm.s32 @!p0 $0x1BF5;
	p2 =	por !p2, p0  }
0x20: {  	[sflag:s8] =	ssyncset.s32 @!p0 $0xFFFFF086;
	s6 =	sadd.s32 @!p0 s3, s7;
	s7 =	simm.s32 @!p0 $0x108  }
0x21: {  	s3 =	sadd.s32 s3, s9;
	s6 =	sadd.s32 @!p0 $0x88, s6;
	s7 =	simm.s32 @p2 $0x1082  }
0x22: {  	[simem:s7], [sflag:s8] =	dma.local @!p0 [hbm:s6], $0xF7A  }
0x23: {  	s9 =	sor.u32 $0xD0000000, s2;
	s6 =	simm.s32 $0x108;
	_ =	swait.ge @!p0 [sflag:s8], $0x0  }
0x24: {  	s3 =	sadd.s32 $0x88, s3;
	s6 =	simm.s32 @!p1 $0x1082;
	[sflag:s4] =	ssyncset.s32 $0xFFFFF086  }
0x25: {  	[simem:s6], [sflag:s4] =	dma.local [hbm:s3], $0xF7A  }
0x26: {  	[smem:$0x3F99] =	sst s1;
	(tag) =	ssettag s2;
	_ =	strace s9  }
0x27: {  	s1 =	sld [smem:$0x3FA9]  }
0x28: {  	s2 =	sld [smem:$0x3FAA]  }
0x29: {  	s4 =	sld [smem:$0x3FAC]  }
0x2a: {  	p0 =	seq.s32 s5, $0x0;
	s5 =	sld [smem:$0x3FAD]  }
0x2b: {  	s6 =	sld [smem:$0x3FAE]  }
0x2c: {  	s7 =	sld [smem:$0x3FAF]  }
0x2d: {  	s3 =	simm.s32 $0x108;
	s8 =	sld [smem:$0x3FB0]  }
0x2e: {  	s3 =	simm.s32 @!p0 $0x1082;
	s9 =	sld [smem:$0x3FB1]  }
0x2f: {  	lr =	sadd.s32 s0, s3;
	s0 =	sld [smem:$0x3FA8]  }
0x30: {  	s3 =	sld [smem:$0x3FAB]  }
0x31: {  	[smem:$0x3FB4] =	sst s10  }
0x32: {  	s10 =	sld [smem:$0x3FB2];
	_ =	sdelay $0x3  }
0x33: {  	p0 =	seq.s32 s10, $0x1;
	s10 =	sld [smem:$0x3FB4];
	_ =	sdelay $0x3  }
0x34: {  	[smem:$0x3FB4] =	sst s10  }
0x35: {  	s10 =	sld [smem:$0x3FB3];
	_ =	sdelay $0x3  }
0x36: {  	p1 =	seq.s32 s10, $0x1;
	s10 =	sld [smem:$0x3FB4];
	_ =	sdelay $0x3  }
0x37: {  	[smem:$0x3FB4] =	sst s10  }
0x38: {  	s10 =	sld [smem:$0x3FB5]  }
0x39: {  	_ = 	snop;
	(pc) =	sbr.ind lr, $3  }
0x3a: {  	_ = 	snop  }
0x3b: {  	_ = 	snop  }
0x3c: {  	p2 =	seq.s32 s10, $0x1;
	s10 =	sld [smem:$0x3FB4]  }
0x3d: {  	_ =	shalt  }
0x3e: {  	_ =	shalt  }
0x3f: {  	_ =	shalt  }
0x40: {  	_ =	shalt  }
0x41: {  	_ =	shalt  }
0x42: {  	_ =	shalt  }
0x43: {  	_ =	shalt  }
0x44: {  	_ =	shalt  }
0x45: {  	_ =	shalt  }
0x46: {  	_ =	shalt  }
0x47: {  	_ =	shalt  }
0x48: {  	_ =	shalt  }
0x49: {  	_ =	shalt  }
0x4a: {  	_ =	shalt  }
0x4b: {  	_ =	shalt  }
0x4c: {  	_ =	shalt  }
0x4d: {  	_ =	shalt  }
0x4e: {  	_ =	shalt  }
0x4f: {  	_ =	shalt  }
0x50: {  	_ =	shalt  }
0x51: {  	_ =	shalt  }
0x52: {  	_ =	shalt  }
0x53: {  	_ =	shalt  }
0x54: {  	_ =	shalt  }
0x55: {  	_ =	shalt  }
0x56: {  	_ =	shalt  }
0x57: {  	_ =	shalt  }
0x58: {  	_ =	shalt  }
0x59: {  	_ =	shalt  }
0x5a: {  	_ =	shalt  }
0x5b: {  	_ =	shalt  }
0x5c: {  	_ =	shalt  }
0x5d: {  	_ =	shalt  }
0x5e: {  	_ =	shalt  }
0x5f: {  	_ =	shalt  }
0x60: {  	_ =	shalt  }
0x61: {  	_ =	shalt  }
0x62: {  	_ =	shalt  }
0x63: {  	_ =	shalt  }
0x64: {  	_ =	shalt  }
0x65: {  	_ =	shalt  }
0x66: {  	_ =	shalt  }
0x67: {  	_ =	shalt  }
0x68: {  	_ =	shalt  }
0x69: {  	_ =	shalt  }
0x6a: {  	_ =	shalt  }
0x6b: {  	_ =	shalt  }
0x6c: {  	_ =	shalt  }
0x6d: {  	_ =	shalt  }
0x6e: {  	_ =	shalt  }
0x6f: {  	_ =	shalt  }
0x70: {  	_ =	shalt  }
0x71: {  	_ =	shalt  }
0x72: {  	_ =	shalt  }
0x73: {  	_ =	shalt  }
0x74: {  	_ =	shalt  }
0x75: {  	_ =	shalt  }
0x76: {  	_ =	shalt  }
0x77: {  	_ =	shalt  }
0x78: {  	_ =	shalt  }
0x79: {  	_ =	shalt  }
0x7a: {  	_ =	shalt  }
0x7b: {  	_ =	shalt  }
0x7c: {  	_ =	shalt  }
0x7d: {  	_ =	shalt  }
0x7e: {  	_ =	shalt  }
0x7f: {  	_ =	shalt  }
0x80: {  	_ =	shalt  }
0x81: {  	_ =	shalt  }
0x82: {  	_ =	shalt  }
0x83: {  	_ =	shalt  }
0x84: {  	_ =	shalt  }
0x85: {  	_ =	shalt  }
0x86: {  	_ =	shalt  }
0x87: {  	_ =	shalt  }
.Lfunc_end0:
.L_simem_size_0:
called_computation.1_lowered:
.L_overlay_start_0:
0x88: {  	s2 =	sld [smem:$0x3FD9]  }
0x89: {  	s3 =	sld [smem:$0x3FFE];
	_ =	sdelay $0x1  }
0x8a: {  	s1 =	srdreg.scid  }
0x8b: {  	s0 =	sand.u32 $0x1, s1  }
0x8c: {  	s17 =	sshll.u32 s0, $0xA;
	s2 =	sadd.s32 s3, s2  }
0x8d: {  	s2 =	sadd.s32 s2, s17  }
0x8e: {  	[smem:$0x3FC0] =	sst s2  }
0x8f: {  	_ = 	snop  }
0x90: {  	s2 =	sld [smem:$0x3FD0];
	(tm) =	ssettm $0x1  }
0x91: {  	s18 =	sld [smem:$0x3FFB];
	_ =	sdelay $0x3  }
0x92: {  	_ =	strace s18  }
0x93: {  	s3 =	sld [smem:$0x3FFC];
	_ =	sdelay $0x3  }
0x94: {  	_ =	strace s3  }
0x95: {  	s3 =	sld [smem:$0x3FFD];
	_ =	sdelay $0x3  }
0x96: {  	_ =	strace s3  }
0x97: {  	_ =	strace $0x8FFFFFFF  }
0x98: {  	s19 =	sld [smem:$0x3FDB];
	_ =	sdelay $0x1  }
0x99: {  	s4 =	simm.s32 $_scs_section_size  }
0x9a: {  	s5 =	simm.s32 $_size__tile_overlayer_lowered;
	s6 =	simm.s32 $_tile_overlayer_lowered  }
0x9b: {  	s22 =	simm.s32 $0x1BFF;
	s21 =	sshll.u32 s6, $0x1;
	s3 =	sadd.s32 s4, s19  }
0x9c: {  	s7 =	simm.s32 $0x0;
	s20 =	sshll.u32 s5, $0x1;
	s5 =	sadd.s32 s21, s3  }
0x9d: {  	[timem:s7], [sflag:s22] =	dma.local [hbm:s5], s20  }
0x9e: {  	_ =	swait.ge [sflag:s22], s20  }
0x9f: {  	s4 =	ssub.s32 $0x0, s20;
	[sflag:s22] =	ssyncset.done $0x0  }
0xa0: {  	[sflag:s22] =	ssyncadd.s32 s4;
	_ =	sdelay $0x1  }
0xa1: {  	s23 =	simm.s32 $0x1B8B  }
0xa2: {  	_ =	swait.ge [sflag:s23], $0x1  }
0xa3: {  	[sflag:s23] =	ssyncset.done $0x0  }
0xa4: {  	s25 =	simm.s32 $0x1B8E;
	s24 =	sld [smem:$0x3FFE];
	[sflag:s23] =	ssyncadd.s32 $0xFFFFFFFF  }
0xa5: {  	s26 =	simm.s32 $execute0_lowered;
	[smem:$0x3FD2] =	sst s25  }
0xa6: {  	s5 =	sshll.u32 s26, $0x1;
	_ =	strace $0x80000049;
	[dreg:$0x1] =	wrdreg $0xFFFFFFFF  }
0xa7: {  	s28 =	simm.s32 $_size_execute0_lowered;
	s3 =	sadd.s32 s3, s5;
	[dreg:$0x0] =	wrdreg $0x0  }
0xa8: {  	s5 =	sshll.u32 s28, $0x1;
	[dreg:$0x2] =	wrdreg s3  }
0xa9: {  	[dreg:$0x3] =	wrdreg s5  }
0xaa: {  	[dreg:$0x4] =	wrdreg $0xC0  }
0xab: {  	_ =	task [dreg:s7], $0x5FFFF  }
0xac: {  	[dreg:$0x1] =	wrdreg $0xFFFFFFFF  }
0xad: {  	[dreg:$0x0] =	wrdreg $0x60  }
0xae: {  	[dreg:$0x2] =	wrdreg s24  }
0xaf: {  	[dreg:$0x3] =	wrdreg s2  }
0xb0: {  	[dreg:$0x4] =	wrdreg $0x9  }
0xb1: {  	_ =	task.clear_ibuf [dreg:s7], $0x5FFFF;
	_ =	strace $0x90000049  }
0xb2: {  	s29 =	simm.s32 $0x9;
	_ =	strace $0x8000004B  }
0xb3: {  	_ =	swait.ge [sflag:s29], $0x1  }
0xb4: {  	[sflag:s29] =	ssyncadd.s32 $0xFFFFFFFF  }
0xb5: {  	_ =	strace $0x9000004B  }
0xb6: {  	_ =	sfence  }
0xb7: {  	s30 =	sld [smem:$0x0];
	_ =	sdelay $0x2  }
0xb8: {  	s31 =	sshll.u32 s1, $0xD;
	s1 =	sshrl.u32 s1, $0x2  }
0xb9: {  	s3 =	sand.u32 $0x4000, s31;
	s1 =	sadd.s32 s1, s30  }
0xba: {  	s0 =	sor.u32 s3, s0;
	s1 =	sshll.u32 s1, $0x11  }
0xbb: {  	s0 =	sor.u32 s1, s0  }
0xbc: {  	s0 =	sadd.s32 $0x8F2B, s0  }
0xbd: {  	[sflag:s0] =	ssyncadd.remote.s32 $0x1  }
0xbe: {  	_ =	sfence.sel $0xFFFF  }
0xbf: {  	[dreg:$0x0] =	wrdreg $0xFFFFFFFF;
	(pc) =	sbr.abs _section_cstart, $3  }
0xc0: {  	[dreg:$0x1] =	wrdreg $0xFFFFFFFF  }
0xc1: {  	_ =	task.clear_ibuf [dreg:s7], $0x2FFFF;
	_ =	strace $0x9FFFFFFF  }
0xc2: {  	(tm) =	ssettm $0x7FFFFFFF  }
0xc3: {  	_ =	shalt  }
tec
execute0_lowered:
.L_overlay_start_1:
0x0: {  	(tag) =	ssettag $0x1  }
0x1: {  	s0 =	rddreg [dreg:$0x0]  }
0x2: {  	s1 =	rddreg [dreg:$0x1];
	s2 =	simm.s32 $0x0  }
0x3: {  	s3 =	srdreg.scid;
	s14 =	stileid.u32;
	s28 =	simm.s32 $0x1  }
0x4: {  	s29 =	simm.s32 $0x4;
	s30 =	simm.s32 $0x2;
	s31 =	simm.s32 $0x5  }
0x5: {  	[smem:$0x7FF] =	sst s2;
	s6 =	sand.u32 $0x1, s3;
	s4 =	sadd.s32 $0x15400, s0  }
0x6: {  	s5 =	sadd.s32 $0xB600, s0;
	s8 =	sand.u32 $0x3, s14;
	s0 =	sadd.s32 $0x286400, s0  }
0x7: {  	s10 =	sshll.u32 s14, $0x1;
	s20 =	sadd.s32 $0x1, s14;
	_ =	strace $0x8000004A  }
0x8: {  	s3 =	ssub.s32 $0x2, s6;
	s25 =	smul.u32 $0x13880, s8;
	s9 =	sshll.u32 s6, $0x5  }
0x9: {  	s11 =	smul.u32 $0x2710, s8;
	s10 =	sand.u32 $0x18, s10;
	s12 =	sshll.u32 s6, $0x4  }
0xa: {  	s13 =	smul.u32 $0x4E2000, s8;
	s21 =	sxor.u32 $0x2, s8;
	s7 =	sshrl.u32 s3, $0x1  }
0xb: {  	s6 =	sor.u32 s9, s10;
	s26 =	sor.u32 s14, s12;
	s14 =	sadd.s32 $0xFFFFFFFF, s14  }
0xc: {  	s3 =	ssub.s32 s3, s7;
	s15 =	sadd.s32 $0x320, s25;
	s11 =	sadd.s32 s5, s11  }
0xd: {  	s16 =	sor.u32 s13, s6;
	s19 =	smul.u32 $0x2710, s26;
	s9 =	ssub.s32 s26, s8  }
0xe: {  	s14 =	sand.u32 $0x3, s14;
	[dreg:$0x3] =	wrdreg s11;
	s17 =	sshll.u32 s15, $0x6  }
0xf: {  	s11 =	sshrl.u32 s16, $0x3;
	s10 =	sshrl.u32 s15, $0x3;
	s13 =	sadd.s32 s21, s9  }
0x10: {  	s15 =	smul.u32 $0x9C4, s8;
	s21 =	simm.s32 $0x8;
	s12 =	sor.u32 s6, s17  }
0x11: {  	v0 =	vimm.s32 $0xFEDCBA98;
	s11 =	sadd.s32 s4, s11;
	s10 =	sadd.s32 s5, s10;
	s17 =	smul.u32 $0x13880, s13  }
0x12: {  	v1 =	vimm.s32 $0x76543210;
	v4 =	vimm.s32 $0x7654321;
	s13 =	sadd.s32 $0x960, s25;
	s22 =	sadd.s32 s0, s19;
	[dreg:$0x4] =	wrdreg s11  }
0x13: {  	v7 =	vimm.s32 $0x10765432;
	v8 =	vimm.s32 $0x21076543;
	s19 =	smax.u32 s3, $0x1;
	s3 =	simm.s32 $0x1BEE0;
	[dreg:$0x5] =	wrdreg s10  }
0x14: {  	v9 =	vimm.s32 $0x32107654;
	v10 =	vimm.s32 $0x43210765;
	s18 =	sshrl.u32 s12, $0x3;
	s11 =	smul.u32 $0x4E20, s8;
	s12 =	sand.u32 $0x3, s20  }
0x15: {  	vm0 =	vcmask $0x3F20;
	v11 =	vimm.s32 $0x54321076;
	v12 =	vimm.s32 $0x65432107;
	[dreg:$0x7] =	wrdreg s22;
	s20 =	simm.s32 $0x16A80;
	s12 =	sadd.s32 s12, s9  }
0x16: {  	v0 =	vunpack.c.l.s4.s8 v0;
	v1 =	vunpack.c.l.s4.s8 v1;
	v6 =	vunpack.c.l.s4.s8 v4;
	s10 =	sadd.s32 s4, s18;
	s9 =	sadd.s32 s14, s9;
	s16 =	smul.u32 $0x13880, s12  }
0x17: {  	v7 =	vunpack.c.l.s4.s8 v7;
	v8 =	vunpack.c.l.s4.s8 v8;
	v9 =	vunpack.c.l.s4.s8 v9;
	s12 =	sadd.s32 $0x640, s25;
	s23 =	smul.u32 $0x13880, s9;
	s25 =	sadd.s32 s11, s17  }
0x18: {  	v10 =	vunpack.c.l.s4.s8 v10;
	v11 =	vunpack.c.l.s4.s8 v11;
	v12 =	vunpack.c.l.s4.s8 v12;
	s22 =	simm.s32 $0x40;
	[dreg:$0x6] =	wrdreg s10;
	s9 =	sshrl.u32 s25, $0x3  }
0x19: {  	v2 =	vunpack.c.0.s8.s32 v0;
	v0 =	vimm.s32 $0xFF80FF80;
	v3 =	vunpack.c.0.s8.s32 v1;
	s25 =	simm.s32 $0x15180;
	s24 =	sadd.s32 s11, s16;
	s7 =	sadd.s32 s11, s23  }
0x1a: {  	v1 =	vlaneseq.u32;
	v6 =	vunpack.c.0.s8.s32 v6;
	v14 =	vmov s11;
	s26 =	sadd.s32 s0, s9;
	s23 =	simm.s32 $0x13880;
	s9 =	simm.s32 $0x0  }
0x1b: {  	v7 =	vunpack.c.0.s8.s32 v7;
	v8 =	vunpack.c.0.s8.s32 v8;
	v9 =	vunpack.c.0.s8.s32 v9;
	s8 =	sshrl.u32 s24, $0x3;
	[dreg:$0x9] =	wrdreg s26;
	s7 =	sshrl.u32 s7, $0x3  }
0x1c: {  	v10 =	vunpack.c.0.s8.s32 v10;
	v11 =	vunpack.c.0.s8.s32 v11;
	v2 =	vand.u32 $0xF, v2;
	s24 =	simm.s32 $0x16DA0;
	s26 =	simm.s32 $0x3;
	s8 =	sadd.s32 s0, s8  }
0x1d: {  	v12 =	vunpack.c.0.s8.s32 v12;
	v2 =	vcombine.low v2, v3;
	v3 =	vand.u32 $0x7, v1;
	s0 =	sadd.s32 s0, s7;
	s7 =	simm.s32 $0x1CE80;
	[dreg:$0x8] =	wrdreg s8  }
0x1e: {  	v5 =	vmul.u32 $0x8, v1;
	v13 =	vor.u32 $0xFFFFFFF8, v1;
	v4 =	vor.u32 $0xFFFFFFE8, v3;
	[dreg:$0xa] =	wrdreg s0;
	s0 =	simm.s32 $0x170C0;
	s8 =	simm.s32 $0x80  }
.LBB2_1:
0x1f: {  	s10 =	simm.s32 $0x40;
	s14 =	simm.s32 $0x0  }
.LBB2_2:
0x20: {  	p0 =	sne.s32 s10, $0x4E1C0;
	[tilespmem:s14+$0x0] =	vst v0;
	s14 =	smov.u32 s10;
	s10 =	sadd.s32 $0x40, s10  }
.Ltmp0:
0x21: {  	(pc) =	sbr.rel @p0 .LBB2_2-.Ltmp0, $2  }
0x22: {  	_ =	sdelay $0x2  }
0x23: {  	s14 =	sshra.s32 s14, $0x2  }
0x24: {  	[tilespmem:s14+$0x0] =	vst v0;
	s10 =	simm.s32 $0x0;
	s18 =	rddreg [dreg:$0x3]  }
0x25: {  	[tilespmem:s20], [sflag:$0x3] =	stream.linear.gather [hbm4b:s18+s10], $0x320, $0x38;
	[tilespmem:$0x1DE20] =	vst v63  }
0x26: {  	s16 =	rddreg [dreg:$0x4]  }
0x27: {  	[tilespmem:s23], [sflag:$0x1] =	stream.strided.gather [hbm4b:s16+s21], $0x1900, s22, s21, $0x38;
	[tilespmem:$0x1DE20] =	vst v63  }
0x28: {  	s17 =	rddreg [dreg:$0x5]  }
0x29: {  	[tilespmem:s24], [sflag:$0x4] =	stream.linear.gather [hbm4b:s17+s10], $0x320, $0x38;
	[tilespmem:$0x1DE20] =	vst v63  }
0x2a: {  	s18 =	rddreg [dreg:$0x6]  }
0x2b: {  	[tilespmem:s25], [sflag:$0x2] =	stream.strided.gather [hbm4b:s18+s21], $0x1900, s22, s21, $0x38;
	[tilespmem:$0x1DE20] =	vst v63  }
.LBB2_4:
0x2c: {  	s14 =	simm.s32 $0x0;
	_ =	swait.ge [sflag:s26], $0x320  }
0x2d: {  	v15 =	vor.u32 s14, v2;
	[sflag:s26] =	ssyncset.done $0x0  }
0x2e: {  	v16 =	vand.u32 v4, v15;
	[sflag:s26] =	ssyncadd.s32 $0xFFFFFCE0;
	v15 =	vshll.u32 v15, $0x3  }
0x2f: {  	_ =	swait.ge [sflag:s28], $0x1900;
	v18 =	vor.u32 v3, v15  }
0x30: {  	v19 =	vor.u32 v6, v15;
	[sflag:s28] =	ssyncset.done $0x0  }
0x31: {  	v17 =	vmov s14;
	s14 =	simm.s32 $0x16A90;
	v24 =	vor.u32 v10, v15;
	[sflag:s28] =	ssyncadd.s32 $0xFFFFE700  }
0x32: {  	v25 =	vor.u32 v9, v15;
	v23 =	vld [tilespmem:s14+$0xFFFFFFF0]  }
0x33: {  	v26 =	vor.u32 v8, v15;
	v16 =	vld.idx.msk [tilespmem:v16+s20+$0x0], $0xffff  }
0x34: {  	v32 =	vor.u32 v7, v15;
	v18 =	vld.idx.msk [tilespmem:v18+s23+$0x0], $0xffff  }
0x35: {  	v17 =	vshll.u32 v17, $0x3;
	v34 =	vor.u32 v12, v15;
	v19 =	vld.idx.msk [tilespmem:v19+s23+$0x0], $0xffff  }
0x36: {  	v17 =	vor.u32 v5, v17;
	v15 =	vor.u32 v11, v15;
	v24 =	vld.idx.msk [tilespmem:v24+s23+$0x0], $0xffff  }
0x37: {  	v22 =	vor.u32 v3, v17;
	v25 =	vld.idx.msk [tilespmem:v25+s23+$0x0], $0xffff  }
0x38: {  	v20 =	vor.u32 v10, v17;
	v26 =	vld.idx.msk [tilespmem:v26+s23+$0x0], $0xffff;
	v29 =	vshll.u32 v23, $0x3  }
0x39: {  	v36 =	vld.idx.msk [tilespmem:v32+s23+$0x0], $0xffff;
	v30 =	vor.u32 v3, v29  }
0x3a: {  	v21 =	vor.u32 v9, v17;
	v34 =	vld.idx.msk [tilespmem:v34+s23+$0x0], $0xffff  }
0x3b: {  	v27 =	vor.u32 v7, v17;
	v15 =	vld.idx.msk [tilespmem:v15+s23+$0x0], $0xffff  }
0x3c: {  	v31 =	vor.u32 v11, v17;
	v22 =	vld.idx.msk [tilespmem:v22+s23+$0x0], $0xffff;
	vm1 =	veq.s32 v23, v16  }
0x3d: {  	v33 =	vor.u32 v8, v17;
	v20 =	vld.idx.msk [tilespmem:v20+s23+$0x0], $0xffff;
	vm2 =	vmand vm1, vm0  }
0x3e: {  	v28 =	vor.u32 v6, v17;
	vm2 =	vmneg vm2;
	v62 =	vld.idx.msk [tilespmem:v30+s2+$0x0], $0xffff  }
0x3f: {  	v17 =	vor.u32 v12, v17;
	v21 =	vld.idx.msk [tilespmem:v21+s23+$0x0], $0xffff  }
0x40: {  	v27 =	vld.idx.msk [tilespmem:v27+s23+$0x0], $0xffff;
	v37 =	vor.u32 v6, v29  }
0x41: {  	v63 =	vld.idx.msk [tilespmem:v31+s23+$0x0], $0xffff;
	v18 =	vmax.bf16 v22, v18  }
0x42: {  	v33 =	vld.idx.msk [tilespmem:v33+s23+$0x0], $0xffff;
	v18 =	vsel vm1, v18, v22  }
0x43: {  	v16 =	vld.idx.msk [tilespmem:v28+s23+$0x0], $0xffff;
	v18 =	vmax.bf16 v62, v18  }
0x44: {  	v17 =	vld.idx.msk [tilespmem:v17+s23+$0x0], $0xffff;
	[tilespmem:v30+s2+$0x0] =	vst.idx.msk vm2, v18  }
0x45: {  	v18 =	vld.idx.msk [tilespmem:v37+s2+$0x0], $0xffff;
	_ =	sdelay $0x1  }
0x46: {  	v38 =	vor.u32 v7, v29  }
0x47: {  	v19 =	vmax.bf16 v16, v19  }
0x48: {  	v16 =	vsel vm1, v19, v16  }
0x49: {  	v16 =	vmax.bf16 v18, v16  }
0x4a: {  	[tilespmem:v37+s2+$0x0] =	vst.idx.msk vm2, v16  }
0x4b: {  	v16 =	vld.idx.msk [tilespmem:v38+s2+$0x0], $0xffff;
	_ =	sdelay $0x1  }
0x4c: {  	v18 =	vor.u32 v8, v29  }
0x4d: {  	v19 =	vmax.bf16 v27, v36  }
0x4e: {  	v19 =	vsel vm1, v19, v27  }
0x4f: {  	v16 =	vmax.bf16 v16, v19  }
0x50: {  	[tilespmem:v38+s2+$0x0] =	vst.idx.msk vm2, v16  }
0x51: {  	v16 =	vld.idx.msk [tilespmem:v18+s2+$0x0], $0xffff;
	_ =	sdelay $0x1  }
0x52: {  	v19 =	vor.u32 v9, v29  }
0x53: {  	v39 =	vmax.bf16 v33, v26  }
0x54: {  	v22 =	vsel vm1, v39, v33  }
0x55: {  	v16 =	vmax.bf16 v16, v22  }
0x56: {  	[tilespmem:v18+s2+$0x0] =	vst.idx.msk vm2, v16  }
0x57: {  	v16 =	vld.idx.msk [tilespmem:v19+s2+$0x0], $0xffff;
	_ =	sdelay $0x1  }
0x58: {  	v18 =	vor.u32 v10, v29  }
0x59: {  	v40 =	vmax.bf16 v21, v25  }
0x5a: {  	v21 =	vsel vm1, v40, v21  }
0x5b: {  	v16 =	vmax.bf16 v16, v21  }
0x5c: {  	[tilespmem:v19+s2+$0x0] =	vst.idx.msk vm2, v16  }
0x5d: {  	v16 =	vld.idx.msk [tilespmem:v18+s2+$0x0], $0xffff;
	_ =	sdelay $0x1  }
0x5e: {  	v19 =	vor.u32 v11, v29  }
0x5f: {  	v41 =	vmax.bf16 v20, v24  }
0x60: {  	v20 =	vsel vm1, v41, v20  }
0x61: {  	v16 =	vmax.bf16 v16, v20  }
0x62: {  	[tilespmem:v18+s2+$0x0] =	vst.idx.msk vm2, v16  }
0x63: {  	v16 =	vld.idx.msk [tilespmem:v19+s2+$0x0], $0xffff;
	_ =	sdelay $0x1  }
0x64: {  	v18 =	vor.u32 v12, v29  }
0x65: {  	v15 =	vmax.bf16 v63, v15  }
0x66: {  	v15 =	vsel vm1, v15, v63  }
0x67: {  	v15 =	vmax.bf16 v16, v15  }
0x68: {  	s16 =	simm.s32 $0x10;
	[tilespmem:v19+s2+$0x0] =	vst.idx.msk vm2, v15  }
0x69: {  	v16 =	vor.u32 s16, v2;
	v15 =	vld.idx.msk [tilespmem:v18+s2+$0x0], $0xffff  }
0x6a: {  	v19 =	vshll.u32 v16, $0x3  }
0x6b: {  	v42 =	vor.u32 v11, v19  }
0x6c: {  	v43 =	vmax.bf16 v17, v34  }
0x6d: {  	v17 =	vsel vm1, v43, v17;
	v44 =	vor.u32 v10, v19  }
0x6e: {  	v47 =	vor.u32 v7, v19;
	v15 =	vmax.bf16 v15, v17  }
0x6f: {  	v46 =	vmov s16;
	v48 =	vor.u32 v6, v19;
	[tilespmem:v18+s2+$0x0] =	vst.idx.msk vm2, v15  }
0x70: {  	v22 =	vshll.u32 v46, $0x3;
	v15 =	vand.u32 v13, v16;
	v18 =	vld.idx.msk [tilespmem:v42+s23+$0x0], $0xffff  }
0x71: {  	v22 =	vor.u32 v5, v22;
	v49 =	vor.u32 v3, v19;
	v45 =	vld [tilespmem:s14+$0x0]  }
0x72: {  	v50 =	vor.u32 v3, v22;
	v21 =	vld.idx.msk [tilespmem:v44+s23+$0x0], $0xffff  }
0x73: {  	v51 =	vor.u32 v12, v22;
	v23 =	vld.idx.msk [tilespmem:v47+s23+$0x0], $0xffff  }
0x74: {  	v54 =	vor.u32 v10, v22;
	v24 =	vld.idx.msk [tilespmem:v48+s23+$0x0], $0xffff  }
0x75: {  	v55 =	vor.u32 v9, v22;
	v15 =	vld.idx.msk [tilespmem:v15+s20+$0x0], $0xffff  }
0x76: {  	v56 =	vor.u32 v8, v22;
	v25 =	vld.idx.msk [tilespmem:v49+s23+$0x0], $0xffff;
	v52 =	vshll.u32 v45, $0x3  }
0x77: {  	v26 =	vld.idx.msk [tilespmem:v50+s23+$0x0], $0xffff;
	v53 =	vor.u32 v3, v52  }
0x78: {  	v57 =	vor.u32 v6, v22;
	v27 =	vld.idx.msk [tilespmem:v51+s23+$0x0], $0xffff  }
0x79: {  	v17 =	vor.u32 v9, v19;
	v30 =	vld.idx.msk [tilespmem:v54+s23+$0x0], $0xffff  }
0x7a: {  	v16 =	vor.u32 v8, v19;
	v31 =	vld.idx.msk [tilespmem:v55+s23+$0x0], $0xffff;
	vm2 =	veq.s32 v45, v15  }
0x7b: {  	v19 =	vor.u32 v12, v19;
	v32 =	vld.idx.msk [tilespmem:v56+s23+$0x0], $0xffff;
	vm1 =	vmand vm2, vm0  }
0x7c: {  	v15 =	vor.u32 v7, v22;
	v58 =	vld.idx.msk [tilespmem:v53+s2+$0x0], $0xffff;
	vm1 =	vmneg vm1  }
0x7d: {  	v20 =	vld.idx.msk [tilespmem:v57+s23+$0x0], $0xffff;
	v22 =	vor.u32 v11, v22  }
0x7e: {  	v17 =	vld.idx.msk [tilespmem:v17+s23+$0x0], $0xffff;
	v59 =	vor.u32 v6, v52  }
0x7f: {  	v16 =	vld.idx.msk [tilespmem:v16+s23+$0x0], $0xffff;
	v25 =	vmax.bf16 v26, v25  }
0x80: {  	v19 =	vld.idx.msk [tilespmem:v19+s23+$0x0], $0xffff;
	v25 =	vsel vm2, v25, v26  }
0x81: {  	v15 =	vld.idx.msk [tilespmem:v15+s23+$0x0], $0xffff;
	v25 =	vmax.bf16 v58, v25  }
0x82: {  	v22 =	vld.idx.msk [tilespmem:v22+s23+$0x0], $0xffff;
	[tilespmem:v53+s2+$0x0] =	vst.idx.msk vm1, v25  }
0x83: {  	v25 =	vld.idx.msk [tilespmem:v59+s2+$0x0], $0xffff;
	_ =	sdelay $0x1  }
0x84: {  	v60 =	vor.u32 v7, v52  }
0x85: {  	v24 =	vmax.bf16 v20, v24  }
0x86: {  	v20 =	vsel vm2, v24, v20  }
0x87: {  	v20 =	vmax.bf16 v25, v20  }
0x88: {  	[tilespmem:v59+s2+$0x0] =	vst.idx.msk vm1, v20  }
0x89: {  	v20 =	vld.idx.msk [tilespmem:v60+s2+$0x0], $0xffff;
	_ =	sdelay $0x1  }
0x8a: {  	v61 =	vor.u32 v8, v52  }
0x8b: {  	v23 =	vmax.bf16 v15, v23  }
0x8c: {  	v15 =	vsel vm2, v23, v15  }
0x8d: {  	v15 =	vmax.bf16 v20, v15  }
0x8e: {  	[tilespmem:v60+s2+$0x0] =	vst.idx.msk vm1, v15  }
0x8f: {  	v15 =	vld.idx.msk [tilespmem:v61+s2+$0x0], $0xffff;
	_ =	sdelay $0x1  }
0x90: {  	v62 =	vor.u32 v9, v52  }
0x91: {  	v16 =	vmax.bf16 v32, v16  }
0x92: {  	v16 =	vsel vm2, v16, v32  }
0x93: {  	v15 =	vmax.bf16 v15, v16  }
0x94: {  	[tilespmem:v61+s2+$0x0] =	vst.idx.msk vm1, v15  }
0x95: {  	v15 =	vld.idx.msk [tilespmem:v62+s2+$0x0], $0xffff;
	_ =	sdelay $0x1  }
0x96: {  	v16 =	vor.u32 v10, v52  }
0x97: {  	v17 =	vmax.bf16 v31, v17  }
0x98: {  	v17 =	vsel vm2, v17, v31  }
0x99: {  	v15 =	vmax.bf16 v15, v17  }
0x9a: {  	[tilespmem:v62+s2+$0x0] =	vst.idx.msk vm1, v15  }
0x9b: {  	v15 =	vld.idx.msk [tilespmem:v16+s2+$0x0], $0xffff;
	_ =	sdelay $0x1  }
0x9c: {  	v17 =	vor.u32 v11, v52  }
0x9d: {  	v63 =	vmax.bf16 v30, v21  }
0x9e: {  	v20 =	vsel vm2, v63, v30  }
0x9f: {  	v15 =	vmax.bf16 v15, v20  }
0xa0: {  	[tilespmem:v16+s2+$0x0] =	vst.idx.msk vm1, v15  }
0xa1: {  	v15 =	vld.idx.msk [tilespmem:v17+s2+$0x0], $0xffff;
	_ =	sdelay $0x1  }
0xa2: {  	v16 =	vor.u32 v12, v52  }
0xa3: {  	v18 =	vmax.bf16 v22, v18  }
0xa4: {  	v18 =	vsel vm2, v18, v22  }
0xa5: {  	v15 =	vmax.bf16 v15, v18  }
0xa6: {  	v18 =	vmax.bf16 v27, v19;
	[tilespmem:v17+s2+$0x0] =	vst.idx.msk vm1, v15  }
0xa7: {  	s17 =	simm.s32 $0x2;
	s16 =	simm.s32 $0x30;
	v15 =	vsel vm2, v18, v27;
	v17 =	vld.idx.msk [tilespmem:v16+s2+$0x0], $0xffff  }
.LBB2_5:
0xa8: {  	s17 =	sadd.s32 $0x2, s17;
	s18 =	sadd.s32 $0xFFFFFFF0, s16;
	s14 =	sadd.s32 $0x20, s14  }
0xa9: {  	p0 =	slt.u32 s17, $0x30;
	v18 =	vmov s18;
	v19 =	vor.u32 s18, v2  }
0xaa: {  	v18 =	vshll.u32 v18, $0x3;
	v20 =	vand.u32 v4, v19;
	v19 =	vshll.u32 v19, $0x3  }
0xab: {  	v18 =	vor.u32 v5, v18;
	v21 =	vor.u32 v3, v19;
	v22 =	vor.u32 v6, v19  }
0xac: {  	v23 =	vor.u32 v3, v18;
	v24 =	vor.u32 v6, v18;
	v25 =	vor.u32 v10, v18  }
0xad: {  	v26 =	vor.u32 v8, v18;
	v27 =	vor.u32 v9, v18;
	v15 =	vmax.bf16 v17, v15  }
0xae: {  	v17 =	vor.u32 v11, v18;
	v28 =	vor.u32 v12, v18;
	[tilespmem:v16+s2+$0x0] =	vst.idx.msk vm1, v15  }
0xaf: {  	v29 =	vor.u32 v10, v19;
	v16 =	vor.u32 v8, v19;
	v15 =	vld.idx.msk [tilespmem:v20+s20+$0x0], $0xffff;
	v20 =	vor.u32 v9, v19  }
0xb0: {  	v31 =	vor.u32 v11, v19;
	v32 =	vor.u32 v12, v19;
	v18 =	vor.u32 v7, v18;
	v30 =	vld [tilespmem:s14+$0xFFFFFFF0]  }
0xb1: {  	v21 =	vld.idx.msk [tilespmem:v21+s23+$0x0], $0xffff  }
0xb2: {  	v22 =	vld.idx.msk [tilespmem:v22+s23+$0x0], $0xffff  }
0xb3: {  	v25 =	vld.idx.msk [tilespmem:v25+s23+$0x0], $0xffff  }
0xb4: {  	v27 =	vld.idx.msk [tilespmem:v27+s23+$0x0], $0xffff  }
0xb5: {  	vm2 =	veq.s32 v30, v15;
	v15 =	vld.idx.msk [tilespmem:v23+s23+$0x0], $0xffff;
	v23 =	vshll.u32 v30, $0x3  }
0xb6: {  	vm1 =	vmand vm2, vm0;
	v29 =	vld.idx.msk [tilespmem:v29+s23+$0x0], $0xffff;
	v30 =	vor.u32 v3, v23  }
0xb7: {  	vm1 =	vmneg vm1;
	v20 =	vld.idx.msk [tilespmem:v20+s23+$0x0], $0xffff  }
0xb8: {  	v19 =	vor.u32 v7, v19;
	v16 =	vld.idx.msk [tilespmem:v16+s23+$0x0], $0xffff  }
0xb9: {  	v33 =	vor.u32 v6, v23;
	v18 =	vld.idx.msk [tilespmem:v18+s23+$0x0], $0xffff  }
0xba: {  	v24 =	vld.idx.msk [tilespmem:v24+s23+$0x0], $0xffff  }
0xbb: {  	v21 =	vmax.bf16 v15, v21;
	v34 =	vld.idx.msk [tilespmem:v30+s2+$0x0], $0xffff  }
0xbc: {  	v15 =	vsel vm2, v21, v15;
	v21 =	vmax.bf16 v25, v29;
	v17 =	vld.idx.msk [tilespmem:v17+s23+$0x0], $0xffff  }
0xbd: {  	v20 =	vmax.bf16 v27, v20;
	v21 =	vsel vm2, v21, v25;
	v19 =	vld.idx.msk [tilespmem:v19+s23+$0x0], $0xffff  }
0xbe: {  	v20 =	vsel vm2, v20, v27;
	v25 =	vld.idx.msk [tilespmem:v26+s23+$0x0], $0xffff  }
0xbf: {  	v26 =	vld.idx.msk [tilespmem:v32+s23+$0x0], $0xffff  }
0xc0: {  	v22 =	vmax.bf16 v24, v22;
	v27 =	vld.idx.msk [tilespmem:v28+s23+$0x0], $0xffff  }
0xc1: {  	v15 =	vmax.bf16 v34, v15;
	v22 =	vsel vm2, v22, v24;
	v28 =	vld.idx.msk [tilespmem:v31+s23+$0x0], $0xffff  }
0xc2: {  	[tilespmem:v30+s2+$0x0] =	vst.idx.msk vm1, v15  }
0xc3: {  	v19 =	vmax.bf16 v18, v19;
	v15 =	vld.idx.msk [tilespmem:v33+s2+$0x0], $0xffff  }
0xc4: {  	v18 =	vsel vm2, v19, v18;
	v16 =	vmax.bf16 v25, v16  }
0xc5: {  	v16 =	vsel vm2, v16, v25  }
0xc6: {  	v19 =	vor.u32 v7, v23;
	v24 =	vmax.bf16 v27, v26  }
0xc7: {  	v25 =	vmax.bf16 v17, v28;
	v24 =	vsel vm2, v24, v27  }
0xc8: {  	v17 =	vsel vm2, v25, v17  }
0xc9: {  	v15 =	vmax.bf16 v15, v22  }
0xca: {  	[tilespmem:v33+s2+$0x0] =	vst.idx.msk vm1, v15  }
0xcb: {  	v15 =	vld.idx.msk [tilespmem:v19+s2+$0x0], $0xffff;
	_ =	sdelay $0x2  }
0xcc: {  	v22 =	vor.u32 v8, v23;
	_ =	sdelay $0x2  }
0xcd: {  	v15 =	vmax.bf16 v15, v18  }
0xce: {  	[tilespmem:v19+s2+$0x0] =	vst.idx.msk vm1, v15  }
0xcf: {  	v15 =	vld.idx.msk [tilespmem:v22+s2+$0x0], $0xffff;
	_ =	sdelay $0x2  }
0xd0: {  	v18 =	vor.u32 v9, v23;
	_ =	sdelay $0x2  }
0xd1: {  	v15 =	vmax.bf16 v15, v16  }
0xd2: {  	[tilespmem:v22+s2+$0x0] =	vst.idx.msk vm1, v15  }
0xd3: {  	v15 =	vld.idx.msk [tilespmem:v18+s2+$0x0], $0xffff;
	_ =	sdelay $0x2  }
0xd4: {  	v16 =	vor.u32 v10, v23;
	_ =	sdelay $0x2  }
0xd5: {  	v15 =	vmax.bf16 v15, v20  }
0xd6: {  	[tilespmem:v18+s2+$0x0] =	vst.idx.msk vm1, v15  }
0xd7: {  	v15 =	vld.idx.msk [tilespmem:v16+s2+$0x0], $0xffff;
	_ =	sdelay $0x2  }
0xd8: {  	v18 =	vor.u32 v11, v23;
	_ =	sdelay $0x2  }
0xd9: {  	v15 =	vmax.bf16 v15, v21  }
0xda: {  	[tilespmem:v16+s2+$0x0] =	vst.idx.msk vm1, v15  }
0xdb: {  	v15 =	vld.idx.msk [tilespmem:v18+s2+$0x0], $0xffff;
	_ =	sdelay $0x2  }
0xdc: {  	v16 =	vor.u32 v12, v23;
	_ =	sdelay $0x2  }
0xdd: {  	v15 =	vmax.bf16 v15, v17  }
0xde: {  	[tilespmem:v18+s2+$0x0] =	vst.idx.msk vm1, v15  }
0xdf: {  	v15 =	vld.idx.msk [tilespmem:v16+s2+$0x0], $0xffff  }
0xe0: {  	v17 =	vor.u32 s16, v2  }
0xe1: {  	v18 =	vshll.u32 v17, $0x3  }
0xe2: {  	v19 =	vor.u32 v11, v18;
	_ =	sdelay $0x1  }
0xe3: {  	v20 =	vor.u32 v10, v18  }
0xe4: {  	v21 =	vor.u32 v9, v18;
	v15 =	vmax.bf16 v15, v24  }
0xe5: {  	[tilespmem:v16+s2+$0x0] =	vst.idx.msk vm1, v15;
	v15 =	vand.u32 v13, v17  }
0xe6: {  	v16 =	vor.u32 v8, v18;
	v17 =	vld.idx.msk [tilespmem:v19+s23+$0x0], $0xffff  }
0xe7: {  	v22 =	vmov s16;
	v23 =	vor.u32 v7, v18;
	v19 =	vld [tilespmem:s14+$0x0]  }
0xe8: {  	v22 =	vshll.u32 v22, $0x3;
	v24 =	vor.u32 v6, v18;
	v20 =	vld.idx.msk [tilespmem:v20+s23+$0x0], $0xffff  }
0xe9: {  	v22 =	vor.u32 v5, v22;
	v25 =	vor.u32 v3, v18;
	v21 =	vld.idx.msk [tilespmem:v21+s23+$0x0], $0xffff  }
0xea: {  	v26 =	vor.u32 v3, v22;
	v15 =	vld.idx.msk [tilespmem:v15+s20+$0x0], $0xffff  }
0xeb: {  	v27 =	vor.u32 v12, v22;
	v16 =	vld.idx.msk [tilespmem:v16+s23+$0x0], $0xffff  }
0xec: {  	v18 =	vor.u32 v12, v18;
	v23 =	vld.idx.msk [tilespmem:v23+s23+$0x0], $0xffff;
	v28 =	vshll.u32 v19, $0x3  }
0xed: {  	v24 =	vld.idx.msk [tilespmem:v24+s23+$0x0], $0xffff;
	v29 =	vor.u32 v3, v28  }
0xee: {  	v30 =	vor.u32 v10, v22;
	v25 =	vld.idx.msk [tilespmem:v25+s23+$0x0], $0xffff  }
0xef: {  	v31 =	vor.u32 v9, v22;
	v26 =	vld.idx.msk [tilespmem:v26+s23+$0x0], $0xffff  }
0xf0: {  	vm2 =	veq.s32 v19, v15;
	v15 =	vor.u32 v8, v22;
	v19 =	vld.idx.msk [tilespmem:v27+s23+$0x0], $0xffff  }
0xf1: {  	vm1 =	vmand vm2, vm0;
	v27 =	vor.u32 v7, v22;
	v18 =	vld.idx.msk [tilespmem:v18+s23+$0x0], $0xffff  }
0xf2: {  	v32 =	vor.u32 v6, v22;
	v33 =	vld.idx.msk [tilespmem:v29+s2+$0x0], $0xffff  }
0xf3: {  	v22 =	vor.u32 v11, v22;
	vm1 =	vmneg vm1;
	v30 =	vld.idx.msk [tilespmem:v30+s23+$0x0], $0xffff  }
0xf4: {  	v31 =	vld.idx.msk [tilespmem:v31+s23+$0x0], $0xffff  }
0xf5: {  	v34 =	vld.idx.msk [tilespmem:v15+s23+$0x0], $0xffff;
	v15 =	vmax.bf16 v26, v25;
	v25 =	vor.u32 v6, v28  }
0xf6: {  	v27 =	vld.idx.msk [tilespmem:v27+s23+$0x0], $0xffff;
	v15 =	vsel vm2, v15, v26  }
0xf7: {  	v18 =	vmax.bf16 v19, v18;
	v26 =	vld.idx.msk [tilespmem:v32+s23+$0x0], $0xffff  }
0xf8: {  	v32 =	vmax.bf16 v33, v15;
	v15 =	vsel vm2, v18, v19;
	v22 =	vld.idx.msk [tilespmem:v22+s23+$0x0], $0xffff  }
0xf9: {  	v18 =	vmax.bf16 v30, v20;
	[tilespmem:v29+s2+$0x0] =	vst.idx.msk vm1, v32  }
0xfa: {  	v20 =	vmax.bf16 v31, v21;
	v18 =	vsel vm2, v18, v30;
	v19 =	vld.idx.msk [tilespmem:v25+s2+$0x0], $0xffff  }
0xfb: {  	v16 =	vmax.bf16 v34, v16;
	v20 =	vsel vm2, v20, v31  }
0xfc: {  	v21 =	vmax.bf16 v27, v23;
	v16 =	vsel vm2, v16, v34  }
0xfd: {  	v23 =	vmax.bf16 v26, v24;
	v21 =	vsel vm2, v21, v27;
	v24 =	vor.u32 v7, v28  }
0xfe: {  	v23 =	vsel vm2, v23, v26;
	v17 =	vmax.bf16 v22, v17  }
0xff: {  	v17 =	vsel vm2, v17, v22  }
0x100: {  	v19 =	vmax.bf16 v19, v23  }
0x101: {  	[tilespmem:v25+s2+$0x0] =	vst.idx.msk vm1, v19  }
0x102: {  	v19 =	vld.idx.msk [tilespmem:v24+s2+$0x0], $0xffff;
	_ =	sdelay $0x2  }
0x103: {  	v22 =	vor.u32 v8, v28;
	_ =	sdelay $0x2  }
0x104: {  	v19 =	vmax.bf16 v19, v21  }
0x105: {  	[tilespmem:v24+s2+$0x0] =	vst.idx.msk vm1, v19  }
0x106: {  	v19 =	vld.idx.msk [tilespmem:v22+s2+$0x0], $0xffff;
	_ =	sdelay $0x2  }
0x107: {  	v21 =	vor.u32 v9, v28;
	_ =	sdelay $0x2  }
0x108: {  	v16 =	vmax.bf16 v19, v16  }
0x109: {  	[tilespmem:v22+s2+$0x0] =	vst.idx.msk vm1, v16  }
0x10a: {  	v16 =	vld.idx.msk [tilespmem:v21+s2+$0x0], $0xffff;
	_ =	sdelay $0x2  }
0x10b: {  	v19 =	vor.u32 v10, v28;
	_ =	sdelay $0x2  }
0x10c: {  	v16 =	vmax.bf16 v16, v20  }
0x10d: {  	[tilespmem:v21+s2+$0x0] =	vst.idx.msk vm1, v16  }
0x10e: {  	v16 =	vld.idx.msk [tilespmem:v19+s2+$0x0], $0xffff;
	_ =	sdelay $0x2  }
0x10f: {  	v20 =	vor.u32 v11, v28;
	_ =	sdelay $0x2  }
0x110: {  	v16 =	vmax.bf16 v16, v18  }
0x111: {  	[tilespmem:v19+s2+$0x0] =	vst.idx.msk vm1, v16  }
0x112: {  	v18 =	vld.idx.msk [tilespmem:v20+s2+$0x0], $0xffff;
	_ =	sdelay $0x2  }
0x113: {  	v16 =	vor.u32 v12, v28  }
.Ltmp1:
0x114: {  	(pc) =	sbr.rel @p0 .LBB2_5-.Ltmp1, $4  }
0x115: {  	_ = 	snop  }
0x116: {  	v17 =	vmax.bf16 v18, v17  }
0x117: {  	[tilespmem:v20+s2+$0x0] =	vst.idx.msk vm1, v17  }
0x118: {  	s16 =	sadd.s32 $0x20, s16;
	v17 =	vld.idx.msk [tilespmem:v16+s2+$0x0], $0xffff  }
0x119: {  	s17 =	sadd.s32 $0xFFFFFFF0, s16  }
0x11a: {  	v18 =	vor.u32 s17, v2  }
0x11b: {  	v19 =	vand.u32 v4, v18;
	v18 =	vshll.u32 v18, $0x3  }
0x11c: {  	v21 =	vor.u32 v3, v18  }
0x11d: {  	v22 =	vor.u32 v6, v18;
	v15 =	vmax.bf16 v17, v15  }
0x11e: {  	s14 =	sadd.s32 $0x20, s14;
	v24 =	vor.u32 v10, v18;
	[tilespmem:v16+s2+$0x0] =	vst.idx.msk vm1, v15  }
0x11f: {  	v25 =	vor.u32 v9, v18;
	v23 =	vld [tilespmem:s14+$0xFFFFFFF0]  }
0x120: {  	v26 =	vor.u32 v8, v18;
	v16 =	vld.idx.msk [tilespmem:v19+s20+$0x0], $0xffff  }
0x121: {  	v20 =	vmov s17;
	v32 =	vor.u32 v7, v18;
	v21 =	vld.idx.msk [tilespmem:v21+s23+$0x0], $0xffff  }
0x122: {  	v20 =	vshll.u32 v20, $0x3;
	v34 =	vor.u32 v12, v18;
	v22 =	vld.idx.msk [tilespmem:v22+s23+$0x0], $0xffff  }
0x123: {  	v20 =	vor.u32 v5, v20;
	v18 =	vor.u32 v11, v18;
	v24 =	vld.idx.msk [tilespmem:v24+s23+$0x0], $0xffff  }
0x124: {  	v19 =	vor.u32 v3, v20;
	v25 =	vld.idx.msk [tilespmem:v25+s23+$0x0], $0xffff  }
0x125: {  	v17 =	vor.u32 v10, v20;
	v26 =	vld.idx.msk [tilespmem:v26+s23+$0x0], $0xffff;
	v29 =	vshll.u32 v23, $0x3  }
0x126: {  	v58 =	vld.idx.msk [tilespmem:v32+s23+$0x0], $0xffff;
	v30 =	vor.u32 v3, v29  }
0x127: {  	v27 =	vor.u32 v7, v20;
	v34 =	vld.idx.msk [tilespmem:v34+s23+$0x0], $0xffff  }
0x128: {  	v31 =	vor.u32 v11, v20;
	v18 =	vld.idx.msk [tilespmem:v18+s23+$0x0], $0xffff  }
0x129: {  	v33 =	vor.u32 v8, v20;
	v19 =	vld.idx.msk [tilespmem:v19+s23+$0x0], $0xffff;
	vm1 =	veq.s32 v23, v16  }
0x12a: {  	v15 =	vor.u32 v9, v20;
	v17 =	vld.idx.msk [tilespmem:v17+s23+$0x0], $0xffff;
	vm2 =	vmand vm1, vm0  }
0x12b: {  	v28 =	vor.u32 v6, v20;
	vm2 =	vmneg vm2;
	v56 =	vld.idx.msk [tilespmem:v30+s2+$0x0], $0xffff  }
0x12c: {  	v20 =	vor.u32 v12, v20;
	v27 =	vld.idx.msk [tilespmem:v27+s23+$0x0], $0xffff  }
0x12d: {  	v57 =	vld.idx.msk [tilespmem:v31+s23+$0x0], $0xffff;
	v59 =	vor.u32 v6, v29  }
0x12e: {  	v33 =	vld.idx.msk [tilespmem:v33+s23+$0x0], $0xffff;
	v21 =	vmax.bf16 v19, v21  }
0x12f: {  	v15 =	vld.idx.msk [tilespmem:v15+s23+$0x0], $0xffff;
	v19 =	vsel vm1, v21, v19  }
0x130: {  	v16 =	vld.idx.msk [tilespmem:v28+s23+$0x0], $0xffff;
	v19 =	vmax.bf16 v56, v19  }
0x131: {  	v20 =	vld.idx.msk [tilespmem:v20+s23+$0x0], $0xffff;
	[tilespmem:v30+s2+$0x0] =	vst.idx.msk vm2, v19  }
0x132: {  	v19 =	vld.idx.msk [tilespmem:v59+s2+$0x0], $0xffff;
	_ =	sdelay $0x1  }
0x133: {  	v60 =	vor.u32 v7, v29  }
0x134: {  	v22 =	vmax.bf16 v16, v22  }
0x135: {  	v16 =	vsel vm1, v22, v16  }
0x136: {  	v16 =	vmax.bf16 v19, v16  }
0x137: {  	[tilespmem:v59+s2+$0x0] =	vst.idx.msk vm2, v16  }
0x138: {  	v16 =	vld.idx.msk [tilespmem:v60+s2+$0x0], $0xffff;
	_ =	sdelay $0x1  }
0x139: {  	v19 =	vor.u32 v8, v29  }
0x13a: {  	v61 =	vmax.bf16 v27, v58  }
0x13b: {  	v22 =	vsel vm1, v61, v27  }
0x13c: {  	v16 =	vmax.bf16 v16, v22  }
0x13d: {  	[tilespmem:v60+s2+$0x0] =	vst.idx.msk vm2, v16  }
0x13e: {  	v16 =	vld.idx.msk [tilespmem:v19+s2+$0x0], $0xffff;
	_ =	sdelay $0x1  }
0x13f: {  	v62 =	vor.u32 v9, v29  }
0x140: {  	v63 =	vmax.bf16 v33, v26  }
0x141: {  	v22 =	vsel vm1, v63, v33  }
0x142: {  	v16 =	vmax.bf16 v16, v22  }
0x143: {  	[tilespmem:v19+s2+$0x0] =	vst.idx.msk vm2, v16  }
0x144: {  	v16 =	vld.idx.msk [tilespmem:v62+s2+$0x0], $0xffff;
	_ =	sdelay $0x1  }
0x145: {  	v19 =	vor.u32 v10, v29  }
0x146: {  	v26 =	vmax.bf16 v15, v25  }
0x147: {  	v15 =	vsel vm1, v26, v15  }
0x148: {  	v15 =	vmax.bf16 v16, v15  }
0x149: {  	[tilespmem:v62+s2+$0x0] =	vst.idx.msk vm2, v15  }
0x14a: {  	v15 =	vld.idx.msk [tilespmem:v19+s2+$0x0], $0xffff;
	_ =	sdelay $0x1  }
0x14b: {  	v16 =	vor.u32 v11, v29  }
0x14c: {  	v27 =	vmax.bf16 v17, v24  }
0x14d: {  	v17 =	vsel vm1, v27, v17  }
0x14e: {  	v15 =	vmax.bf16 v15, v17  }
0x14f: {  	[tilespmem:v19+s2+$0x0] =	vst.idx.msk vm2, v15  }
0x150: {  	v15 =	vld.idx.msk [tilespmem:v16+s2+$0x0], $0xffff;
	_ =	sdelay $0x1  }
0x151: {  	v17 =	vor.u32 v12, v29  }
0x152: {  	v18 =	vmax.bf16 v57, v18  }
0x153: {  	v18 =	vsel vm1, v18, v57  }
0x154: {  	v15 =	vmax.bf16 v15, v18  }
0x155: {  	[tilespmem:v16+s2+$0x0] =	vst.idx.msk vm2, v15  }
0x156: {  	v16 =	vor.u32 s16, v2;
	v15 =	vld.idx.msk [tilespmem:v17+s2+$0x0], $0xffff  }
0x157: {  	v18 =	vshll.u32 v16, $0x3  }
0x158: {  	v19 =	vor.u32 v11, v18  }
0x159: {  	v28 =	vmax.bf16 v20, v34  }
0x15a: {  	v20 =	vsel vm1, v28, v20;
	v29 =	vor.u32 v10, v18  }
0x15b: {  	v30 =	vor.u32 v9, v18;
	v15 =	vmax.bf16 v15, v20  }
0x15c: {  	v32 =	vor.u32 v7, v18;
	[tilespmem:v17+s2+$0x0] =	vst.idx.msk vm2, v15  }
0x15d: {  	v31 =	vmov s16;
	v15 =	vand.u32 v13, v16;
	v17 =	vld.idx.msk [tilespmem:v19+s23+$0x0], $0xffff  }
0x15e: {  	v22 =	vshll.u32 v31, $0x3;
	v33 =	vor.u32 v6, v18;
	v19 =	vld [tilespmem:s14+$0x0]  }
0x15f: {  	v22 =	vor.u32 v5, v22;
	v34 =	vor.u32 v3, v18;
	v21 =	vld.idx.msk [tilespmem:v29+s23+$0x0], $0xffff  }
0x160: {  	v35 =	vor.u32 v3, v22;
	v20 =	vld.idx.msk [tilespmem:v30+s23+$0x0], $0xffff  }
0x161: {  	v36 =	vor.u32 v12, v22;
	v23 =	vld.idx.msk [tilespmem:v32+s23+$0x0], $0xffff  }
0x162: {  	v39 =	vor.u32 v10, v22;
	v15 =	vld.idx.msk [tilespmem:v15+s20+$0x0], $0xffff  }
0x163: {  	v40 =	vor.u32 v9, v22;
	v24 =	vld.idx.msk [tilespmem:v33+s23+$0x0], $0xffff;
	v37 =	vshll.u32 v19, $0x3  }
0x164: {  	v25 =	vld.idx.msk [tilespmem:v34+s23+$0x0], $0xffff;
	v38 =	vor.u32 v3, v37  }
0x165: {  	v41 =	vor.u32 v8, v22;
	v26 =	vld.idx.msk [tilespmem:v35+s23+$0x0], $0xffff  }
0x166: {  	v16 =	vor.u32 v8, v18;
	v27 =	vld.idx.msk [tilespmem:v36+s23+$0x0], $0xffff  }
0x167: {  	v18 =	vor.u32 v12, v18;
	v30 =	vld.idx.msk [tilespmem:v39+s23+$0x0], $0xffff;
	vm1 =	veq.s32 v19, v15  }
0x168: {  	v31 =	vld.idx.msk [tilespmem:v40+s23+$0x0], $0xffff;
	v15 =	vor.u32 v7, v22;
	vm2 =	vmand vm1, vm0  }
0x169: {  	v19 =	vor.u32 v6, v22;
	v42 =	vld.idx.msk [tilespmem:v38+s2+$0x0], $0xffff;
	vm2 =	vmneg vm2  }
0x16a: {  	v32 =	vld.idx.msk [tilespmem:v41+s23+$0x0], $0xffff;
	v22 =	vor.u32 v11, v22  }
0x16b: {  	v16 =	vld.idx.msk [tilespmem:v16+s23+$0x0], $0xffff;
	v43 =	vor.u32 v6, v37  }
0x16c: {  	v18 =	vld.idx.msk [tilespmem:v18+s23+$0x0], $0xffff;
	v25 =	vmax.bf16 v26, v25  }
0x16d: {  	v25 =	vsel vm1, v25, v26;
	v15 =	vld.idx.msk [tilespmem:v15+s23+$0x0], $0xffff  }
0x16e: {  	v19 =	vld.idx.msk [tilespmem:v19+s23+$0x0], $0xffff;
	v25 =	vmax.bf16 v42, v25  }
0x16f: {  	v22 =	vld.idx.msk [tilespmem:v22+s23+$0x0], $0xffff;
	[tilespmem:v38+s2+$0x0] =	vst.idx.msk vm2, v25  }
0x170: {  	v25 =	vld.idx.msk [tilespmem:v43+s2+$0x0], $0xffff;
	_ =	sdelay $0x1  }
0x171: {  	v44 =	vor.u32 v7, v37  }
0x172: {  	v24 =	vmax.bf16 v19, v24  }
0x173: {  	v19 =	vsel vm1, v24, v19  }
0x174: {  	v19 =	vmax.bf16 v25, v19  }
0x175: {  	[tilespmem:v43+s2+$0x0] =	vst.idx.msk vm2, v19  }
0x176: {  	v19 =	vld.idx.msk [tilespmem:v44+s2+$0x0], $0xffff;
	_ =	sdelay $0x1  }
0x177: {  	v45 =	vor.u32 v8, v37  }
0x178: {  	v23 =	vmax.bf16 v15, v23  }
0x179: {  	v15 =	vsel vm1, v23, v15  }
0x17a: {  	v15 =	vmax.bf16 v19, v15  }
0x17b: {  	[tilespmem:v44+s2+$0x0] =	vst.idx.msk vm2, v15  }
0x17c: {  	v15 =	vld.idx.msk [tilespmem:v45+s2+$0x0], $0xffff;
	_ =	sdelay $0x1  }
0x17d: {  	v19 =	vor.u32 v9, v37  }
0x17e: {  	v16 =	vmax.bf16 v32, v16  }
0x17f: {  	v16 =	vsel vm1, v16, v32  }
0x180: {  	v15 =	vmax.bf16 v15, v16  }
0x181: {  	[tilespmem:v45+s2+$0x0] =	vst.idx.msk vm2, v15  }
0x182: {  	v15 =	vld.idx.msk [tilespmem:v19+s2+$0x0], $0xffff;
	_ =	sdelay $0x1  }
0x183: {  	v16 =	vor.u32 v10, v37  }
0x184: {  	v20 =	vmax.bf16 v31, v20  }
0x185: {  	v20 =	vsel vm1, v20, v31  }
0x186: {  	v15 =	vmax.bf16 v15, v20  }
0x187: {  	[tilespmem:v19+s2+$0x0] =	vst.idx.msk vm2, v15  }
0x188: {  	v15 =	vld.idx.msk [tilespmem:v16+s2+$0x0], $0xffff;
	_ =	sdelay $0x1  }
0x189: {  	v19 =	vor.u32 v11, v37  }
0x18a: {  	v46 =	vmax.bf16 v30, v21  }
0x18b: {  	v20 =	vsel vm1, v46, v30  }
0x18c: {  	v15 =	vmax.bf16 v15, v20  }
0x18d: {  	[tilespmem:v16+s2+$0x0] =	vst.idx.msk vm2, v15  }
0x18e: {  	v15 =	vld.idx.msk [tilespmem:v19+s2+$0x0], $0xffff;
	_ =	sdelay $0x1  }
0x18f: {  	v16 =	vor.u32 v12, v37  }
0x190: {  	v17 =	vmax.bf16 v22, v17  }
0x191: {  	v17 =	vsel vm1, v17, v22  }
0x192: {  	v15 =	vmax.bf16 v15, v17  }
0x193: {  	p0 =	seq.s32 s10, $0x31;
	[tilespmem:v19+s2+$0x0] =	vst.idx.msk vm2, v15  }
0x194: {  	s14 =	smul.u32 @!p0 $0x640, s10;
	v15 =	vld.idx.msk [tilespmem:v16+s2+$0x0], $0xffff;
	_ =	sdelay $0x1  }
0x195: {  	s14 =	sadd.s32 @!p0 s14, s12  }
0x196: {  	s16 =	sshrl.u32 @!p0 s14, $0x3;
	s14 =	sshll.u32 @!p0 s14, $0x6;
	v17 =	vmax.bf16 v27, v18  }
0x197: {  	s14 =	sor.u32 @!p0 s6, s14;
	v17 =	vsel vm1, v17, v27  }
0x198: {  	s17 =	simm.s32 @!p0 $0x0;
	s14 =	sshrl.u32 @!p0 s14, $0x3;
	v15 =	vmax.bf16 v15, v17  }
0x199: {  	s18 =	simm.s32 @!p0 $0x16A80;
	s16 =	sadd.s32 @!p0 s5, s16;
	s14 =	sadd.s32 @!p0 s4, s14;
	[tilespmem:v16+s2+$0x0] =	vst.idx.msk vm2, v15  }
0x19a: {  	[tilespmem:s18], [sflag:$0x3] =	stream.linear.gather @!p0 [hbm4b:s16+s17], $0x320, $0x38;
	[tilespmem:$0x1DE20] =	vst v63  }
0x19b: {  	s16 =	simm.s32 @!p0 $0x8;
	s17 =	simm.s32 @!p0 $0x40;
	s18 =	simm.s32 @!p0 $0x13880  }
0x19c: {  	[tilespmem:s18], [sflag:$0x1] =	stream.strided.gather @!p0 [hbm4b:s14+s16], $0x1900, s17, s16, $0x38;
	[tilespmem:$0x1DE20] =	vst v63  }
0x19d: {  	s17 =	simm.s32 $0x0  }
0x19e: {  	_ =	swait.ge [sflag:s29], $0x320;
	v15 =	vor.u32 s17, v2  }
0x19f: {  	[sflag:s29] =	ssyncset.done $0x0;
	v16 =	vand.u32 v4, v15  }
0x1a0: {  	v15 =	vshll.u32 v15, $0x3;
	[sflag:s29] =	ssyncadd.s32 $0xFFFFFCE0  }
0x1a1: {  	v18 =	vor.u32 v3, v15;
	_ =	swait.ge [sflag:s30], $0x1900  }
0x1a2: {  	v19 =	vor.u32 v6, v15;
	[sflag:s30] =	ssyncset.done $0x0  }
0x1a3: {  	v51 =	vor.u32 v10, v15;
	[sflag:s30] =	ssyncadd.s32 $0xFFFFE700  }
0x1a4: {  	s14 =	simm.s32 $0x16DB0;
	v52 =	vor.u32 v9, v15;
	v16 =	vld.idx.msk [tilespmem:v16+s24+$0x0], $0xffff  }
0x1a5: {  	v53 =	vor.u32 v8, v15;
	v50 =	vld [tilespmem:s14+$0xFFFFFFF0]  }
0x1a6: {  	v17 =	vmov s17;
	v59 =	vor.u32 v7, v15;
	v18 =	vld.idx.msk [tilespmem:v18+s25+$0x0], $0xffff  }
0x1a7: {  	v17 =	vshll.u32 v17, $0x3;
	v61 =	vor.u32 v12, v15;
	v19 =	vld.idx.msk [tilespmem:v19+s25+$0x0], $0xffff  }
0x1a8: {  	v17 =	vor.u32 v5, v17;
	v15 =	vor.u32 v11, v15;
	v24 =	vld.idx.msk [tilespmem:v51+s25+$0x0], $0xffff  }
0x1a9: {  	v49 =	vor.u32 v3, v17;
	v25 =	vld.idx.msk [tilespmem:v52+s25+$0x0], $0xffff  }
0x1aa: {  	v47 =	vor.u32 v10, v17;
	v26 =	vld.idx.msk [tilespmem:v53+s25+$0x0], $0xffff;
	v56 =	vshll.u32 v50, $0x3  }
0x1ab: {  	v36 =	vld.idx.msk [tilespmem:v59+s25+$0x0], $0xffff;
	v57 =	vor.u32 v3, v56  }
0x1ac: {  	v48 =	vor.u32 v9, v17;
	v34 =	vld.idx.msk [tilespmem:v61+s25+$0x0], $0xffff  }
0x1ad: {  	v54 =	vor.u32 v7, v17;
	v15 =	vld.idx.msk [tilespmem:v15+s25+$0x0], $0xffff  }
0x1ae: {  	v58 =	vor.u32 v11, v17;
	v22 =	vld.idx.msk [tilespmem:v49+s25+$0x0], $0xffff;
	vm1 =	veq.s32 v50, v16  }
0x1af: {  	v60 =	vor.u32 v8, v17;
	v20 =	vld.idx.msk [tilespmem:v47+s25+$0x0], $0xffff;
	vm2 =	vmand vm1, vm0  }
0x1b0: {  	v55 =	vor.u32 v6, v17;
	vm2 =	vmneg vm2;
	v62 =	vld.idx.msk [tilespmem:v57+s2+$0x0], $0xffff  }
0x1b1: {  	v17 =	vor.u32 v12, v17;
	v21 =	vld.idx.msk [tilespmem:v48+s25+$0x0], $0xffff  }
0x1b2: {  	v27 =	vld.idx.msk [tilespmem:v54+s25+$0x0], $0xffff;
	v37 =	vor.u32 v6, v56  }
0x1b3: {  	v63 =	vld.idx.msk [tilespmem:v58+s25+$0x0], $0xffff;
	v18 =	vmax.bf16 v22, v18  }
0x1b4: {  	v33 =	vld.idx.msk [tilespmem:v60+s25+$0x0], $0xffff;
	v18 =	vsel vm1, v18, v22  }
0x1b5: {  	v16 =	vld.idx.msk [tilespmem:v55+s25+$0x0], $0xffff;
	v18 =	vmax.bf16 v62, v18  }
0x1b6: {  	v17 =	vld.idx.msk [tilespmem:v17+s25+$0x0], $0xffff;
	[tilespmem:v57+s2+$0x0] =	vst.idx.msk vm2, v18  }
0x1b7: {  	v18 =	vld.idx.msk [tilespmem:v37+s2+$0x0], $0xffff;
	_ =	sdelay $0x1  }
0x1b8: {  	v38 =	vor.u32 v7, v56  }
0x1b9: {  	v19 =	vmax.bf16 v16, v19  }
0x1ba: {  	v16 =	vsel vm1, v19, v16  }
0x1bb: {  	v16 =	vmax.bf16 v18, v16  }
0x1bc: {  	[tilespmem:v37+s2+$0x0] =	vst.idx.msk vm2, v16  }
0x1bd: {  	v16 =	vld.idx.msk [tilespmem:v38+s2+$0x0], $0xffff;
	_ =	sdelay $0x1  }
0x1be: {  	v18 =	vor.u32 v8, v56  }
0x1bf: {  	v19 =	vmax.bf16 v27, v36  }
0x1c0: {  	v19 =	vsel vm1, v19, v27  }
0x1c1: {  	v16 =	vmax.bf16 v16, v19  }
0x1c2: {  	[tilespmem:v38+s2+$0x0] =	vst.idx.msk vm2, v16  }
0x1c3: {  	v16 =	vld.idx.msk [tilespmem:v18+s2+$0x0], $0xffff;
	_ =	sdelay $0x1  }
0x1c4: {  	v19 =	vor.u32 v9, v56  }
0x1c5: {  	v39 =	vmax.bf16 v33, v26  }
0x1c6: {  	v22 =	vsel vm1, v39, v33  }
0x1c7: {  	v16 =	vmax.bf16 v16, v22  }
0x1c8: {  	[tilespmem:v18+s2+$0x0] =	vst.idx.msk vm2, v16  }
0x1c9: {  	v16 =	vld.idx.msk [tilespmem:v19+s2+$0x0], $0xffff;
	_ =	sdelay $0x1  }
0x1ca: {  	v18 =	vor.u32 v10, v56  }
0x1cb: {  	v40 =	vmax.bf16 v21, v25  }
0x1cc: {  	v21 =	vsel vm1, v40, v21  }
0x1cd: {  	v16 =	vmax.bf16 v16, v21  }
0x1ce: {  	[tilespmem:v19+s2+$0x0] =	vst.idx.msk vm2, v16  }
0x1cf: {  	v16 =	vld.idx.msk [tilespmem:v18+s2+$0x0], $0xffff;
	_ =	sdelay $0x1  }
0x1d0: {  	v19 =	vor.u32 v11, v56  }
0x1d1: {  	v41 =	vmax.bf16 v20, v24  }
0x1d2: {  	v20 =	vsel vm1, v41, v20  }
0x1d3: {  	v16 =	vmax.bf16 v16, v20  }
0x1d4: {  	[tilespmem:v18+s2+$0x0] =	vst.idx.msk vm2, v16  }
0x1d5: {  	v16 =	vld.idx.msk [tilespmem:v19+s2+$0x0], $0xffff;
	_ =	sdelay $0x1  }
0x1d6: {  	v18 =	vor.u32 v12, v56  }
0x1d7: {  	v15 =	vmax.bf16 v63, v15  }
0x1d8: {  	v15 =	vsel vm1, v15, v63  }
0x1d9: {  	v15 =	vmax.bf16 v16, v15  }
0x1da: {  	s18 =	simm.s32 $0x10;
	[tilespmem:v19+s2+$0x0] =	vst.idx.msk vm2, v15  }
0x1db: {  	v16 =	vor.u32 s18, v2;
	v15 =	vld.idx.msk [tilespmem:v18+s2+$0x0], $0xffff  }
0x1dc: {  	v19 =	vshll.u32 v16, $0x3  }
0x1dd: {  	v42 =	vor.u32 v11, v19  }
0x1de: {  	v43 =	vmax.bf16 v17, v34  }
0x1df: {  	v17 =	vsel vm1, v43, v17;
	v44 =	vor.u32 v10, v19  }
0x1e0: {  	v47 =	vor.u32 v7, v19;
	v15 =	vmax.bf16 v15, v17  }
0x1e1: {  	v46 =	vmov s18;
	v48 =	vor.u32 v6, v19;
	[tilespmem:v18+s2+$0x0] =	vst.idx.msk vm2, v15  }
0x1e2: {  	v22 =	vshll.u32 v46, $0x3;
	v15 =	vand.u32 v13, v16;
	v18 =	vld.idx.msk [tilespmem:v42+s25+$0x0], $0xffff  }
0x1e3: {  	v22 =	vor.u32 v5, v22;
	v49 =	vor.u32 v3, v19;
	v45 =	vld [tilespmem:s14+$0x0]  }
0x1e4: {  	v50 =	vor.u32 v3, v22;
	v21 =	vld.idx.msk [tilespmem:v44+s25+$0x0], $0xffff  }
0x1e5: {  	v51 =	vor.u32 v12, v22;
	v23 =	vld.idx.msk [tilespmem:v47+s25+$0x0], $0xffff  }
0x1e6: {  	v54 =	vor.u32 v10, v22;
	v24 =	vld.idx.msk [tilespmem:v48+s25+$0x0], $0xffff  }
0x1e7: {  	v55 =	vor.u32 v9, v22;
	v15 =	vld.idx.msk [tilespmem:v15+s24+$0x0], $0xffff  }
0x1e8: {  	v56 =	vor.u32 v8, v22;
	v25 =	vld.idx.msk [tilespmem:v49+s25+$0x0], $0xffff;
	v52 =	vshll.u32 v45, $0x3  }
0x1e9: {  	v26 =	vld.idx.msk [tilespmem:v50+s25+$0x0], $0xffff;
	v53 =	vor.u32 v3, v52  }
0x1ea: {  	v57 =	vor.u32 v6, v22;
	v27 =	vld.idx.msk [tilespmem:v51+s25+$0x0], $0xffff  }
0x1eb: {  	v17 =	vor.u32 v9, v19;
	v30 =	vld.idx.msk [tilespmem:v54+s25+$0x0], $0xffff  }
0x1ec: {  	v16 =	vor.u32 v8, v19;
	v31 =	vld.idx.msk [tilespmem:v55+s25+$0x0], $0xffff;
	vm2 =	veq.s32 v45, v15  }
0x1ed: {  	v19 =	vor.u32 v12, v19;
	v32 =	vld.idx.msk [tilespmem:v56+s25+$0x0], $0xffff;
	vm1 =	vmand vm2, vm0  }
0x1ee: {  	v15 =	vor.u32 v7, v22;
	v58 =	vld.idx.msk [tilespmem:v53+s2+$0x0], $0xffff;
	vm1 =	vmneg vm1  }
0x1ef: {  	v20 =	vld.idx.msk [tilespmem:v57+s25+$0x0], $0xffff;
	v22 =	vor.u32 v11, v22  }
0x1f0: {  	v17 =	vld.idx.msk [tilespmem:v17+s25+$0x0], $0xffff;
	v59 =	vor.u32 v6, v52  }
0x1f1: {  	v16 =	vld.idx.msk [tilespmem:v16+s25+$0x0], $0xffff;
	v25 =	vmax.bf16 v26, v25  }
0x1f2: {  	v19 =	vld.idx.msk [tilespmem:v19+s25+$0x0], $0xffff;
	v25 =	vsel vm2, v25, v26  }
0x1f3: {  	v15 =	vld.idx.msk [tilespmem:v15+s25+$0x0], $0xffff;
	v25 =	vmax.bf16 v58, v25  }
0x1f4: {  	v22 =	vld.idx.msk [tilespmem:v22+s25+$0x0], $0xffff;
	[tilespmem:v53+s2+$0x0] =	vst.idx.msk vm1, v25  }
0x1f5: {  	v25 =	vld.idx.msk [tilespmem:v59+s2+$0x0], $0xffff;
	_ =	sdelay $0x1  }
0x1f6: {  	v60 =	vor.u32 v7, v52  }
0x1f7: {  	v24 =	vmax.bf16 v20, v24  }
0x1f8: {  	v20 =	vsel vm2, v24, v20  }
0x1f9: {  	v20 =	vmax.bf16 v25, v20  }
0x1fa: {  	[tilespmem:v59+s2+$0x0] =	vst.idx.msk vm1, v20  }
0x1fb: {  	v20 =	vld.idx.msk [tilespmem:v60+s2+$0x0], $0xffff;
	_ =	sdelay $0x1  }
0x1fc: {  	v61 =	vor.u32 v8, v52  }
0x1fd: {  	v23 =	vmax.bf16 v15, v23  }
0x1fe: {  	v15 =	vsel vm2, v23, v15  }
0x1ff: {  	v15 =	vmax.bf16 v20, v15  }
0x200: {  	[tilespmem:v60+s2+$0x0] =	vst.idx.msk vm1, v15  }
0x201: {  	v15 =	vld.idx.msk [tilespmem:v61+s2+$0x0], $0xffff;
	_ =	sdelay $0x1  }
0x202: {  	v62 =	vor.u32 v9, v52  }
0x203: {  	v16 =	vmax.bf16 v32, v16  }
0x204: {  	v16 =	vsel vm2, v16, v32  }
0x205: {  	v15 =	vmax.bf16 v15, v16  }
0x206: {  	[tilespmem:v61+s2+$0x0] =	vst.idx.msk vm1, v15  }
0x207: {  	v15 =	vld.idx.msk [tilespmem:v62+s2+$0x0], $0xffff;
	_ =	sdelay $0x1  }
0x208: {  	v16 =	vor.u32 v10, v52  }
0x209: {  	v17 =	vmax.bf16 v31, v17  }
0x20a: {  	v17 =	vsel vm2, v17, v31  }
0x20b: {  	v15 =	vmax.bf16 v15, v17  }
0x20c: {  	[tilespmem:v62+s2+$0x0] =	vst.idx.msk vm1, v15  }
0x20d: {  	v15 =	vld.idx.msk [tilespmem:v16+s2+$0x0], $0xffff;
	_ =	sdelay $0x1  }
0x20e: {  	v17 =	vor.u32 v11, v52  }
0x20f: {  	v63 =	vmax.bf16 v30, v21  }
0x210: {  	v20 =	vsel vm2, v63, v30  }
0x211: {  	v15 =	vmax.bf16 v15, v20  }
0x212: {  	[tilespmem:v16+s2+$0x0] =	vst.idx.msk vm1, v15  }
0x213: {  	v15 =	vld.idx.msk [tilespmem:v17+s2+$0x0], $0xffff;
	_ =	sdelay $0x1  }
0x214: {  	v16 =	vor.u32 v12, v52  }
0x215: {  	v18 =	vmax.bf16 v22, v18  }
0x216: {  	v18 =	vsel vm2, v18, v22  }
0x217: {  	v15 =	vmax.bf16 v15, v18  }
0x218: {  	v18 =	vmax.bf16 v27, v19;
	[tilespmem:v17+s2+$0x0] =	vst.idx.msk vm1, v15  }
0x219: {  	s16 =	simm.s32 $0x30;
	s17 =	simm.s32 $0x2;
	v15 =	vsel vm2, v18, v27;
	v17 =	vld.idx.msk [tilespmem:v16+s2+$0x0], $0xffff  }
.LBB2_7:
0x21a: {  	s17 =	sadd.s32 $0x2, s17;
	s18 =	sadd.s32 $0xFFFFFFF0, s16;
	s14 =	sadd.s32 $0x20, s14  }
0x21b: {  	p1 =	slt.u32 s17, $0x30;
	v18 =	vmov s18;
	v19 =	vor.u32 s18, v2  }
0x21c: {  	v18 =	vshll.u32 v18, $0x3;
	v20 =	vand.u32 v4, v19;
	v19 =	vshll.u32 v19, $0x3  }
0x21d: {  	v18 =	vor.u32 v5, v18;
	v21 =	vor.u32 v3, v19;
	v22 =	vor.u32 v6, v19  }
0x21e: {  	v23 =	vor.u32 v3, v18;
	v24 =	vor.u32 v6, v18;
	v25 =	vor.u32 v10, v18  }
0x21f: {  	v26 =	vor.u32 v8, v18;
	v27 =	vor.u32 v9, v18;
	v15 =	vmax.bf16 v17, v15  }
0x220: {  	v17 =	vor.u32 v11, v18;
	v28 =	vor.u32 v12, v18;
	[tilespmem:v16+s2+$0x0] =	vst.idx.msk vm1, v15  }
0x221: {  	v29 =	vor.u32 v10, v19;
	v16 =	vor.u32 v8, v19;
	v15 =	vld.idx.msk [tilespmem:v20+s24+$0x0], $0xffff;
	v20 =	vor.u32 v9, v19  }
0x222: {  	v31 =	vor.u32 v11, v19;
	v32 =	vor.u32 v12, v19;
	v18 =	vor.u32 v7, v18;
	v30 =	vld [tilespmem:s14+$0xFFFFFFF0]  }
0x223: {  	v21 =	vld.idx.msk [tilespmem:v21+s25+$0x0], $0xffff  }
0x224: {  	v22 =	vld.idx.msk [tilespmem:v22+s25+$0x0], $0xffff  }
0x225: {  	v25 =	vld.idx.msk [tilespmem:v25+s25+$0x0], $0xffff  }
0x226: {  	v27 =	vld.idx.msk [tilespmem:v27+s25+$0x0], $0xffff  }
0x227: {  	vm2 =	veq.s32 v30, v15;
	v15 =	vld.idx.msk [tilespmem:v23+s25+$0x0], $0xffff;
	v23 =	vshll.u32 v30, $0x3  }
0x228: {  	vm1 =	vmand vm2, vm0;
	v29 =	vld.idx.msk [tilespmem:v29+s25+$0x0], $0xffff;
	v30 =	vor.u32 v3, v23  }
0x229: {  	vm1 =	vmneg vm1;
	v20 =	vld.idx.msk [tilespmem:v20+s25+$0x0], $0xffff  }
0x22a: {  	v19 =	vor.u32 v7, v19;
	v16 =	vld.idx.msk [tilespmem:v16+s25+$0x0], $0xffff  }
0x22b: {  	v33 =	vor.u32 v6, v23;
	v18 =	vld.idx.msk [tilespmem:v18+s25+$0x0], $0xffff  }
0x22c: {  	v24 =	vld.idx.msk [tilespmem:v24+s25+$0x0], $0xffff  }
0x22d: {  	v21 =	vmax.bf16 v15, v21;
	v34 =	vld.idx.msk [tilespmem:v30+s2+$0x0], $0xffff  }
0x22e: {  	v15 =	vsel vm2, v21, v15;
	v21 =	vmax.bf16 v25, v29;
	v17 =	vld.idx.msk [tilespmem:v17+s25+$0x0], $0xffff  }
0x22f: {  	v20 =	vmax.bf16 v27, v20;
	v21 =	vsel vm2, v21, v25;
	v19 =	vld.idx.msk [tilespmem:v19+s25+$0x0], $0xffff  }
0x230: {  	v20 =	vsel vm2, v20, v27;
	v25 =	vld.idx.msk [tilespmem:v26+s25+$0x0], $0xffff  }
0x231: {  	v26 =	vld.idx.msk [tilespmem:v32+s25+$0x0], $0xffff  }
0x232: {  	v22 =	vmax.bf16 v24, v22;
	v27 =	vld.idx.msk [tilespmem:v28+s25+$0x0], $0xffff  }
0x233: {  	v15 =	vmax.bf16 v34, v15;
	v22 =	vsel vm2, v22, v24;
	v28 =	vld.idx.msk [tilespmem:v31+s25+$0x0], $0xffff  }
0x234: {  	[tilespmem:v30+s2+$0x0] =	vst.idx.msk vm1, v15  }
0x235: {  	v19 =	vmax.bf16 v18, v19;
	v15 =	vld.idx.msk [tilespmem:v33+s2+$0x0], $0xffff  }
0x236: {  	v18 =	vsel vm2, v19, v18;
	v16 =	vmax.bf16 v25, v16  }
0x237: {  	v16 =	vsel vm2, v16, v25  }
0x238: {  	v19 =	vor.u32 v7, v23;
	v24 =	vmax.bf16 v27, v26  }
0x239: {  	v25 =	vmax.bf16 v17, v28;
	v24 =	vsel vm2, v24, v27  }
0x23a: {  	v17 =	vsel vm2, v25, v17  }
0x23b: {  	v15 =	vmax.bf16 v15, v22  }
0x23c: {  	[tilespmem:v33+s2+$0x0] =	vst.idx.msk vm1, v15  }
0x23d: {  	v15 =	vld.idx.msk [tilespmem:v19+s2+$0x0], $0xffff;
	_ =	sdelay $0x2  }
0x23e: {  	v22 =	vor.u32 v8, v23;
	_ =	sdelay $0x2  }
0x23f: {  	v15 =	vmax.bf16 v15, v18  }
0x240: {  	[tilespmem:v19+s2+$0x0] =	vst.idx.msk vm1, v15  }
0x241: {  	v15 =	vld.idx.msk [tilespmem:v22+s2+$0x0], $0xffff;
	_ =	sdelay $0x2  }
0x242: {  	v18 =	vor.u32 v9, v23;
	_ =	sdelay $0x2  }
0x243: {  	v15 =	vmax.bf16 v15, v16  }
0x244: {  	[tilespmem:v22+s2+$0x0] =	vst.idx.msk vm1, v15  }
0x245: {  	v15 =	vld.idx.msk [tilespmem:v18+s2+$0x0], $0xffff;
	_ =	sdelay $0x2  }
0x246: {  	v16 =	vor.u32 v10, v23;
	_ =	sdelay $0x2  }
0x247: {  	v15 =	vmax.bf16 v15, v20  }
0x248: {  	[tilespmem:v18+s2+$0x0] =	vst.idx.msk vm1, v15  }
0x249: {  	v15 =	vld.idx.msk [tilespmem:v16+s2+$0x0], $0xffff;
	_ =	sdelay $0x2  }
0x24a: {  	v18 =	vor.u32 v11, v23;
	_ =	sdelay $0x2  }
0x24b: {  	v15 =	vmax.bf16 v15, v21  }
0x24c: {  	[tilespmem:v16+s2+$0x0] =	vst.idx.msk vm1, v15  }
0x24d: {  	v15 =	vld.idx.msk [tilespmem:v18+s2+$0x0], $0xffff;
	_ =	sdelay $0x2  }
0x24e: {  	v16 =	vor.u32 v12, v23;
	_ =	sdelay $0x2  }
0x24f: {  	v15 =	vmax.bf16 v15, v17  }
0x250: {  	[tilespmem:v18+s2+$0x0] =	vst.idx.msk vm1, v15  }
0x251: {  	v15 =	vld.idx.msk [tilespmem:v16+s2+$0x0], $0xffff  }
0x252: {  	v17 =	vor.u32 s16, v2  }
0x253: {  	v18 =	vshll.u32 v17, $0x3  }
0x254: {  	v19 =	vor.u32 v11, v18;
	_ =	sdelay $0x1  }
0x255: {  	v20 =	vor.u32 v10, v18  }
0x256: {  	v21 =	vor.u32 v9, v18;
	v15 =	vmax.bf16 v15, v24  }
0x257: {  	[tilespmem:v16+s2+$0x0] =	vst.idx.msk vm1, v15;
	v15 =	vand.u32 v13, v17  }
0x258: {  	v16 =	vor.u32 v8, v18;
	v17 =	vld.idx.msk [tilespmem:v19+s25+$0x0], $0xffff  }
0x259: {  	v22 =	vmov s16;
	v23 =	vor.u32 v7, v18;
	v19 =	vld [tilespmem:s14+$0x0]  }
0x25a: {  	v22 =	vshll.u32 v22, $0x3;
	v24 =	vor.u32 v6, v18;
	v20 =	vld.idx.msk [tilespmem:v20+s25+$0x0], $0xffff  }
0x25b: {  	v22 =	vor.u32 v5, v22;
	v25 =	vor.u32 v3, v18;
	v21 =	vld.idx.msk [tilespmem:v21+s25+$0x0], $0xffff  }
0x25c: {  	v26 =	vor.u32 v3, v22;
	v15 =	vld.idx.msk [tilespmem:v15+s24+$0x0], $0xffff  }
0x25d: {  	v27 =	vor.u32 v12, v22;
	v16 =	vld.idx.msk [tilespmem:v16+s25+$0x0], $0xffff  }
0x25e: {  	v18 =	vor.u32 v12, v18;
	v23 =	vld.idx.msk [tilespmem:v23+s25+$0x0], $0xffff;
	v28 =	vshll.u32 v19, $0x3  }
0x25f: {  	v24 =	vld.idx.msk [tilespmem:v24+s25+$0x0], $0xffff;
	v29 =	vor.u32 v3, v28  }
0x260: {  	v30 =	vor.u32 v10, v22;
	v25 =	vld.idx.msk [tilespmem:v25+s25+$0x0], $0xffff  }
0x261: {  	v31 =	vor.u32 v9, v22;
	v26 =	vld.idx.msk [tilespmem:v26+s25+$0x0], $0xffff  }
0x262: {  	vm2 =	veq.s32 v19, v15;
	v15 =	vor.u32 v8, v22;
	v19 =	vld.idx.msk [tilespmem:v27+s25+$0x0], $0xffff  }
0x263: {  	vm1 =	vmand vm2, vm0;
	v27 =	vor.u32 v7, v22;
	v18 =	vld.idx.msk [tilespmem:v18+s25+$0x0], $0xffff  }
0x264: {  	v32 =	vor.u32 v6, v22;
	v33 =	vld.idx.msk [tilespmem:v29+s2+$0x0], $0xffff  }
0x265: {  	v22 =	vor.u32 v11, v22;
	vm1 =	vmneg vm1;
	v30 =	vld.idx.msk [tilespmem:v30+s25+$0x0], $0xffff  }
0x266: {  	v31 =	vld.idx.msk [tilespmem:v31+s25+$0x0], $0xffff  }
0x267: {  	v34 =	vld.idx.msk [tilespmem:v15+s25+$0x0], $0xffff;
	v15 =	vmax.bf16 v26, v25;
	v25 =	vor.u32 v6, v28  }
0x268: {  	v27 =	vld.idx.msk [tilespmem:v27+s25+$0x0], $0xffff;
	v15 =	vsel vm2, v15, v26  }
0x269: {  	v18 =	vmax.bf16 v19, v18;
	v26 =	vld.idx.msk [tilespmem:v32+s25+$0x0], $0xffff  }
0x26a: {  	v32 =	vmax.bf16 v33, v15;
	v15 =	vsel vm2, v18, v19;
	v22 =	vld.idx.msk [tilespmem:v22+s25+$0x0], $0xffff  }
0x26b: {  	v18 =	vmax.bf16 v30, v20;
	[tilespmem:v29+s2+$0x0] =	vst.idx.msk vm1, v32  }
0x26c: {  	v20 =	vmax.bf16 v31, v21;
	v18 =	vsel vm2, v18, v30;
	v19 =	vld.idx.msk [tilespmem:v25+s2+$0x0], $0xffff  }
0x26d: {  	v16 =	vmax.bf16 v34, v16;
	v20 =	vsel vm2, v20, v31  }
0x26e: {  	v21 =	vmax.bf16 v27, v23;
	v16 =	vsel vm2, v16, v34  }
0x26f: {  	v23 =	vmax.bf16 v26, v24;
	v21 =	vsel vm2, v21, v27;
	v24 =	vor.u32 v7, v28  }
0x270: {  	v23 =	vsel vm2, v23, v26;
	v17 =	vmax.bf16 v22, v17  }
0x271: {  	v17 =	vsel vm2, v17, v22  }
0x272: {  	v19 =	vmax.bf16 v19, v23  }
0x273: {  	[tilespmem:v25+s2+$0x0] =	vst.idx.msk vm1, v19  }
0x274: {  	v19 =	vld.idx.msk [tilespmem:v24+s2+$0x0], $0xffff;
	_ =	sdelay $0x2  }
0x275: {  	v22 =	vor.u32 v8, v28;
	_ =	sdelay $0x2  }
0x276: {  	v19 =	vmax.bf16 v19, v21  }
0x277: {  	[tilespmem:v24+s2+$0x0] =	vst.idx.msk vm1, v19  }
0x278: {  	v19 =	vld.idx.msk [tilespmem:v22+s2+$0x0], $0xffff;
	_ =	sdelay $0x2  }
0x279: {  	v21 =	vor.u32 v9, v28;
	_ =	sdelay $0x2  }
0x27a: {  	v16 =	vmax.bf16 v19, v16  }
0x27b: {  	[tilespmem:v22+s2+$0x0] =	vst.idx.msk vm1, v16  }
0x27c: {  	v16 =	vld.idx.msk [tilespmem:v21+s2+$0x0], $0xffff;
	_ =	sdelay $0x2  }
0x27d: {  	v19 =	vor.u32 v10, v28;
	_ =	sdelay $0x2  }
0x27e: {  	v16 =	vmax.bf16 v16, v20  }
0x27f: {  	[tilespmem:v21+s2+$0x0] =	vst.idx.msk vm1, v16  }
0x280: {  	v16 =	vld.idx.msk [tilespmem:v19+s2+$0x0], $0xffff;
	_ =	sdelay $0x2  }
0x281: {  	v20 =	vor.u32 v11, v28;
	_ =	sdelay $0x2  }
0x282: {  	v16 =	vmax.bf16 v16, v18  }
0x283: {  	[tilespmem:v19+s2+$0x0] =	vst.idx.msk vm1, v16  }
0x284: {  	v18 =	vld.idx.msk [tilespmem:v20+s2+$0x0], $0xffff;
	_ =	sdelay $0x2  }
0x285: {  	v16 =	vor.u32 v12, v28  }
.Ltmp2:
0x286: {  	(pc) =	sbr.rel @p1 .LBB2_7-.Ltmp2, $4  }
0x287: {  	_ = 	snop  }
0x288: {  	v17 =	vmax.bf16 v18, v17  }
0x289: {  	[tilespmem:v20+s2+$0x0] =	vst.idx.msk vm1, v17  }
0x28a: {  	s16 =	sadd.s32 $0x20, s16;
	v17 =	vld.idx.msk [tilespmem:v16+s2+$0x0], $0xffff  }
0x28b: {  	s17 =	sadd.s32 $0xFFFFFFF0, s16  }
0x28c: {  	v18 =	vor.u32 s17, v2  }
0x28d: {  	v19 =	vand.u32 v4, v18;
	v18 =	vshll.u32 v18, $0x3  }
0x28e: {  	v21 =	vor.u32 v3, v18  }
0x28f: {  	v22 =	vor.u32 v6, v18;
	v15 =	vmax.bf16 v17, v15  }
0x290: {  	s14 =	sadd.s32 $0x20, s14;
	v24 =	vor.u32 v10, v18;
	[tilespmem:v16+s2+$0x0] =	vst.idx.msk vm1, v15  }
0x291: {  	v25 =	vor.u32 v9, v18;
	v23 =	vld [tilespmem:s14+$0xFFFFFFF0]  }
0x292: {  	v26 =	vor.u32 v8, v18;
	v16 =	vld.idx.msk [tilespmem:v19+s24+$0x0], $0xffff  }
0x293: {  	v20 =	vmov s17;
	v32 =	vor.u32 v7, v18;
	v21 =	vld.idx.msk [tilespmem:v21+s25+$0x0], $0xffff  }
0x294: {  	v20 =	vshll.u32 v20, $0x3;
	v34 =	vor.u32 v12, v18;
	v22 =	vld.idx.msk [tilespmem:v22+s25+$0x0], $0xffff  }
0x295: {  	v20 =	vor.u32 v5, v20;
	v18 =	vor.u32 v11, v18;
	v24 =	vld.idx.msk [tilespmem:v24+s25+$0x0], $0xffff  }
0x296: {  	v53 =	vor.u32 v3, v20;
	v25 =	vld.idx.msk [tilespmem:v25+s25+$0x0], $0xffff  }
0x297: {  	v52 =	vor.u32 v10, v20;
	v26 =	vld.idx.msk [tilespmem:v26+s25+$0x0], $0xffff;
	v29 =	vshll.u32 v23, $0x3  }
0x298: {  	v57 =	vld.idx.msk [tilespmem:v32+s25+$0x0], $0xffff;
	v30 =	vor.u32 v3, v29  }
0x299: {  	v27 =	vor.u32 v7, v20;
	v34 =	vld.idx.msk [tilespmem:v34+s25+$0x0], $0xffff  }
0x29a: {  	v28 =	vor.u32 v6, v20;
	v18 =	vld.idx.msk [tilespmem:v18+s25+$0x0], $0xffff  }
0x29b: {  	v31 =	vor.u32 v11, v20;
	v19 =	vld.idx.msk [tilespmem:v53+s25+$0x0], $0xffff;
	vm1 =	veq.s32 v23, v16  }
0x29c: {  	v33 =	vor.u32 v8, v20;
	v17 =	vld.idx.msk [tilespmem:v52+s25+$0x0], $0xffff;
	vm2 =	vmand vm1, vm0  }
0x29d: {  	v15 =	vor.u32 v9, v20;
	vm2 =	vmneg vm2;
	v55 =	vld.idx.msk [tilespmem:v30+s2+$0x0], $0xffff  }
0x29e: {  	v20 =	vor.u32 v12, v20;
	v27 =	vld.idx.msk [tilespmem:v27+s25+$0x0], $0xffff  }
0x29f: {  	v54 =	vld.idx.msk [tilespmem:v28+s25+$0x0], $0xffff;
	v58 =	vor.u32 v6, v29  }
0x2a0: {  	v56 =	vld.idx.msk [tilespmem:v31+s25+$0x0], $0xffff;
	v21 =	vmax.bf16 v19, v21  }
0x2a1: {  	v33 =	vld.idx.msk [tilespmem:v33+s25+$0x0], $0xffff;
	v19 =	vsel vm1, v21, v19  }
0x2a2: {  	v15 =	vld.idx.msk [tilespmem:v15+s25+$0x0], $0xffff;
	v19 =	vmax.bf16 v55, v19  }
0x2a3: {  	v20 =	vld.idx.msk [tilespmem:v20+s25+$0x0], $0xffff;
	[tilespmem:v30+s2+$0x0] =	vst.idx.msk vm2, v19  }
0x2a4: {  	v19 =	vld.idx.msk [tilespmem:v58+s2+$0x0], $0xffff;
	_ =	sdelay $0x1  }
0x2a5: {  	v59 =	vor.u32 v7, v29  }
0x2a6: {  	v22 =	vmax.bf16 v54, v22  }
0x2a7: {  	v16 =	vsel vm1, v22, v54  }
0x2a8: {  	v16 =	vmax.bf16 v19, v16  }
0x2a9: {  	[tilespmem:v58+s2+$0x0] =	vst.idx.msk vm2, v16  }
0x2aa: {  	v16 =	vld.idx.msk [tilespmem:v59+s2+$0x0], $0xffff;
	_ =	sdelay $0x1  }
0x2ab: {  	v60 =	vor.u32 v8, v29  }
0x2ac: {  	v61 =	vmax.bf16 v27, v57  }
0x2ad: {  	v22 =	vsel vm1, v61, v27  }
0x2ae: {  	v16 =	vmax.bf16 v16, v22  }
0x2af: {  	[tilespmem:v59+s2+$0x0] =	vst.idx.msk vm2, v16  }
0x2b0: {  	v16 =	vld.idx.msk [tilespmem:v60+s2+$0x0], $0xffff;
	_ =	sdelay $0x1  }
0x2b1: {  	v62 =	vor.u32 v9, v29  }
0x2b2: {  	v63 =	vmax.bf16 v33, v26  }
0x2b3: {  	v22 =	vsel vm1, v63, v33  }
0x2b4: {  	v16 =	vmax.bf16 v16, v22  }
0x2b5: {  	[tilespmem:v60+s2+$0x0] =	vst.idx.msk vm2, v16  }
0x2b6: {  	v16 =	vld.idx.msk [tilespmem:v62+s2+$0x0], $0xffff;
	_ =	sdelay $0x1  }
0x2b7: {  	v26 =	vor.u32 v10, v29  }
0x2b8: {  	v27 =	vmax.bf16 v15, v25  }
0x2b9: {  	v15 =	vsel vm1, v27, v15  }
0x2ba: {  	v15 =	vmax.bf16 v16, v15  }
0x2bb: {  	[tilespmem:v62+s2+$0x0] =	vst.idx.msk vm2, v15  }
0x2bc: {  	v15 =	vld.idx.msk [tilespmem:v26+s2+$0x0], $0xffff;
	_ =	sdelay $0x1  }
0x2bd: {  	v30 =	vor.u32 v11, v29  }
0x2be: {  	v31 =	vmax.bf16 v17, v24  }
0x2bf: {  	v17 =	vsel vm1, v31, v17  }
0x2c0: {  	v15 =	vmax.bf16 v15, v17  }
0x2c1: {  	[tilespmem:v26+s2+$0x0] =	vst.idx.msk vm2, v15  }
0x2c2: {  	v15 =	vld.idx.msk [tilespmem:v30+s2+$0x0], $0xffff;
	_ =	sdelay $0x1  }
0x2c3: {  	v32 =	vor.u32 v12, v29  }
0x2c4: {  	v18 =	vmax.bf16 v56, v18  }
0x2c5: {  	v18 =	vsel vm1, v18, v56  }
0x2c6: {  	v15 =	vmax.bf16 v15, v18  }
0x2c7: {  	[tilespmem:v30+s2+$0x0] =	vst.idx.msk vm2, v15  }
0x2c8: {  	v33 =	vor.u32 s16, v2;
	v15 =	vld.idx.msk [tilespmem:v32+s2+$0x0], $0xffff  }
0x2c9: {  	v35 =	vshll.u32 v33, $0x3  }
0x2ca: {  	v36 =	vor.u32 v11, v35  }
0x2cb: {  	v37 =	vmax.bf16 v20, v34  }
0x2cc: {  	v20 =	vsel vm1, v37, v20;
	v38 =	vor.u32 v10, v35  }
0x2cd: {  	v39 =	vor.u32 v9, v35;
	v15 =	vmax.bf16 v15, v20  }
0x2ce: {  	v40 =	vor.u32 v8, v35;
	[tilespmem:v32+s2+$0x0] =	vst.idx.msk vm2, v15  }
0x2cf: {  	v15 =	vand.u32 v13, v33;
	v17 =	vld.idx.msk [tilespmem:v36+s25+$0x0], $0xffff  }
0x2d0: {  	v42 =	vmov s16;
	v43 =	vor.u32 v7, v35;
	v41 =	vld [tilespmem:s14+$0x0]  }
0x2d1: {  	v44 =	vor.u32 v6, v35;
	v22 =	vshll.u32 v42, $0x3;
	v21 =	vld.idx.msk [tilespmem:v38+s25+$0x0], $0xffff  }
0x2d2: {  	v45 =	vor.u32 v3, v35;
	v22 =	vor.u32 v5, v22;
	v20 =	vld.idx.msk [tilespmem:v39+s25+$0x0], $0xffff  }
0x2d3: {  	v46 =	vor.u32 v3, v22;
	v16 =	vld.idx.msk [tilespmem:v40+s25+$0x0], $0xffff  }
0x2d4: {  	v47 =	vor.u32 v12, v22;
	v15 =	vld.idx.msk [tilespmem:v15+s24+$0x0], $0xffff  }
0x2d5: {  	v18 =	vor.u32 v12, v35;
	v23 =	vld.idx.msk [tilespmem:v43+s25+$0x0], $0xffff;
	v48 =	vshll.u32 v41, $0x3  }
0x2d6: {  	v24 =	vld.idx.msk [tilespmem:v44+s25+$0x0], $0xffff;
	v49 =	vor.u32 v3, v48  }
0x2d7: {  	v50 =	vor.u32 v10, v22;
	v25 =	vld.idx.msk [tilespmem:v45+s25+$0x0], $0xffff  }
0x2d8: {  	v51 =	vor.u32 v9, v22;
	v26 =	vld.idx.msk [tilespmem:v46+s25+$0x0], $0xffff  }
0x2d9: {  	v52 =	vor.u32 v8, v22;
	v27 =	vld.idx.msk [tilespmem:v47+s25+$0x0], $0xffff;
	vm1 =	veq.s32 v41, v15  }
0x2da: {  	v53 =	vor.u32 v6, v22;
	v18 =	vld.idx.msk [tilespmem:v18+s25+$0x0], $0xffff;
	vm2 =	vmand vm1, vm0  }
0x2db: {  	v15 =	vor.u32 v7, v22;
	v54 =	vld.idx.msk [tilespmem:v49+s2+$0x0], $0xffff;
	vm2 =	vmneg vm2  }
0x2dc: {  	v30 =	vld.idx.msk [tilespmem:v50+s25+$0x0], $0xffff;
	v22 =	vor.u32 v11, v22  }
0x2dd: {  	v31 =	vld.idx.msk [tilespmem:v51+s25+$0x0], $0xffff;
	v55 =	vor.u32 v6, v48  }
0x2de: {  	v32 =	vld.idx.msk [tilespmem:v52+s25+$0x0], $0xffff;
	v25 =	vmax.bf16 v26, v25  }
0x2df: {  	v19 =	vld.idx.msk [tilespmem:v53+s25+$0x0], $0xffff;
	v25 =	vsel vm1, v25, v26  }
0x2e0: {  	v15 =	vld.idx.msk [tilespmem:v15+s25+$0x0], $0xffff;
	v25 =	vmax.bf16 v54, v25  }
0x2e1: {  	v22 =	vld.idx.msk [tilespmem:v22+s25+$0x0], $0xffff;
	[tilespmem:v49+s2+$0x0] =	vst.idx.msk vm2, v25  }
0x2e2: {  	v25 =	vld.idx.msk [tilespmem:v55+s2+$0x0], $0xffff;
	_ =	sdelay $0x1  }
0x2e3: {  	v56 =	vor.u32 v7, v48  }
0x2e4: {  	v24 =	vmax.bf16 v19, v24  }
0x2e5: {  	v19 =	vsel vm1, v24, v19  }
0x2e6: {  	v19 =	vmax.bf16 v25, v19  }
0x2e7: {  	[tilespmem:v55+s2+$0x0] =	vst.idx.msk vm2, v19  }
0x2e8: {  	v19 =	vld.idx.msk [tilespmem:v56+s2+$0x0], $0xffff;
	_ =	sdelay $0x1  }
0x2e9: {  	v57 =	vor.u32 v8, v48  }
0x2ea: {  	v23 =	vmax.bf16 v15, v23  }
0x2eb: {  	v15 =	vsel vm1, v23, v15  }
0x2ec: {  	v15 =	vmax.bf16 v19, v15  }
0x2ed: {  	[tilespmem:v56+s2+$0x0] =	vst.idx.msk vm2, v15  }
0x2ee: {  	v15 =	vld.idx.msk [tilespmem:v57+s2+$0x0], $0xffff;
	_ =	sdelay $0x1  }
0x2ef: {  	v58 =	vor.u32 v9, v48  }
0x2f0: {  	v16 =	vmax.bf16 v32, v16  }
0x2f1: {  	v16 =	vsel vm1, v16, v32  }
0x2f2: {  	v15 =	vmax.bf16 v15, v16  }
0x2f3: {  	[tilespmem:v57+s2+$0x0] =	vst.idx.msk vm2, v15  }
0x2f4: {  	v15 =	vld.idx.msk [tilespmem:v58+s2+$0x0], $0xffff;
	_ =	sdelay $0x1  }
0x2f5: {  	v59 =	vor.u32 v10, v48  }
0x2f6: {  	v20 =	vmax.bf16 v31, v20  }
0x2f7: {  	v20 =	vsel vm1, v20, v31  }
0x2f8: {  	v15 =	vmax.bf16 v15, v20  }
0x2f9: {  	[tilespmem:v58+s2+$0x0] =	vst.idx.msk vm2, v15  }
0x2fa: {  	v15 =	vld.idx.msk [tilespmem:v59+s2+$0x0], $0xffff;
	_ =	sdelay $0x1  }
0x2fb: {  	v60 =	vor.u32 v11, v48  }
0x2fc: {  	v61 =	vmax.bf16 v30, v21  }
0x2fd: {  	v20 =	vsel vm1, v61, v30  }
0x2fe: {  	v15 =	vmax.bf16 v15, v20  }
0x2ff: {  	[tilespmem:v59+s2+$0x0] =	vst.idx.msk vm2, v15  }
0x300: {  	v15 =	vld.idx.msk [tilespmem:v60+s2+$0x0], $0xffff;
	_ =	sdelay $0x1  }
0x301: {  	v62 =	vor.u32 v12, v48  }
0x302: {  	v17 =	vmax.bf16 v22, v17  }
0x303: {  	v17 =	vsel vm1, v17, v22  }
0x304: {  	v15 =	vmax.bf16 v15, v17  }
0x305: {  	[tilespmem:v60+s2+$0x0] =	vst.idx.msk vm2, v15  }
0x306: {  	v15 =	vld.idx.msk [tilespmem:v62+s2+$0x0], $0xffff;
	_ =	sdelay $0x1  }
.Ltmp3:
0x307: {  	_ = 	snop;
	(pc) =	sbr.rel @p0 .LBB2_10-.Ltmp3, $4  }
0x308: {  	v63 =	vmax.bf16 v27, v18  }
0x309: {  	v17 =	vsel vm1, v63, v27  }
0x30a: {  	v15 =	vmax.bf16 v15, v17  }
0x30b: {  	[tilespmem:v62+s2+$0x0] =	vst.idx.msk vm2, v15  }
0x30c: {  	s14 =	smul.u32 $0x640, s10;
	_ =	sdelay $0x1  }
0x30d: {  	s14 =	sadd.s32 s14, s13  }
0x30e: {  	s16 =	sshrl.u32 s14, $0x3;
	s14 =	sshll.u32 s14, $0x6  }
.Ltmp4:
0x30f: {  	s16 =	sadd.s32 s5, s16;
	s14 =	sor.u32 s6, s14;
	(pc) =	sbr.rel .LBB2_4-.Ltmp4, $4  }
0x310: {  	[tilespmem:s24], [sflag:$0x4] =	stream.linear.gather [hbm4b:s16+s2], $0x320, $0x38;
	[tilespmem:$0x1DE20] =	vst v63  }
0x311: {  	s14 =	sshrl.u32 s14, $0x3  }
0x312: {  	s10 =	sadd.s32 $0x1, s10;
	s14 =	sadd.s32 s4, s14  }
0x313: {  	[tilespmem:s25], [sflag:$0x2] =	stream.strided.gather [hbm4b:s14+s21], $0x1900, s22, s21, $0x38;
	[tilespmem:$0x1DE20] =	vst v63  }
.LBB2_10:
0x314: {  	s10 =	simm.s32 $0x0;
	s14 =	rddreg [dreg:$0x7]  }
0x315: {  	[hbm4b:s14+s10] =	stream.linear.scatter [tilespmem:s10], [sflag:$0x5], $0x13880, $0x38;
	[tilespmem:$0x1DE20] =	vst v63  }
0x316: {  	_ =	swait.ge [sflag:s31], $0x13880  }
0x317: {  	[sflag:s31] =	ssyncset.done $0x0  }
0x318: {  	[sflag:s31] =	ssyncadd.s32 $0xFFFEC780  }
0x319: {  	[bflag:$0x0] =	sbarrier.arrive $0xFFFF  }
0x31a: {  	s18 =	rddreg [dreg:$0x8]  }
0x31b: {  	[tilespmem:s0], [sflag:$0x5] =	stream.linear.gather [hbm4b:s18+s10], $0x4E20, $0x38;
	[tilespmem:$0x1DE20] =	vst v63  }
0x31c: {  	_ =	swait.ge [sflag:s31], $0x4E20  }
0x31d: {  	[sflag:s31] =	ssyncset.done $0x0  }
0x31e: {  	s14 =	simm.s32 $0x40;
	s10 =	simm.s32 $0x0;
	[sflag:s31] =	ssyncadd.s32 $0xFFFFB1E0  }
.LBB2_11:
0x31f: {  	p0 =	sne.s32 s14, $0x13840;
	v15 =	vld.idx.msk [tilespmem:v14+s10+$0x0 ss:$0x1], $0xffff  }
0x320: {  	v16 =	vld [tilespmem:s10+$0x170C0];
	_ =	sdelay $0x1  }
.Ltmp5:
0x321: {  	(pc) =	sbr.rel @p0 .LBB2_11-.Ltmp5, $3  }
0x322: {  	_ =	sdelay $0x1  }
0x323: {  	v15 =	vmax.bf16 v15, v16  }
0x324: {  	[tilespmem:v14+s10+$0x0 ss:$0x1] =	vst.idx.msk $0xffff, v15;
	s10 =	sshra.s32 s14, $0x2;
	s14 =	sadd.s32 $0x40, s14  }
0x325: {  	_ =	sdelay $0x3  }
0x326: {  	v15 =	vld.idx.msk [tilespmem:v14+s10+$0x0 ss:$0x1], $0xffff  }
0x327: {  	v16 =	vld [tilespmem:s10+$0x170C0];
	_ =	sdelay $0x4  }
0x328: {  	v15 =	vmax.bf16 v15, v16  }
0x329: {  	s18 =	simm.s32 $0x0;
	s14 =	rddreg [dreg:$0x9];
	[tilespmem:v14+s10+$0x0 ss:$0x1] =	vst.idx.msk $0xffff, v15  }
0x32a: {  	[tilespmem:s0], [sflag:$0x5] =	stream.linear.gather [hbm4b:s14+s18], $0x4E20, $0x38;
	[tilespmem:$0x1DE20] =	vst v63  }
0x32b: {  	_ =	swait.ge [sflag:s31], $0x4E20  }
0x32c: {  	[sflag:s31] =	ssyncset.done $0x0  }
0x32d: {  	s10 =	simm.s32 $0x0;
	s14 =	simm.s32 $0x40;
	[sflag:s31] =	ssyncadd.s32 $0xFFFFB1E0  }
.LBB2_13:
0x32e: {  	p0 =	sne.s32 s14, $0x13840;
	v15 =	vld.idx.msk [tilespmem:v14+s10+$0x0 ss:$0x1], $0xffff  }
0x32f: {  	v16 =	vld [tilespmem:s10+$0x170C0];
	_ =	sdelay $0x1  }
.Ltmp6:
0x330: {  	(pc) =	sbr.rel @p0 .LBB2_13-.Ltmp6, $3  }
0x331: {  	_ =	sdelay $0x1  }
0x332: {  	v15 =	vmax.bf16 v15, v16  }
0x333: {  	[tilespmem:v14+s10+$0x0 ss:$0x1] =	vst.idx.msk $0xffff, v15;
	s10 =	sshra.s32 s14, $0x2;
	s14 =	sadd.s32 $0x40, s14  }
0x334: {  	_ =	sdelay $0x3  }
0x335: {  	v15 =	vld.idx.msk [tilespmem:v14+s10+$0x0 ss:$0x1], $0xffff  }
0x336: {  	v16 =	vld [tilespmem:s10+$0x170C0];
	_ =	sdelay $0x4  }
0x337: {  	v15 =	vmax.bf16 v15, v16  }
0x338: {  	s14 =	rddreg [dreg:$0xa];
	[tilespmem:v14+s10+$0x0 ss:$0x1] =	vst.idx.msk $0xffff, v15;
	s10 =	simm.s32 $0x0  }
0x339: {  	[tilespmem:s0], [sflag:$0x5] =	stream.linear.gather [hbm4b:s14+s10], $0x4E20, $0x38;
	[tilespmem:$0x1DE20] =	vst v63  }
0x33a: {  	_ =	swait.ge [sflag:s31], $0x4E20  }
0x33b: {  	[sflag:s31] =	ssyncset.done $0x0  }
0x33c: {  	s16 =	simm.s32 $0x40;
	s14 =	simm.s32 $0x0;
	[sflag:s31] =	ssyncadd.s32 $0xFFFFB1E0  }
.LBB2_15:
0x33d: {  	p0 =	sne.s32 s16, $0x13840;
	v15 =	vld.idx.msk [tilespmem:v14+s14+$0x0 ss:$0x1], $0xffff  }
0x33e: {  	v16 =	vld [tilespmem:s14+$0x170C0];
	_ =	sdelay $0x1  }
.Ltmp7:
0x33f: {  	(pc) =	sbr.rel @p0 .LBB2_15-.Ltmp7, $3  }
0x340: {  	_ =	sdelay $0x1  }
0x341: {  	v15 =	vmax.bf16 v15, v16  }
0x342: {  	[tilespmem:v14+s14+$0x0 ss:$0x1] =	vst.idx.msk $0xffff, v15;
	s14 =	sshra.s32 s16, $0x2;
	s16 =	sadd.s32 $0x40, s16  }
0x343: {  	_ =	sdelay $0x3  }
0x344: {  	v15 =	vld.idx.msk [tilespmem:v14+s14+$0x0 ss:$0x1], $0xffff  }
0x345: {  	v16 =	vld [tilespmem:s14+$0x170C0];
	_ =	sdelay $0x4  }
0x346: {  	v15 =	vmax.bf16 v15, v16  }
0x347: {  	[tilespmem:v14+s14+$0x0 ss:$0x1] =	vst.idx.msk $0xffff, v15;
	s14 =	smov.u32 s11  }
.LBB2_17:
0x348: {  	s16 =	simm.s32 $0x0;
	v15 =	vshrl.u32 v1, $0x3  }
0x349: {  	s17 =	simm.s32 $0x2;
	v16 =	vmov s16;
	v15 =	vmul.u32 $0x8, v15;
	s16 =	smov.u32 s14  }
.LBB2_18:
0x34a: {  	p0 =	sne.s32 s17, $0x1F2;
	v17 =	vld [tilespmem:s16+$0x0];
	v16 =	vshll.u32 v16, $0x3  }
0x34b: {  	v16 =	vor.u32 v15, v16  }
0x34c: {  	v18 =	vor.u32 v3, v16;
	_ =	sdelay $0x1  }
.Ltmp8:
0x34d: {  	(pc) =	sbr.rel @p0 .LBB2_18-.Ltmp8, $4  }
0x34e: {  	v16 =	vshll.u32 v17, $0x10;
	v17 =	vand.u32 $0xFFFF0000, v17  }
0x34f: {  	v16 =	vmax.f32 v16, $0.0e+00  }
0x350: {  	v17 =	vmax.f32 v17, $0.0e+00;
	[tilespmem:v18+s3+$0x0] =	vst.idx.msk $0xffff, v16  }
0x351: {  	s16 =	sadd.s32 $0x10, s16;
	v16 =	vmov s17;
	s17 =	sadd.s32 $0x2, s17;
	[tilespmem:v18+s7+$0x0] =	vst.idx.msk $0xffff, v17  }
0x352: {  	v17 =	vld [tilespmem:s16+$0x0];
	v16 =	vshll.u32 v16, $0x3  }
0x353: {  	v15 =	vor.u32 v15, v16  }
0x354: {  	s18 =	smul.u32 $0x1F4, s10;
	v15 =	vor.u32 v3, v15;
	_ =	sdelay $0x1  }
0x355: {  	s16 =	sadd.s32 s15, s18  }
0x356: {  	s16 =	sshll.u32 s16, $0x7;
	v63 =	vshll.u32 v17, $0x10  }
0x357: {  	s16 =	sor.u32 s6, s16;
	v17 =	vand.u32 $0xFFFF0000, v17;
	v16 =	vmax.f32 v63, $0.0e+00  }
0x358: {  	s16 =	sshrl.u32 s16, $0x3;
	v17 =	vmax.f32 v17, $0.0e+00;
	[tilespmem:v15+s3+$0x0] =	vst.idx.msk $0xffff, v16  }
0x359: {  	s16 =	sadd.s32 s1, s16;
	[tilespmem:v15+s7+$0x0] =	vst.idx.msk $0xffff, v17  }
0x35a: {  	[hbm4b:s16+s21] =	stream.strided.scatter [tilespmem:s3], [sflag:$0x5], $0xFA0, s8, s21, $0x38;
	[tilespmem:$0x1DE20] =	vst v63  }
0x35b: {  	s10 =	sadd.s32 $0x1, s10;
	_ =	swait.ge [sflag:s31], $0xFA0  }
0x35c: {  	p0 =	sne.s32 s10, $0x5;
	[sflag:s31] =	ssyncset.done $0x0  }
.Ltmp9:
0x35d: {  	s16 =	sadd.s32 $0x8, s16;
	[sflag:s31] =	ssyncadd.s32 $0xFFFFF060;
	(pc) =	sbr.rel @p0 .LBB2_17-.Ltmp9, $4  }
0x35e: {  	[hbm4b:s16+s21] =	stream.strided.scatter [tilespmem:s7], [sflag:$0x5], $0xFA0, s8, s21, $0x38;
	[tilespmem:$0x1DE20] =	vst v63  }
0x35f: {  	_ =	swait.ge [sflag:s31], $0xFA0  }
0x360: {  	[sflag:s31] =	ssyncset.done $0x0  }
0x361: {  	s14 =	sadd.s32 $0xFA0, s14;
	[sflag:s31] =	ssyncadd.s32 $0xFFFFF060  }
0x362: {  	s9 =	sadd.s32 $0x1, s9  }
0x363: {  	p0 =	sne.s32 s9, s19  }
.Ltmp10:
0x364: {  	_ = 	snop;
	(pc) =	sbr.rel @p0 .LBB2_1-.Ltmp10, $1  }
0x365: {  	_ =	sdelay $0x3  }
0x366: {  	_ =	sfence.sel $0x180000  }
0x367: {  	[bflag:$0x0] =	sbarrier.arrive $0xFFFF  }
0x368: {  	_ =	strace $0x9000004A  }
0x369: {  	s0 =	stileid.u32;
	[bflag:$0x2] =	sbarrier.arrive $0xFFFF  }
0x36a: {  	p0 =	sne.s32 s0, $0x0;
	s0 =	rddreg [dreg:$0x2]  }
0x36b: {  	s0 =	sadd.s32 @!p0 $0x100000, s0  }
0x36c: {  	[sflag:s0] =	ssyncadd.tile.s32 @!p0 $0x1;
	_ =	shalt  }
.Lfunc_end2:
_tile_overlayer_lowered:
.L_overlay_start_2:
0x36d: {  	(tag) =	ssettag $0x2  }
0x36e: {  	s0 =	rddreg [dreg:$0x0];
	s2 =	stileid.u32  }
0x36f: {  	s1 =	rddreg [dreg:$0x1];
	p0 =	sne.s32 s2, $0x0  }
0x370: {  	s3 =	rddreg [dreg:$0x2];
	[bflag:$0x3] =	sbarrier.arrive $0xFFFF;
	s2 =	simm.s32 @!p0 $0x1C05  }
0x371: {  	[timem:s3], [sflag:s2] =	dma.local @!p0 [hbm:s0], s1  }
0x372: {  	s0 =	simm.s32 @!p0 $0x5  }
0x373: {  	_ =	swait.ge @!p0 [sflag:s0], s1  }
0x374: {  	s1 =	ssub.s32 @!p0 $0x0, s1;
	[sflag:s0] =	ssyncset.done @!p0 $0x0  }
0x375: {  	[sflag:s0] =	ssyncadd.s32 @!p0 s1  }
0x376: {  	[bflag:$0x3] =	sbarrier.arrive $0xFFFF  }
0x377: {  	_ =	shalt  }

</sc_bundles>
